<compile_context>
chip_gen: v7x
topology: tpu7x:2x2x1
jax: 0.10.2.dev20260603
libtpu: 0.0.44.dev20260713+nightly
codegen_flags: <defaults>
</compile_context>

<pallas_src>
import functools

import jax
import jax.numpy as jnp
from jax import lax
from jax.experimental import pallas as pl
from jax.experimental.pallas import tpu as pltpu
from jax.experimental.pallas import tpu_sc as plsc

N = 10000
E = 320000
D = 128
NB = 8
NS = 10
H = 64
R_CUT = 5.0

NW = 32
CHUNK = 64
NCHUNK = 158
ET_PAD = CHUNK * NCHUNK
E_PAD = NW * ET_PAD
N_PAD = 10240
DUMMY_ROW = N_PAD - 8
ROWS_PER_TILE = N_PAD // 16

_mesh = plsc.VectorSubcoreMesh(
    core_axis_name="c", subcore_axis_name="s", num_cores=2, num_subcores=16
)
_SC_PARAMS = pltpu.CompilerParams(needs_layout_passes=False)


_GEOM_KW = dict(
    out_type=jax.ShapeDtypeStruct((E_PAD,), jnp.float32),
    mesh=_mesh,
    compiler_params=_SC_PARAMS,
    scratch_types=[
        pltpu.VMEM((3 * N,), jnp.float32),
        pltpu.VMEM((ET_PAD,), jnp.int32),
        pltpu.VMEM((ET_PAD,), jnp.int32),
        pltpu.VMEM((ET_PAD,), jnp.float32),
    ],
)


def _sc_geom_body(pos_hbm, src_hbm, dst_hbm, r2_hbm, pos_v, src_v, dst_v, r2_v):
    cid = lax.axis_index("c")
    sid = lax.axis_index("s")
    wid = cid * 16 + sid
    base = wid * ET_PAD
    pltpu.sync_copy(pos_hbm, pos_v)
    pltpu.sync_copy(src_hbm.at[pl.ds(base, ET_PAD)], src_v)
    pltpu.sync_copy(dst_hbm.at[pl.ds(base, ET_PAD)], dst_v)

    def body(j, carry):
        sl = pl.ds(j * 16, 16)
        s3 = src_v[sl] * 3
        d3 = dst_v[sl] * 3
        acc = jnp.zeros((16,), jnp.float32)
        for c in range(3):
            ps = plsc.load_gather(pos_v, [s3 + c])
            pd = plsc.load_gather(pos_v, [d3 + c])
            df = ps - pd
            acc = acc + df * df
        r2_v[sl] = acc
        return carry

    lax.fori_loop(0, ET_PAD // 16, body, 0)
    pltpu.sync_copy(r2_v, r2_hbm.at[pl.ds(base, ET_PAD)])


_sc_geom = pl.kernel(_sc_geom_body, **_GEOM_KW)


_AGG_KW = dict(
    out_type=(
        jax.ShapeDtypeStruct((N_PAD, D), jnp.float32),
        jax.ShapeDtypeStruct((N_PAD, D), jnp.float32),
    ),
    mesh=_mesh,
    compiler_params=_SC_PARAMS,
    scratch_types=[
        pltpu.VMEM_SHARED((N_PAD, D), jnp.float32),
        pltpu.VMEM((CHUNK, D), jnp.float32),
        pltpu.VMEM((CHUNK, D), jnp.float32),
        pltpu.VMEM((CHUNK, D), jnp.float32),
        pltpu.VMEM((CHUNK, D), jnp.float32),
        pltpu.VMEM((ET_PAD,), jnp.int32),
        pltpu.VMEM((CHUNK,), jnp.int32),
        pltpu.VMEM((CHUNK,), jnp.int32),
        pltpu.VMEM((CHUNK,), jnp.int32),
        pltpu.VMEM((CHUNK,), jnp.int32),
        pltpu.SemaphoreType.DMA,
        pltpu.SemaphoreType.DMA,
        pltpu.SemaphoreType.DMA,
        pltpu.SemaphoreType.DMA,
    ],
)


def _sc_agg_body(xw_hbm, rad_hbm, pk3_hbm, out0, out1,
                 acc, xw0, xw1, rad0, rad1, pk_v,
                 sidx0, sidx1, didx0, didx1, sg0, sg1, sr0, sr1):
    cid = lax.axis_index("c")
    sid = lax.axis_index("s")
    wid = cid * 16 + sid
    base = wid * ET_PAD

    pltpu.sync_copy(pk3_hbm.at[wid], pk_v)

    def zbody(i, carry):
        for c in range(D // 16):
            xw0[i, pl.ds(c * 16, 16)] = jnp.zeros((16,), jnp.float32)
        return carry

    lax.fori_loop(0, CHUNK, zbody, 0)
    for k in range(ROWS_PER_TILE // CHUNK):
        pltpu.sync_copy(
            xw0, acc.at[pl.ds(sid * ROWS_PER_TILE + k * CHUNK, CHUNK)])
    plsc.subcore_barrier()

    bufs = ((xw0, rad0, sidx0, didx0, sg0, sr0),
            (xw1, rad1, sidx1, didx1, sg1, sr1))

    def start(j, b):
        xwb, radb, sb, db, sg, sr = bufs[b]
        for g in range(CHUNK // 16):
            sl = pl.ds(g * 16, 16)
            v = pk_v[pl.ds(j * CHUNK + g * 16, 16)]
            sb[sl] = v & 0x7FFF
            db[sl] = lax.shift_right_logical(v, 15)
        pltpu.async_copy(xw_hbm.at[sb], xwb, sg)
        pltpu.async_copy(rad_hbm.at[pl.ds(base + j * CHUNK, CHUNK)], radb, sr)

    def finish(j, b):
        xwb, radb, sb, db, sg, sr = bufs[b]
        pltpu.make_async_copy(xw_hbm.at[sb], xwb, sg).wait()
        pltpu.make_async_copy(
            rad_hbm.at[pl.ds(base + j * CHUNK, CHUNK)], radb, sr).wait()

    def process(j, b):
        xwb, radb, sb, db, sg, sr = bufs[b]

        def mbody(r, carry):
            for c in range(D // 16):
                sl = pl.ds(c * 16, 16)
                xwb[r, sl] = xwb[r, sl] * radb[r, sl]
            return carry

        lax.fori_loop(0, CHUNK, mbody, 0)
        pltpu.sync_copy(xwb, acc.at[db], add=True)

    start(0, 0)
    start(1, 1)

    def pair(i, carry):
        j0 = 2 * i
        finish(j0, 0)
        process(j0, 0)

        @pl.when(j0 + 2 < NCHUNK)
        def _():
            start(j0 + 2, 0)

        j1 = j0 + 1
        finish(j1, 1)
        process(j1, 1)

        @pl.when(j1 + 2 < NCHUNK)
        def _():
            start(j1 + 2, 1)

        return carry

    lax.fori_loop(0, NCHUNK // 2, pair, 0)
    plsc.subcore_barrier()

    rows = pl.ds(sid * ROWS_PER_TILE, ROWS_PER_TILE)

    @pl.when(cid == 0)
    def _():
        pltpu.sync_copy(acc.at[rows], out0.at[rows])

    @pl.when(cid == 1)
    def _():
        pltpu.sync_copy(acc.at[rows], out1.at[rows])


_sc_agg = pl.kernel(_sc_agg_body, **_AGG_KW)


def _silu(v):
    return v * (1.0 / (1.0 + jnp.exp(-v)))


CE = 4096


def _radial_body(r2_ref, w1t_ref, b1c_ref, w2t_ref, b2c_ref, out_ref):
    r2 = r2_ref[0, 0, :].reshape(1, CE)
    r = jnp.sqrt(r2 + 1e-12)
    th = (jnp.pi / R_CUT) * r
    nvec = lax.broadcasted_iota(jnp.int32, (NB, 1), 0).astype(jnp.float32) + 1.0
    u = r / R_CUT
    u2 = u * u
    u3 = u2 * u
    u6 = u3 * u3
    u7 = u6 * u
    u8 = u7 * u
    env = 1.0 - 28.0 * u6 + 48.0 * u7 - 21.0 * u8
    env = jnp.where(u < 1.0, env, 0.0)
    scale = jnp.sqrt(2.0 / R_CUT) * env / r
    bT = jnp.sin(nvec * th) * scale
    hT = jnp.dot(w1t_ref[...], bT, preferred_element_type=jnp.float32)
    hT = _silu(hT + b1c_ref[...])
    rT = (
        jnp.dot(w2t_ref[...], hT, preferred_element_type=jnp.float32)
        + b2c_ref[...]
    )
    out_ref[...] = rT.T


_RADIAL_KW = dict(
    grid=(E_PAD // CE,),
    in_specs=[
        pl.BlockSpec((1, 1, CE), lambda i: (i, 0, 0)),
        pl.BlockSpec((H, NB), lambda i: (0, 0)),
        pl.BlockSpec((H, 1), lambda i: (0, 0)),
        pl.BlockSpec((D, H), lambda i: (0, 0)),
        pl.BlockSpec((D, 1), lambda i: (0, 0)),
    ],
    out_specs=pl.BlockSpec((CE, D), lambda i: (i, 0)),
    out_shape=jax.ShapeDtypeStruct((E_PAD, D), jnp.float32),
)
_tc_radial = pl.pallas_call(_radial_body, **_RADIAL_KW)

CN = 1000


def _embed_body(t_ref, we_ref, wm_ref, x_ref, xw_ref):
    t = t_ref[...]
    io = lax.broadcasted_iota(jnp.int32, (CN, 16), 1)
    oh = jnp.where(io == t, 1.0, 0.0)
    x = jnp.dot(oh, we_ref[...], preferred_element_type=jnp.float32)
    x_ref[...] = x
    xw_ref[...] = jnp.dot(x, wm_ref[...], preferred_element_type=jnp.float32)


_EMBED_KW = dict(
    grid=(N // CN,),
    in_specs=[
        pl.BlockSpec((CN, 1), lambda i: (i, 0)),
        pl.BlockSpec((16, D), lambda i: (0, 0)),
        pl.BlockSpec((D, D), lambda i: (0, 0)),
    ],
    out_specs=(
        pl.BlockSpec((CN, D), lambda i: (i, 0)),
        pl.BlockSpec((CN, D), lambda i: (i, 0)),
    ),
    out_shape=(
        jax.ShapeDtypeStruct((N, D), jnp.float32),
        jax.ShapeDtypeStruct((N, D), jnp.float32),
    ),
)
_tc_embed = pl.pallas_call(_embed_body, **_EMBED_KW)


def _update_body(x_ref, a0_ref, a1_ref, ws_ref, wm_ref, x1_ref, xw2_ref):
    x = x_ref[...]
    pre = (
        jnp.dot(x, ws_ref[...], preferred_element_type=jnp.float32)
        + a0_ref[...] + a1_ref[...]
    )
    x1 = _silu(pre)
    x1_ref[...] = x1
    xw2_ref[...] = jnp.dot(x1, wm_ref[...], preferred_element_type=jnp.float32)


_UPDATE_KW = dict(
    grid=(N // CN,),
    in_specs=[
        pl.BlockSpec((CN, D), lambda i: (i, 0)),
        pl.BlockSpec((CN, D), lambda i: (i, 0)),
        pl.BlockSpec((CN, D), lambda i: (i, 0)),
        pl.BlockSpec((D, D), lambda i: (0, 0)),
        pl.BlockSpec((D, D), lambda i: (0, 0)),
    ],
    out_specs=(
        pl.BlockSpec((CN, D), lambda i: (i, 0)),
        pl.BlockSpec((CN, D), lambda i: (i, 0)),
    ),
    out_shape=(
        jax.ShapeDtypeStruct((N, D), jnp.float32),
        jax.ShapeDtypeStruct((N, D), jnp.float32),
    ),
)
_tc_update = pl.pallas_call(_update_body, **_UPDATE_KW)


def _final_body(x_ref, a0_ref, a1_ref, t_ref, ws_ref, wo1_ref, wo2_ref,
                sc_ref, sh_ref, out_ref):
    i = pl.program_id(0)
    x = x_ref[...]
    pre = (
        jnp.dot(x, ws_ref[...], preferred_element_type=jnp.float32)
        + a0_ref[...] + a1_ref[...]
    )
    x2 = _silu(pre)
    hm = _silu(jnp.dot(x2, wo1_ref[...], preferred_element_type=jnp.float32))
    e = jnp.dot(hm, wo2_ref[...], preferred_element_type=jnp.float32)
    t = t_ref[...]
    io = lax.broadcasted_iota(jnp.int32, (CN, 16), 1)
    oh = jnp.where(io == t, 1.0, 0.0)
    scale = jnp.dot(oh, sc_ref[...], preferred_element_type=jnp.float32)
    shift = jnp.dot(oh, sh_ref[...], preferred_element_type=jnp.float32)
    e = e * scale + shift
    s = jnp.sum(e, axis=0, keepdims=True)

    @pl.when(i == 0)
    def _():
        out_ref[...] = jnp.zeros((1, 1), jnp.float32)

    out_ref[...] += s


_FINAL_KW = dict(
    grid=(N // CN,),
    in_specs=[
        pl.BlockSpec((CN, D), lambda i: (i, 0)),
        pl.BlockSpec((CN, D), lambda i: (i, 0)),
        pl.BlockSpec((CN, D), lambda i: (i, 0)),
        pl.BlockSpec((CN, 1), lambda i: (i, 0)),
        pl.BlockSpec((D, D), lambda i: (0, 0)),
        pl.BlockSpec((D, H), lambda i: (0, 0)),
        pl.BlockSpec((H, 1), lambda i: (0, 0)),
        pl.BlockSpec((16, 1), lambda i: (0, 0)),
        pl.BlockSpec((16, 1), lambda i: (0, 0)),
    ],
    out_specs=pl.BlockSpec((1, 1), lambda i: (0, 0)),
    out_shape=jax.ShapeDtypeStruct((1, 1), jnp.float32),
)
_tc_final = pl.pallas_call(_final_body, **_FINAL_KW)


def kernel(pos, atom_types, edge_index, W_embed, W_rad1, b_rad1, W_rad2, b_rad2,
           W_msg1, W_self1, W_msg2, W_self2, W_out1, W_out2,
           species_scale, species_shift):
    src = edge_index[0].astype(jnp.int32)
    dst = edge_index[1].astype(jnp.int32)
    src_p = jnp.pad(src.reshape(NW, E // NW), ((0, 0), (0, ET_PAD - E // NW)))
    dst_p = jnp.pad(dst.reshape(NW, E // NW), ((0, 0), (0, ET_PAD - E // NW)),
                    constant_values=DUMMY_ROW)
    src_flat = src_p.reshape(-1)
    dst_flat = dst_p.reshape(-1)
    pk3 = (src_p | (dst_p << 15)).reshape(NW, ET_PAD)
    pos_flat = pos.reshape(-1).astype(jnp.float32)

    r2 = _sc_geom(pos_flat, src_flat, dst_flat)
    radial = _tc_radial(r2.reshape(E_PAD // CE, 1, CE), W_rad1.T,
                        b_rad1.reshape(H, 1), W_rad2.T, b_rad2.reshape(D, 1))

    t2 = atom_types.astype(jnp.int32).reshape(N, 1)
    we_pad = jnp.zeros((16, D), jnp.float32).at[:NS].set(W_embed)
    x0, xw1 = _tc_embed(t2, we_pad, W_msg1)

    a0, a1 = _sc_agg(xw1, radial, pk3)
    x1, xw2 = _tc_update(x0, a0, a1, W_self1, W_msg2)

    b0, b1 = _sc_agg(xw2, radial, pk3)

    sc_pad = jnp.zeros((16, 1), jnp.float32).at[:NS, 0].set(species_scale)
    sh_pad = jnp.zeros((16, 1), jnp.float32).at[:NS, 0].set(species_shift)
    tot = _tc_final(x1, b0, b1, t2, W_self2, W_out1, W_out2, sc_pad, sh_pad)
    return tot.reshape(())

# --- scband reference (transcript-rebuilt; emitter-appended) ---
"""Pipeline reference for scband-nequ-ipbackbone-77524159693453 (READ-ONLY COPY).

The authoritative reference and input builder live on the scoring server;
editing this copy changes nothing except your own understanding.
"""

import jax, jax.numpy as jnp
import numpy as np

N = 10000
E = 320000
D = 128
NB = 8
NS = 10
H = 64
R_CUT = 5.0


def setup_inputs(seed: int = 0) -> dict:
    key = jax.random.key(seed)
    ks = jax.random.split(key, 16)
    pos = jax.random.normal(ks[0], (N, 3), dtype=jnp.float32) * 3.0
    atom_types = jax.random.randint(ks[1], (N,), 0, NS)
    edge_index = jax.random.randint(ks[2], (2, E), 0, N)
    W_embed = jax.random.normal(ks[3], (NS, D), dtype=jnp.float32) * 0.5
    W_rad1 = jax.random.normal(ks[4], (NB, H), dtype=jnp.float32) * (1.0 / np.sqrt(NB))
    b_rad1 = jnp.zeros((H,), dtype=jnp.float32)
    W_rad2 = jax.random.normal(ks[5], (H, D), dtype=jnp.float32) * (1.0 / np.sqrt(H))
    b_rad2 = jnp.zeros((D,), dtype=jnp.float32)
    W_msg1 = jax.random.normal(ks[6], (D, D), dtype=jnp.float32) * (1.0 / np.sqrt(D))
    W_self1 = jax.random.normal(ks[7], (D, D), dtype=jnp.float32) * (1.0 / np.sqrt(D))
    W_msg2 = jax.random.normal(ks[8], (D, D), dtype=jnp.float32) * (1.0 / np.sqrt(D))
    W_self2 = jax.random.normal(ks[9], (D, D), dtype=jnp.float32) * (1.0 / np.sqrt(D))
    W_out1 = jax.random.normal(ks[10], (D, H), dtype=jnp.float32) * (1.0 / np.sqrt(D))
    W_out2 = jax.random.normal(ks[11], (H, 1), dtype=jnp.float32) * (1.0 / np.sqrt(H))
    species_scale = jnp.ones((NS,), dtype=jnp.float32)
    species_shift = jnp.zeros((NS,), dtype=jnp.float32)
    return {
        'pos': pos, 'atom_types': atom_types, 'edge_index': edge_index,
        'W_embed': W_embed, 'W_rad1': W_rad1, 'b_rad1': b_rad1,
        'W_rad2': W_rad2, 'b_rad2': b_rad2,
        'W_msg1': W_msg1, 'W_self1': W_self1,
        'W_msg2': W_msg2, 'W_self2': W_self2,
        'W_out1': W_out1, 'W_out2': W_out2,
        'species_scale': species_scale, 'species_shift': species_shift,
    }


def reference(pos, atom_types, edge_index, W_embed, W_rad1, b_rad1, W_rad2, b_rad2,
              W_msg1, W_self1, W_msg2, W_self2, W_out1, W_out2,
              species_scale, species_shift):
    src = edge_index[0]
    dst = edge_index[1]
    vec = pos[src] - pos[dst]
    r = jnp.sqrt(jnp.sum(vec * vec, axis=-1) + 1e-12)
    n = jnp.arange(1, NB + 1, dtype=jnp.float32)
    basis = jnp.sqrt(2.0 / R_CUT) * jnp.sin(n[None, :] * jnp.pi * r[:, None] / R_CUT) / r[:, None]
    u = r / R_CUT
    p = 6.0
    env = 1.0 - ((p + 1.0) * (p + 2.0) / 2.0) * u ** p + p * (p + 2.0) * u ** (p + 1.0) - (p * (p + 1.0) / 2.0) * u ** (p + 2.0)
    env = jnp.where(u < 1.0, env, 0.0)
    basis = basis * env[:, None]
    radial = jax.nn.silu(basis @ W_rad1 + b_rad1) @ W_rad2 + b_rad2
    x = W_embed[atom_types]
    for Wm, Ws in ((W_msg1, W_self1), (W_msg2, W_self2)):
        msg = (x[src] @ Wm) * radial
        agg = jax.ops.segment_sum(msg, dst, num_segments=N)
        x = jax.nn.silu(x @ Ws + agg)
    e_atom = (jax.nn.silu(x @ W_out1) @ W_out2)[:, 0]
    e_atom = e_atom * species_scale[atom_types] + species_shift[atom_types]
    total_energy = jnp.sum(e_atom)
    return total_energy

if __name__ == "__main__":
    import jax
    _d = setup_inputs()
    print(jax.jit(kernel)(*tuple(_d.values())))

</pallas_src>

<mosaic_0001>
#map = affine_map<(d0, d1) -> (0, 0)>
module attributes {stable_mosaic.version = 14 : i64} {
  func.func @_sc_agg_body(%arg0: i32, %arg1: i32, %arg2: memref<10000x128xf32, #tpu.memory_space<hbm>>, %arg3: memref<323584x128xf32, #tpu.memory_space<hbm>>, %arg4: memref<32x10112xi32, #tpu.memory_space<hbm>>, %arg5: memref<10240x128xf32, #tpu.memory_space<hbm>>, %arg6: memref<10240x128xf32, #tpu.memory_space<hbm>>, %arg7: memref<10240x128xf32, #tpu.memory_space<vmem_shared>>, %arg8: memref<64x128xf32, #tpu.memory_space<vmem>>, %arg9: memref<64x128xf32, #tpu.memory_space<vmem>>, %arg10: memref<64x128xf32, #tpu.memory_space<vmem>>, %arg11: memref<64x128xf32, #tpu.memory_space<vmem>>, %arg12: memref<10112xi32, #tpu.memory_space<vmem>>, %arg13: memref<64xi32, #tpu.memory_space<vmem>>, %arg14: memref<64xi32, #tpu.memory_space<vmem>>, %arg15: memref<64xi32, #tpu.memory_space<vmem>>, %arg16: memref<64xi32, #tpu.memory_space<vmem>>, %arg17: memref<!tpu.dma_semaphore, #tpu.memory_space<semaphore_mem>>, %arg18: memref<!tpu.dma_semaphore, #tpu.memory_space<semaphore_mem>>, %arg19: memref<!tpu.dma_semaphore, #tpu.memory_space<semaphore_mem>>, %arg20: memref<!tpu.dma_semaphore, #tpu.memory_space<semaphore_mem>>) attributes {dimension_semantics = [#tpu.dimension_semantics<core_parallel>, #tpu.dimension_semantics<subcore_parallel>], iteration_bounds = array<i64: 2, 16>, scalar_prefetch = 0 : i64, scratch_operands = 14 : i64, tpu.core_type = #tpu.core_type<sc_vector_subcore>, window_params = [{transform_indices = #map}, {transform_indices = #map}, {transform_indices = #map}, {transform_indices = #map}, {transform_indices = #map}]} {
    %mul3A = arith.constant 16 : i32
    %mul3A_0 = arith.muli %arg0, %mul3A : i32
    %add3A = arith.addi %mul3A_0, %arg1 : i32
    %mul3A_1 = arith.constant 10112 : i32
    %mul3A_2 = arith.muli %add3A, %mul3A_1 : i32
    "tpu.region"() ({
      %run_scoped3A = tpu.sem_alloc : memref<!tpu.dma_semaphore, #tpu.memory_space<semaphore_mem>>
      %dma_start3A_173 = arith.constant 0 : i32
      %dma_start3A_174 = tpu.memref_slice %arg4[%add3A, %dma_start3A_173] : memref<32x10112xi32, #tpu.memory_space<hbm>> -> memref<1x10112xi32, #tpu.memory_space<hbm>>
      %dma_start3A_175 = tpu.memref_squeeze %dma_start3A_174 : memref<1x10112xi32, #tpu.memory_space<hbm>> -> memref<10112xi32, #tpu.memory_space<hbm>>
      %dma_start3A_176 = arith.constant 0 : i32
      %dma_start3A_177 = tpu.memref_slice %arg4[%add3A, %dma_start3A_176] : memref<32x10112xi32, #tpu.memory_space<hbm>> -> memref<1x10112xi32, #tpu.memory_space<hbm>>
      %dma_start3A_178 = tpu.memref_squeeze %dma_start3A_177 : memref<1x10112xi32, #tpu.memory_space<hbm>> -> memref<10112xi32, #tpu.memory_space<hbm>>
      tpu.enqueue_dma source(%dma_start3A_178 : memref<10112xi32, #tpu.memory_space<hbm>>) target(%arg12 : memref<10112xi32, #tpu.memory_space<vmem>>) target_semaphore(%run_scoped3A : memref<!tpu.dma_semaphore, #tpu.memory_space<semaphore_mem>>)
      %dma_wait3A = arith.constant 0 : i32
      %dma_wait3A_179 = tpu.memref_slice %arg4[%add3A, %dma_wait3A] : memref<32x10112xi32, #tpu.memory_space<hbm>> -> memref<1x10112xi32, #tpu.memory_space<hbm>>
      %dma_wait3A_180 = tpu.memref_squeeze %dma_wait3A_179 : memref<1x10112xi32, #tpu.memory_space<hbm>> -> memref<10112xi32, #tpu.memory_space<hbm>>
      %dma_wait3A_181 = arith.constant 0 : i32
      %dma_wait3A_182 = tpu.memref_slice %arg4[%add3A, %dma_wait3A_181] : memref<32x10112xi32, #tpu.memory_space<hbm>> -> memref<1x10112xi32, #tpu.memory_space<hbm>>
      %dma_wait3A_183 = tpu.memref_squeeze %dma_wait3A_182 : memref<1x10112xi32, #tpu.memory_space<hbm>> -> memref<10112xi32, #tpu.memory_space<hbm>>
      tpu.wait_dma2 semaphore(%run_scoped3A : memref<!tpu.dma_semaphore, #tpu.memory_space<semaphore_mem>>) src(%dma_wait3A_183 : memref<10112xi32, #tpu.memory_space<hbm>>) dst(%arg12 : memref<10112xi32, #tpu.memory_space<vmem>>)
      tpu.yield
    }) : () -> ()
    %scan3A = arith.constant 0 : i32
    %scan3A_3 = arith.constant 0 : i32
    %scan3A_4 = arith.constant 64 : i32
    %scan3A_5 = arith.addi %scan3A_3, %scan3A_4 : i32
    %scan3A_6 = arith.constant 1 : i32
    scf.for %scan3A_173 = %scan3A_3 to %scan3A_5 step %scan3A_6  : i32 {
      %broadcast_in_dim3A = arith.constant 0.000000e+00 : f32
      %broadcast_in_dim3A_174 = vector.broadcast %broadcast_in_dim3A : f32 to vector<16xf32>
      %swap3A_175 = arith.index_cast %scan3A_173 : i32 to index
      %swap3A_176 = arith.constant 0 : index
      %swap3A_177 = tpu.vector_load %arg8[%swap3A_175, %swap3A_176] {strides = array<i32>} : memref<64x128xf32, #tpu.memory_space<vmem>>, vector<16xf32>,
      tpu.vector_store %arg8[%swap3A_175, %swap3A_176], %broadcast_in_dim3A_174 {strides = array<i32>} : memref<64x128xf32, #tpu.memory_space<vmem>>, vector<16xf32>,
      %broadcast_in_dim3A_178 = arith.constant 0.000000e+00 : f32
      %broadcast_in_dim3A_179 = vector.broadcast %broadcast_in_dim3A_178 : f32 to vector<16xf32>
      %swap3A_180 = arith.index_cast %scan3A_173 : i32 to index
      %swap3A_181 = arith.constant 16 : index
      %swap3A_182 = tpu.vector_load %arg8[%swap3A_180, %swap3A_181] {strides = array<i32>} : memref<64x128xf32, #tpu.memory_space<vmem>>, vector<16xf32>,
      tpu.vector_store %arg8[%swap3A_180, %swap3A_181], %broadcast_in_dim3A_179 {strides = array<i32>} : memref<64x128xf32, #tpu.memory_space<vmem>>, vector<16xf32>,
      %broadcast_in_dim3A_183 = arith.constant 0.000000e+00 : f32
      %broadcast_in_dim3A_184 = vector.broadcast %broadcast_in_dim3A_183 : f32 to vector<16xf32>
      %swap3A_185 = arith.index_cast %scan3A_173 : i32 to index
      %swap3A_186 = arith.constant 32 : index
      %swap3A_187 = tpu.vector_load %arg8[%swap3A_185, %swap3A_186] {strides = array<i32>} : memref<64x128xf32, #tpu.memory_space<vmem>>, vector<16xf32>,
      tpu.vector_store %arg8[%swap3A_185, %swap3A_186], %broadcast_in_dim3A_184 {strides = array<i32>} : memref<64x128xf32, #tpu.memory_space<vmem>>, vector<16xf32>,
      %broadcast_in_dim3A_188 = arith.constant 0.000000e+00 : f32
      %broadcast_in_dim3A_189 = vector.broadcast %broadcast_in_dim3A_188 : f32 to vector<16xf32>
      %swap3A_190 = arith.index_cast %scan3A_173 : i32 to index
      %swap3A_191 = arith.constant 48 : index
      %swap3A_192 = tpu.vector_load %arg8[%swap3A_190, %swap3A_191] {strides = array<i32>} : memref<64x128xf32, #tpu.memory_space<vmem>>, vector<16xf32>,
      tpu.vector_store %arg8[%swap3A_190, %swap3A_191], %broadcast_in_dim3A_189 {strides = array<i32>} : memref<64x128xf32, #tpu.memory_space<vmem>>, vector<16xf32>,
      %broadcast_in_dim3A_193 = arith.constant 0.000000e+00 : f32
      %broadcast_in_dim3A_194 = vector.broadcast %broadcast_in_dim3A_193 : f32 to vector<16xf32>
      %swap3A_195 = arith.index_cast %scan3A_173 : i32 to index
      %swap3A_196 = arith.constant 64 : index
      %swap3A_197 = tpu.vector_load %arg8[%swap3A_195, %swap3A_196] {strides = array<i32>} : memref<64x128xf32, #tpu.memory_space<vmem>>, vector<16xf32>,
      tpu.vector_store %arg8[%swap3A_195, %swap3A_196], %broadcast_in_dim3A_194 {strides = array<i32>} : memref<64x128xf32, #tpu.memory_space<vmem>>, vector<16xf32>,
      %broadcast_in_dim3A_198 = arith.constant 0.000000e+00 : f32
      %broadcast_in_dim3A_199 = vector.broadcast %broadcast_in_dim3A_198 : f32 to vector<16xf32>
      %swap3A_200 = arith.index_cast %scan3A_173 : i32 to index
      %swap3A_201 = arith.constant 80 : index
      %swap3A_202 = tpu.vector_load %arg8[%swap3A_200, %swap3A_201] {strides = array<i32>} : memref<64x128xf32, #tpu.memory_space<vmem>>, vector<16xf32>,
      tpu.vector_store %arg8[%swap3A_200, %swap3A_201], %broadcast_in_dim3A_199 {strides = array<i32>} : memref<64x128xf32, #tpu.memory_space<vmem>>, vector<16xf32>,
      %broadcast_in_dim3A_203 = arith.constant 0.000000e+00 : f32
      %broadcast_in_dim3A_204 = vector.broadcast %broadcast_in_dim3A_203 : f32 to vector<16xf32>
      %swap3A_205 = arith.index_cast %scan3A_173 : i32 to index
      %swap3A_206 = arith.constant 96 : index
      %swap3A_207 = tpu.vector_load %arg8[%swap3A_205, %swap3A_206] {strides = array<i32>} : memref<64x128xf32, #tpu.memory_space<vmem>>, vector<16xf32>,
      tpu.vector_store %arg8[%swap3A_205, %swap3A_206], %broadcast_in_dim3A_204 {strides = array<i32>} : memref<64x128xf32, #tpu.memory_space<vmem>>, vector<16xf32>,
      %broadcast_in_dim3A_208 = arith.constant 0.000000e+00 : f32
      %broadcast_in_dim3A_209 = vector.broadcast %broadcast_in_dim3A_208 : f32 to vector<16xf32>
      %swap3A_210 = arith.index_cast %scan3A_173 : i32 to index
      %swap3A_211 = arith.constant 112 : index
      %swap3A_212 = tpu.vector_load %arg8[%swap3A_210, %swap3A_211] {strides = array<i32>} : memref<64x128xf32, #tpu.memory_space<vmem>>, vector<16xf32>,
      tpu.vector_store %arg8[%swap3A_210, %swap3A_211], %broadcast_in_dim3A_209 {strides = array<i32>} : memref<64x128xf32, #tpu.memory_space<vmem>>, vector<16xf32>,
    }
    %scan3A_7 = arith.constant 64 : i32
    %mul3A_8 = arith.constant 640 : i32
    %mul3A_9 = arith.muli %arg1, %mul3A_8 : i32
    %add3A_10 = arith.constant 0 : i32
    %add3A_11 = arith.addi %mul3A_9, %add3A_10 : i32
    "tpu.region"() ({
      %run_scoped3A = tpu.sem_alloc : memref<!tpu.dma_semaphore, #tpu.memory_space<semaphore_mem>>
      %dma_start3A_173 = arith.constant 0 : i32
      %dma_start3A_174 = tpu.memref_slice %arg7[%add3A_11, %dma_start3A_173] : memref<10240x128xf32, #tpu.memory_space<vmem_shared>> -> memref<64x128xf32, #tpu.memory_space<vmem_shared>>
      %dma_start3A_175 = arith.constant 0 : i32
      %dma_start3A_176 = tpu.memref_slice %arg7[%add3A_11, %dma_start3A_175] : memref<10240x128xf32, #tpu.memory_space<vmem_shared>> -> memref<64x128xf32, #tpu.memory_space<vmem_shared>>
      tpu.enqueue_dma source(%arg8 : memref<64x128xf32, #tpu.memory_space<vmem>>) target(%dma_start3A_176 : memref<64x128xf32, #tpu.memory_space<vmem_shared>>) target_semaphore(%run_scoped3A : memref<!tpu.dma_semaphore, #tpu.memory_space<semaphore_mem>>)
      %dma_wait3A = arith.constant 0 : i32
      %dma_wait3A_177 = tpu.memref_slice %arg7[%add3A_11, %dma_wait3A] : memref<10240x128xf32, #tpu.memory_space<vmem_shared>> -> memref<64x128xf32, #tpu.memory_space<vmem_shared>>
      %dma_wait3A_178 = arith.constant 0 : i32
      %dma_wait3A_179 = tpu.memref_slice %arg7[%add3A_11, %dma_wait3A_178] : memref<10240x128xf32, #tpu.memory_space<vmem_shared>> -> memref<64x128xf32, #tpu.memory_space<vmem_shared>>
      tpu.wait_dma2 semaphore(%run_scoped3A : memref<!tpu.dma_semaphore, #tpu.memory_space<semaphore_mem>>) src(%arg8 : memref<64x128xf32, #tpu.memory_space<vmem>>) dst(%dma_wait3A_179 : memref<64x128xf32, #tpu.memory_space<vmem_shared>>)
      tpu.yield
    }) : () -> ()
    %mul3A_12 = arith.constant 640 : i32
    %mul3A_13 = arith.muli %arg1, %mul3A_12 : i32
    %add3A_14 = arith.constant 64 : i32
    %add3A_15 = arith.addi %mul3A_13, %add3A_14 : i32
    "tpu.region"() ({
      %run_scoped3A = tpu.sem_alloc : memref<!tpu.dma_semaphore, #tpu.memory_space<semaphore_mem>>
      %dma_start3A_173 = arith.constant 0 : i32
      %dma_start3A_174 = tpu.memref_slice %arg7[%add3A_15, %dma_start3A_173] : memref<10240x128xf32, #tpu.memory_space<vmem_shared>> -> memref<64x128xf32, #tpu.memory_space<vmem_shared>>
      %dma_start3A_175 = arith.constant 0 : i32
      %dma_start3A_176 = tpu.memref_slice %arg7[%add3A_15, %dma_start3A_175] : memref<10240x128xf32, #tpu.memory_space<vmem_shared>> -> memref<64x128xf32, #tpu.memory_space<vmem_shared>>
      tpu.enqueue_dma source(%arg8 : memref<64x128xf32, #tpu.memory_space<vmem>>) target(%dma_start3A_176 : memref<64x128xf32, #tpu.memory_space<vmem_shared>>) target_semaphore(%run_scoped3A : memref<!tpu.dma_semaphore, #tpu.memory_space<semaphore_mem>>)
      %dma_wait3A = arith.constant 0 : i32
      %dma_wait3A_177 = tpu.memref_slice %arg7[%add3A_15, %dma_wait3A] : memref<10240x128xf32, #tpu.memory_space<vmem_shared>> -> memref<64x128xf32, #tpu.memory_space<vmem_shared>>
      %dma_wait3A_178 = arith.constant 0 : i32
      %dma_wait3A_179 = tpu.memref_slice %arg7[%add3A_15, %dma_wait3A_178] : memref<10240x128xf32, #tpu.memory_space<vmem_shared>> -> memref<64x128xf32, #tpu.memory_space<vmem_shared>>
      tpu.wait_dma2 semaphore(%run_scoped3A : memref<!tpu.dma_semaphore, #tpu.memory_space<semaphore_mem>>) src(%arg8 : memref<64x128xf32, #tpu.memory_space<vmem>>) dst(%dma_wait3A_179 : memref<64x128xf32, #tpu.memory_space<vmem_shared>>)
      tpu.yield
    }) : () -> ()
    %mul3A_16 = arith.constant 640 : i32
    %mul3A_17 = arith.muli %arg1, %mul3A_16 : i32
    %add3A_18 = arith.constant 128 : i32
    %add3A_19 = arith.addi %mul3A_17, %add3A_18 : i32
    "tpu.region"() ({
      %run_scoped3A = tpu.sem_alloc : memref<!tpu.dma_semaphore, #tpu.memory_space<semaphore_mem>>
      %dma_start3A_173 = arith.constant 0 : i32
      %dma_start3A_174 = tpu.memref_slice %arg7[%add3A_19, %dma_start3A_173] : memref<10240x128xf32, #tpu.memory_space<vmem_shared>> -> memref<64x128xf32, #tpu.memory_space<vmem_shared>>
      %dma_start3A_175 = arith.constant 0 : i32
      %dma_start3A_176 = tpu.memref_slice %arg7[%add3A_19, %dma_start3A_175] : memref<10240x128xf32, #tpu.memory_space<vmem_shared>> -> memref<64x128xf32, #tpu.memory_space<vmem_shared>>
      tpu.enqueue_dma source(%arg8 : memref<64x128xf32, #tpu.memory_space<vmem>>) target(%dma_start3A_176 : memref<64x128xf32, #tpu.memory_space<vmem_shared>>) target_semaphore(%run_scoped3A : memref<!tpu.dma_semaphore, #tpu.memory_space<semaphore_mem>>)
      %dma_wait3A = arith.constant 0 : i32
      %dma_wait3A_177 = tpu.memref_slice %arg7[%add3A_19, %dma_wait3A] : memref<10240x128xf32, #tpu.memory_space<vmem_shared>> -> memref<64x128xf32, #tpu.memory_space<vmem_shared>>
      %dma_wait3A_178 = arith.constant 0 : i32
      %dma_wait3A_179 = tpu.memref_slice %arg7[%add3A_19, %dma_wait3A_178] : memref<10240x128xf32, #tpu.memory_space<vmem_shared>> -> memref<64x128xf32, #tpu.memory_space<vmem_shared>>
      tpu.wait_dma2 semaphore(%run_scoped3A : memref<!tpu.dma_semaphore, #tpu.memory_space<semaphore_mem>>) src(%arg8 : memref<64x128xf32, #tpu.memory_space<vmem>>) dst(%dma_wait3A_179 : memref<64x128xf32, #tpu.memory_space<vmem_shared>>)
      tpu.yield
    }) : () -> ()
    %mul3A_20 = arith.constant 640 : i32
    %mul3A_21 = arith.muli %arg1, %mul3A_20 : i32
    %add3A_22 = arith.constant 192 : i32
    %add3A_23 = arith.addi %mul3A_21, %add3A_22 : i32
    "tpu.region"() ({
      %run_scoped3A = tpu.sem_alloc : memref<!tpu.dma_semaphore, #tpu.memory_space<semaphore_mem>>
      %dma_start3A_173 = arith.constant 0 : i32
      %dma_start3A_174 = tpu.memref_slice %arg7[%add3A_23, %dma_start3A_173] : memref<10240x128xf32, #tpu.memory_space<vmem_shared>> -> memref<64x128xf32, #tpu.memory_space<vmem_shared>>
      %dma_start3A_175 = arith.constant 0 : i32
      %dma_start3A_176 = tpu.memref_slice %arg7[%add3A_23, %dma_start3A_175] : memref<10240x128xf32, #tpu.memory_space<vmem_shared>> -> memref<64x128xf32, #tpu.memory_space<vmem_shared>>
      tpu.enqueue_dma source(%arg8 : memref<64x128xf32, #tpu.memory_space<vmem>>) target(%dma_start3A_176 : memref<64x128xf32, #tpu.memory_space<vmem_shared>>) target_semaphore(%run_scoped3A : memref<!tpu.dma_semaphore, #tpu.memory_space<semaphore_mem>>)
      %dma_wait3A = arith.constant 0 : i32
      %dma_wait3A_177 = tpu.memref_slice %arg7[%add3A_23, %dma_wait3A] : memref<10240x128xf32, #tpu.memory_space<vmem_shared>> -> memref<64x128xf32, #tpu.memory_space<vmem_shared>>
      %dma_wait3A_178 = arith.constant 0 : i32
      %dma_wait3A_179 = tpu.memref_slice %arg7[%add3A_23, %dma_wait3A_178] : memref<10240x128xf32, #tpu.memory_space<vmem_shared>> -> memref<64x128xf32, #tpu.memory_space<vmem_shared>>
      tpu.wait_dma2 semaphore(%run_scoped3A : memref<!tpu.dma_semaphore, #tpu.memory_space<semaphore_mem>>) src(%arg8 : memref<64x128xf32, #tpu.memory_space<vmem>>) dst(%dma_wait3A_179 : memref<64x128xf32, #tpu.memory_space<vmem_shared>>)
      tpu.yield
    }) : () -> ()
    %mul3A_24 = arith.constant 640 : i32
    %mul3A_25 = arith.muli %arg1, %mul3A_24 : i32
    %add3A_26 = arith.constant 256 : i32
    %add3A_27 = arith.addi %mul3A_25, %add3A_26 : i32
    "tpu.region"() ({
      %run_scoped3A = tpu.sem_alloc : memref<!tpu.dma_semaphore, #tpu.memory_space<semaphore_mem>>
      %dma_start3A_173 = arith.constant 0 : i32
      %dma_start3A_174 = tpu.memref_slice %arg7[%add3A_27, %dma_start3A_173] : memref<10240x128xf32, #tpu.memory_space<vmem_shared>> -> memref<64x128xf32, #tpu.memory_space<vmem_shared>>
      %dma_start3A_175 = arith.constant 0 : i32
      %dma_start3A_176 = tpu.memref_slice %arg7[%add3A_27, %dma_start3A_175] : memref<10240x128xf32, #tpu.memory_space<vmem_shared>> -> memref<64x128xf32, #tpu.memory_space<vmem_shared>>
      tpu.enqueue_dma source(%arg8 : memref<64x128xf32, #tpu.memory_space<vmem>>) target(%dma_start3A_176 : memref<64x128xf32, #tpu.memory_space<vmem_shared>>) target_semaphore(%run_scoped3A : memref<!tpu.dma_semaphore, #tpu.memory_space<semaphore_mem>>)
      %dma_wait3A = arith.constant 0 : i32
      %dma_wait3A_177 = tpu.memref_slice %arg7[%add3A_27, %dma_wait3A] : memref<10240x128xf32, #tpu.memory_space<vmem_shared>> -> memref<64x128xf32, #tpu.memory_space<vmem_shared>>
      %dma_wait3A_178 = arith.constant 0 : i32
      %dma_wait3A_179 = tpu.memref_slice %arg7[%add3A_27, %dma_wait3A_178] : memref<10240x128xf32, #tpu.memory_space<vmem_shared>> -> memref<64x128xf32, #tpu.memory_space<vmem_shared>>
      tpu.wait_dma2 semaphore(%run_scoped3A : memref<!tpu.dma_semaphore, #tpu.memory_space<semaphore_mem>>) src(%arg8 : memref<64x128xf32, #tpu.memory_space<vmem>>) dst(%dma_wait3A_179 : memref<64x128xf32, #tpu.memory_space<vmem_shared>>)
      tpu.yield
    }) : () -> ()
    %mul3A_28 = arith.constant 640 : i32
    %mul3A_29 = arith.muli %arg1, %mul3A_28 : i32
    %add3A_30 = arith.constant 320 : i32
    %add3A_31 = arith.addi %mul3A_29, %add3A_30 : i32
    "tpu.region"() ({
      %run_scoped3A = tpu.sem_alloc : memref<!tpu.dma_semaphore, #tpu.memory_space<semaphore_mem>>
      %dma_start3A_173 = arith.constant 0 : i32
      %dma_start3A_174 = tpu.memref_slice %arg7[%add3A_31, %dma_start3A_173] : memref<10240x128xf32, #tpu.memory_space<vmem_shared>> -> memref<64x128xf32, #tpu.memory_space<vmem_shared>>
      %dma_start3A_175 = arith.constant 0 : i32
      %dma_start3A_176 = tpu.memref_slice %arg7[%add3A_31, %dma_start3A_175] : memref<10240x128xf32, #tpu.memory_space<vmem_shared>> -> memref<64x128xf32, #tpu.memory_space<vmem_shared>>
      tpu.enqueue_dma source(%arg8 : memref<64x128xf32, #tpu.memory_space<vmem>>) target(%dma_start3A_176 : memref<64x128xf32, #tpu.memory_space<vmem_shared>>) target_semaphore(%run_scoped3A : memref<!tpu.dma_semaphore, #tpu.memory_space<semaphore_mem>>)
      %dma_wait3A = arith.constant 0 : i32
      %dma_wait3A_177 = tpu.memref_slice %arg7[%add3A_31, %dma_wait3A] : memref<10240x128xf32, #tpu.memory_space<vmem_shared>> -> memref<64x128xf32, #tpu.memory_space<vmem_shared>>
      %dma_wait3A_178 = arith.constant 0 : i32
      %dma_wait3A_179 = tpu.memref_slice %arg7[%add3A_31, %dma_wait3A_178] : memref<10240x128xf32, #tpu.memory_space<vmem_shared>> -> memref<64x128xf32, #tpu.memory_space<vmem_shared>>
      tpu.wait_dma2 semaphore(%run_scoped3A : memref<!tpu.dma_semaphore, #tpu.memory_space<semaphore_mem>>) src(%arg8 : memref<64x128xf32, #tpu.memory_space<vmem>>) dst(%dma_wait3A_179 : memref<64x128xf32, #tpu.memory_space<vmem_shared>>)
      tpu.yield
    }) : () -> ()
    %mul3A_32 = arith.constant 640 : i32
    %mul3A_33 = arith.muli %arg1, %mul3A_32 : i32
    %add3A_34 = arith.constant 384 : i32
    %add3A_35 = arith.addi %mul3A_33, %add3A_34 : i32
    "tpu.region"() ({
      %run_scoped3A = tpu.sem_alloc : memref<!tpu.dma_semaphore, #tpu.memory_space<semaphore_mem>>
      %dma_start3A_173 = arith.constant 0 : i32
      %dma_start3A_174 = tpu.memref_slice %arg7[%add3A_35, %dma_start3A_173] : memref<10240x128xf32, #tpu.memory_space<vmem_shared>> -> memref<64x128xf32, #tpu.memory_space<vmem_shared>>
      %dma_start3A_175 = arith.constant 0 : i32
      %dma_start3A_176 = tpu.memref_slice %arg7[%add3A_35, %dma_start3A_175] : memref<10240x128xf32, #tpu.memory_space<vmem_shared>> -> memref<64x128xf32, #tpu.memory_space<vmem_shared>>
      tpu.enqueue_dma source(%arg8 : memref<64x128xf32, #tpu.memory_space<vmem>>) target(%dma_start3A_176 : memref<64x128xf32, #tpu.memory_space<vmem_shared>>) target_semaphore(%run_scoped3A : memref<!tpu.dma_semaphore, #tpu.memory_space<semaphore_mem>>)
      %dma_wait3A = arith.constant 0 : i32
      %dma_wait3A_177 = tpu.memref_slice %arg7[%add3A_35, %dma_wait3A] : memref<10240x128xf32, #tpu.memory_space<vmem_shared>> -> memref<64x128xf32, #tpu.memory_space<vmem_shared>>
      %dma_wait3A_178 = arith.constant 0 : i32
      %dma_wait3A_179 = tpu.memref_slice %arg7[%add3A_35, %dma_wait3A_178] : memref<10240x128xf32, #tpu.memory_space<vmem_shared>> -> memref<64x128xf32, #tpu.memory_space<vmem_shared>>
      tpu.wait_dma2 semaphore(%run_scoped3A : memref<!tpu.dma_semaphore, #tpu.memory_space<semaphore_mem>>) src(%arg8 : memref<64x128xf32, #tpu.memory_space<vmem>>) dst(%dma_wait3A_179 : memref<64x128xf32, #tpu.memory_space<vmem_shared>>)
      tpu.yield
    }) : () -> ()
    %mul3A_36 = arith.constant 640 : i32
    %mul3A_37 = arith.muli %arg1, %mul3A_36 : i32
    %add3A_38 = arith.constant 448 : i32
    %add3A_39 = arith.addi %mul3A_37, %add3A_38 : i32
    "tpu.region"() ({
      %run_scoped3A = tpu.sem_alloc : memref<!tpu.dma_semaphore, #tpu.memory_space<semaphore_mem>>
      %dma_start3A_173 = arith.constant 0 : i32
      %dma_start3A_174 = tpu.memref_slice %arg7[%add3A_39, %dma_start3A_173] : memref<10240x128xf32, #tpu.memory_space<vmem_shared>> -> memref<64x128xf32, #tpu.memory_space<vmem_shared>>
      %dma_start3A_175 = arith.constant 0 : i32
      %dma_start3A_176 = tpu.memref_slice %arg7[%add3A_39, %dma_start3A_175] : memref<10240x128xf32, #tpu.memory_space<vmem_shared>> -> memref<64x128xf32, #tpu.memory_space<vmem_shared>>
      tpu.enqueue_dma source(%arg8 : memref<64x128xf32, #tpu.memory_space<vmem>>) target(%dma_start3A_176 : memref<64x128xf32, #tpu.memory_space<vmem_shared>>) target_semaphore(%run_scoped3A : memref<!tpu.dma_semaphore, #tpu.memory_space<semaphore_mem>>)
      %dma_wait3A = arith.constant 0 : i32
      %dma_wait3A_177 = tpu.memref_slice %arg7[%add3A_39, %dma_wait3A] : memref<10240x128xf32, #tpu.memory_space<vmem_shared>> -> memref<64x128xf32, #tpu.memory_space<vmem_shared>>
      %dma_wait3A_178 = arith.constant 0 : i32
      %dma_wait3A_179 = tpu.memref_slice %arg7[%add3A_39, %dma_wait3A_178] : memref<10240x128xf32, #tpu.memory_space<vmem_shared>> -> memref<64x128xf32, #tpu.memory_space<vmem_shared>>
      tpu.wait_dma2 semaphore(%run_scoped3A : memref<!tpu.dma_semaphore, #tpu.memory_space<semaphore_mem>>) src(%arg8 : memref<64x128xf32, #tpu.memory_space<vmem>>) dst(%dma_wait3A_179 : memref<64x128xf32, #tpu.memory_space<vmem_shared>>)
      tpu.yield
    }) : () -> ()
    %mul3A_40 = arith.constant 640 : i32
    %mul3A_41 = arith.muli %arg1, %mul3A_40 : i32
    %add3A_42 = arith.constant 512 : i32
    %add3A_43 = arith.addi %mul3A_41, %add3A_42 : i32
    "tpu.region"() ({
      %run_scoped3A = tpu.sem_alloc : memref<!tpu.dma_semaphore, #tpu.memory_space<semaphore_mem>>
      %dma_start3A_173 = arith.constant 0 : i32
      %dma_start3A_174 = tpu.memref_slice %arg7[%add3A_43, %dma_start3A_173] : memref<10240x128xf32, #tpu.memory_space<vmem_shared>> -> memref<64x128xf32, #tpu.memory_space<vmem_shared>>
      %dma_start3A_175 = arith.constant 0 : i32
      %dma_start3A_176 = tpu.memref_slice %arg7[%add3A_43, %dma_start3A_175] : memref<10240x128xf32, #tpu.memory_space<vmem_shared>> -> memref<64x128xf32, #tpu.memory_space<vmem_shared>>
      tpu.enqueue_dma source(%arg8 : memref<64x128xf32, #tpu.memory_space<vmem>>) target(%dma_start3A_176 : memref<64x128xf32, #tpu.memory_space<vmem_shared>>) target_semaphore(%run_scoped3A : memref<!tpu.dma_semaphore, #tpu.memory_space<semaphore_mem>>)
      %dma_wait3A = arith.constant 0 : i32
      %dma_wait3A_177 = tpu.memref_slice %arg7[%add3A_43, %dma_wait3A] : memref<10240x128xf32, #tpu.memory_space<vmem_shared>> -> memref<64x128xf32, #tpu.memory_space<vmem_shared>>
      %dma_wait3A_178 = arith.constant 0 : i32
      %dma_wait3A_179 = tpu.memref_slice %arg7[%add3A_43, %dma_wait3A_178] : memref<10240x128xf32, #tpu.memory_space<vmem_shared>> -> memref<64x128xf32, #tpu.memory_space<vmem_shared>>
      tpu.wait_dma2 semaphore(%run_scoped3A : memref<!tpu.dma_semaphore, #tpu.memory_space<semaphore_mem>>) src(%arg8 : memref<64x128xf32, #tpu.memory_space<vmem>>) dst(%dma_wait3A_179 : memref<64x128xf32, #tpu.memory_space<vmem_shared>>)
      tpu.yield
    }) : () -> ()
    %mul3A_44 = arith.constant 640 : i32
    %mul3A_45 = arith.muli %arg1, %mul3A_44 : i32
    %add3A_46 = arith.constant 576 : i32
    %add3A_47 = arith.addi %mul3A_45, %add3A_46 : i32
    "tpu.region"() ({
      %run_scoped3A = tpu.sem_alloc : memref<!tpu.dma_semaphore, #tpu.memory_space<semaphore_mem>>
      %dma_start3A_173 = arith.constant 0 : i32
      %dma_start3A_174 = tpu.memref_slice %arg7[%add3A_47, %dma_start3A_173] : memref<10240x128xf32, #tpu.memory_space<vmem_shared>> -> memref<64x128xf32, #tpu.memory_space<vmem_shared>>
      %dma_start3A_175 = arith.constant 0 : i32
      %dma_start3A_176 = tpu.memref_slice %arg7[%add3A_47, %dma_start3A_175] : memref<10240x128xf32, #tpu.memory_space<vmem_shared>> -> memref<64x128xf32, #tpu.memory_space<vmem_shared>>
      tpu.enqueue_dma source(%arg8 : memref<64x128xf32, #tpu.memory_space<vmem>>) target(%dma_start3A_176 : memref<64x128xf32, #tpu.memory_space<vmem_shared>>) target_semaphore(%run_scoped3A : memref<!tpu.dma_semaphore, #tpu.memory_space<semaphore_mem>>)
      %dma_wait3A = arith.constant 0 : i32
      %dma_wait3A_177 = tpu.memref_slice %arg7[%add3A_47, %dma_wait3A] : memref<10240x128xf32, #tpu.memory_space<vmem_shared>> -> memref<64x128xf32, #tpu.memory_space<vmem_shared>>
      %dma_wait3A_178 = arith.constant 0 : i32
      %dma_wait3A_179 = tpu.memref_slice %arg7[%add3A_47, %dma_wait3A_178] : memref<10240x128xf32, #tpu.memory_space<vmem_shared>> -> memref<64x128xf32, #tpu.memory_space<vmem_shared>>
      tpu.wait_dma2 semaphore(%run_scoped3A : memref<!tpu.dma_semaphore, #tpu.memory_space<semaphore_mem>>) src(%arg8 : memref<64x128xf32, #tpu.memory_space<vmem>>) dst(%dma_wait3A_179 : memref<64x128xf32, #tpu.memory_space<vmem_shared>>)
      tpu.yield
    }) : () -> ()
    %barrier3A = arith.constant 0 : index
    tpu.barrier barrier_id(%barrier3A)
    %get3A = arith.constant 0 : index
    %get3A_48 = tpu.vector_load %arg12[%get3A] {strides = array<i32>} : memref<10112xi32, #tpu.memory_space<vmem>>, vector<16xi32>,
    %and3A = arith.constant 32767 : i32
    %and3A_49 = vector.broadcast %and3A : i32 to vector<16xi32>
    %and3A_50 = arith.andi %get3A_48, %and3A_49 : vector<16xi32>
    %swap3A = arith.constant 0 : index
    %swap3A_51 = tpu.vector_load %arg13[%swap3A] {strides = array<i32>} : memref<64xi32, #tpu.memory_space<vmem>>, vector<16xi32>,
    tpu.vector_store %arg13[%swap3A], %and3A_50 {strides = array<i32>} : memref<64xi32, #tpu.memory_space<vmem>>, vector<16xi32>,
    %shift_right_logical3A = arith.constant 15 : i32
    %shift_right_logical3A_52 = vector.broadcast %shift_right_logical3A : i32 to vector<16xi32>
    %shift_right_logical3A_53 = arith.shrui %get3A_48, %shift_right_logical3A_52 : vector<16xi32>
    %swap3A_54 = arith.constant 0 : index
    %swap3A_55 = tpu.vector_load %arg15[%swap3A_54] {strides = array<i32>} : memref<64xi32, #tpu.memory_space<vmem>>, vector<16xi32>,
    tpu.vector_store %arg15[%swap3A_54], %shift_right_logical3A_53 {strides = array<i32>} : memref<64xi32, #tpu.memory_space<vmem>>, vector<16xi32>,
    %get3A_56 = arith.constant 16 : index
    %get3A_57 = tpu.vector_load %arg12[%get3A_56] {strides = array<i32>} : memref<10112xi32, #tpu.memory_space<vmem>>, vector<16xi32>,
    %and3A_58 = arith.constant 32767 : i32
    %and3A_59 = vector.broadcast %and3A_58 : i32 to vector<16xi32>
    %and3A_60 = arith.andi %get3A_57, %and3A_59 : vector<16xi32>
    %swap3A_61 = arith.constant 16 : index
    %swap3A_62 = tpu.vector_load %arg13[%swap3A_61] {strides = array<i32>} : memref<64xi32, #tpu.memory_space<vmem>>, vector<16xi32>,
    tpu.vector_store %arg13[%swap3A_61], %and3A_60 {strides = array<i32>} : memref<64xi32, #tpu.memory_space<vmem>>, vector<16xi32>,
    %shift_right_logical3A_63 = arith.constant 15 : i32
    %shift_right_logical3A_64 = vector.broadcast %shift_right_logical3A_63 : i32 to vector<16xi32>
    %shift_right_logical3A_65 = arith.shrui %get3A_57, %shift_right_logical3A_64 : vector<16xi32>
    %swap3A_66 = arith.constant 16 : index
    %swap3A_67 = tpu.vector_load %arg15[%swap3A_66] {strides = array<i32>} : memref<64xi32, #tpu.memory_space<vmem>>, vector<16xi32>,
    tpu.vector_store %arg15[%swap3A_66], %shift_right_logical3A_65 {strides = array<i32>} : memref<64xi32, #tpu.memory_space<vmem>>, vector<16xi32>,
    %get3A_68 = arith.constant 32 : index
    %get3A_69 = tpu.vector_load %arg12[%get3A_68] {strides = array<i32>} : memref<10112xi32, #tpu.memory_space<vmem>>, vector<16xi32>,
    %and3A_70 = arith.constant 32767 : i32
    %and3A_71 = vector.broadcast %and3A_70 : i32 to vector<16xi32>
    %and3A_72 = arith.andi %get3A_69, %and3A_71 : vector<16xi32>
    %swap3A_73 = arith.constant 32 : index
    %swap3A_74 = tpu.vector_load %arg13[%swap3A_73] {strides = array<i32>} : memref<64xi32, #tpu.memory_space<vmem>>, vector<16xi32>,
    tpu.vector_store %arg13[%swap3A_73], %and3A_72 {strides = array<i32>} : memref<64xi32, #tpu.memory_space<vmem>>, vector<16xi32>,
    %shift_right_logical3A_75 = arith.constant 15 : i32
    %shift_right_logical3A_76 = vector.broadcast %shift_right_logical3A_75 : i32 to vector<16xi32>
    %shift_right_logical3A_77 = arith.shrui %get3A_69, %shift_right_logical3A_76 : vector<16xi32>
    %swap3A_78 = arith.constant 32 : index
    %swap3A_79 = tpu.vector_load %arg15[%swap3A_78] {strides = array<i32>} : memref<64xi32, #tpu.memory_space<vmem>>, vector<16xi32>,
    tpu.vector_store %arg15[%swap3A_78], %shift_right_logical3A_77 {strides = array<i32>} : memref<64xi32, #tpu.memory_space<vmem>>, vector<16xi32>,
    %get3A_80 = arith.constant 48 : index
    %get3A_81 = tpu.vector_load %arg12[%get3A_80] {strides = array<i32>} : memref<10112xi32, #tpu.memory_space<vmem>>, vector<16xi32>,
    %and3A_82 = arith.constant 32767 : i32
    %and3A_83 = vector.broadcast %and3A_82 : i32 to vector<16xi32>
    %and3A_84 = arith.andi %get3A_81, %and3A_83 : vector<16xi32>
    %swap3A_85 = arith.constant 48 : index
    %swap3A_86 = tpu.vector_load %arg13[%swap3A_85] {strides = array<i32>} : memref<64xi32, #tpu.memory_space<vmem>>, vector<16xi32>,
    tpu.vector_store %arg13[%swap3A_85], %and3A_84 {strides = array<i32>} : memref<64xi32, #tpu.memory_space<vmem>>, vector<16xi32>,
    %shift_right_logical3A_87 = arith.constant 15 : i32
    %shift_right_logical3A_88 = vector.broadcast %shift_right_logical3A_87 : i32 to vector<16xi32>
    %shift_right_logical3A_89 = arith.shrui %get3A_81, %shift_right_logical3A_88 : vector<16xi32>
    %swap3A_90 = arith.constant 48 : index
    %swap3A_91 = tpu.vector_load %arg15[%swap3A_90] {strides = array<i32>} : memref<64xi32, #tpu.memory_space<vmem>>, vector<16xi32>,
    tpu.vector_store %arg15[%swap3A_90], %shift_right_logical3A_89 {strides = array<i32>} : memref<64xi32, #tpu.memory_space<vmem>>, vector<16xi32>,
    %dma_start3A = arith.constant 0 : i32
    %dma_start3A_92 = arith.constant 0 : i32
    %dma_start3A_93 = tpu.memref_slice %arg2[%dma_start3A, %dma_start3A_92] : memref<10000x128xf32, #tpu.memory_space<hbm>> -> memref<10000x128xf32, #tpu.memory_space<hbm>>
    tpu.enqueue_indirect_dma source(%dma_start3A_93 : memref<10000x128xf32, #tpu.memory_space<hbm>>) target(%arg8 : memref<64x128xf32, #tpu.memory_space<vmem>>) offsets(%arg13 : memref<64xi32, #tpu.memory_space<vmem>>) semaphore(%arg17 : memref<!tpu.dma_semaphore, #tpu.memory_space<semaphore_mem>>)
    %add3A_94 = arith.constant 0 : i32
    %add3A_95 = arith.addi %mul3A_2, %add3A_94 : i32
    %dma_start3A_96 = arith.constant 0 : i32
    %dma_start3A_97 = tpu.memref_slice %arg3[%add3A_95, %dma_start3A_96] : memref<323584x128xf32, #tpu.memory_space<hbm>> -> memref<64x128xf32, #tpu.memory_space<hbm>>
    %dma_start3A_98 = arith.constant 0 : i32
    %dma_start3A_99 = tpu.memref_slice %arg3[%add3A_95, %dma_start3A_98] : memref<323584x128xf32, #tpu.memory_space<hbm>> -> memref<64x128xf32, #tpu.memory_space<hbm>>
    tpu.enqueue_dma source(%dma_start3A_99 : memref<64x128xf32, #tpu.memory_space<hbm>>) target(%arg10 : memref<64x128xf32, #tpu.memory_space<vmem>>) target_semaphore(%arg19 : memref<!tpu.dma_semaphore, #tpu.memory_space<semaphore_mem>>)
    %get3A_100 = arith.constant 64 : index
    %get3A_101 = tpu.vector_load %arg12[%get3A_100] {strides = array<i32>} : memref<10112xi32, #tpu.memory_space<vmem>>, vector<16xi32>,
    %and3A_102 = arith.constant 32767 : i32
    %and3A_103 = vector.broadcast %and3A_102 : i32 to vector<16xi32>
    %and3A_104 = arith.andi %get3A_101, %and3A_103 : vector<16xi32>
    %swap3A_105 = arith.constant 0 : index
    %swap3A_106 = tpu.vector_load %arg14[%swap3A_105] {strides = array<i32>} : memref<64xi32, #tpu.memory_space<vmem>>, vector<16xi32>,
    tpu.vector_store %arg14[%swap3A_105], %and3A_104 {strides = array<i32>} : memref<64xi32, #tpu.memory_space<vmem>>, vector<16xi32>,
    %shift_right_logical3A_107 = arith.constant 15 : i32
    %shift_right_logical3A_108 = vector.broadcast %shift_right_logical3A_107 : i32 to vector<16xi32>
    %shift_right_logical3A_109 = arith.shrui %get3A_101, %shift_right_logical3A_108 : vector<16xi32>
    %swap3A_110 = arith.constant 0 : index
    %swap3A_111 = tpu.vector_load %arg16[%swap3A_110] {strides = array<i32>} : memref<64xi32, #tpu.memory_space<vmem>>, vector<16xi32>,
    tpu.vector_store %arg16[%swap3A_110], %shift_right_logical3A_109 {strides = array<i32>} : memref<64xi32, #tpu.memory_space<vmem>>, vector<16xi32>,
    %get3A_112 = arith.constant 80 : index
    %get3A_113 = tpu.vector_load %arg12[%get3A_112] {strides = array<i32>} : memref<10112xi32, #tpu.memory_space<vmem>>, vector<16xi32>,
    %and3A_114 = arith.constant 32767 : i32
    %and3A_115 = vector.broadcast %and3A_114 : i32 to vector<16xi32>
    %and3A_116 = arith.andi %get3A_113, %and3A_115 : vector<16xi32>
    %swap3A_117 = arith.constant 16 : index
    %swap3A_118 = tpu.vector_load %arg14[%swap3A_117] {strides = array<i32>} : memref<64xi32, #tpu.memory_space<vmem>>, vector<16xi32>,
    tpu.vector_store %arg14[%swap3A_117], %and3A_116 {strides = array<i32>} : memref<64xi32, #tpu.memory_space<vmem>>, vector<16xi32>,
    %shift_right_logical3A_119 = arith.constant 15 : i32
    %shift_right_logical3A_120 = vector.broadcast %shift_right_logical3A_119 : i32 to vector<16xi32>
    %shift_right_logical3A_121 = arith.shrui %get3A_113, %shift_right_logical3A_120 : vector<16xi32>
    %swap3A_122 = arith.constant 16 : index
    %swap3A_123 = tpu.vector_load %arg16[%swap3A_122] {strides = array<i32>} : memref<64xi32, #tpu.memory_space<vmem>>, vector<16xi32>,
    tpu.vector_store %arg16[%swap3A_122], %shift_right_logical3A_121 {strides = array<i32>} : memref<64xi32, #tpu.memory_space<vmem>>, vector<16xi32>,
    %get3A_124 = arith.constant 96 : index
    %get3A_125 = tpu.vector_load %arg12[%get3A_124] {strides = array<i32>} : memref<10112xi32, #tpu.memory_space<vmem>>, vector<16xi32>,
    %and3A_126 = arith.constant 32767 : i32
    %and3A_127 = vector.broadcast %and3A_126 : i32 to vector<16xi32>
    %and3A_128 = arith.andi %get3A_125, %and3A_127 : vector<16xi32>
    %swap3A_129 = arith.constant 32 : index
    %swap3A_130 = tpu.vector_load %arg14[%swap3A_129] {strides = array<i32>} : memref<64xi32, #tpu.memory_space<vmem>>, vector<16xi32>,
    tpu.vector_store %arg14[%swap3A_129], %and3A_128 {strides = array<i32>} : memref<64xi32, #tpu.memory_space<vmem>>, vector<16xi32>,
    %shift_right_logical3A_131 = arith.constant 15 : i32
    %shift_right_logical3A_132 = vector.broadcast %shift_right_logical3A_131 : i32 to vector<16xi32>
    %shift_right_logical3A_133 = arith.shrui %get3A_125, %shift_right_logical3A_132 : vector<16xi32>
    %swap3A_134 = arith.constant 32 : index
    %swap3A_135 = tpu.vector_load %arg16[%swap3A_134] {strides = array<i32>} : memref<64xi32, #tpu.memory_space<vmem>>, vector<16xi32>,
    tpu.vector_store %arg16[%swap3A_134], %shift_right_logical3A_133 {strides = array<i32>} : memref<64xi32, #tpu.memory_space<vmem>>, vector<16xi32>,
    %get3A_136 = arith.constant 112 : index
    %get3A_137 = tpu.vector_load %arg12[%get3A_136] {strides = array<i32>} : memref<10112xi32, #tpu.memory_space<vmem>>, vector<16xi32>,
    %and3A_138 = arith.constant 32767 : i32
    %and3A_139 = vector.broadcast %and3A_138 : i32 to vector<16xi32>
    %and3A_140 = arith.andi %get3A_137, %and3A_139 : vector<16xi32>
    %swap3A_141 = arith.constant 48 : index
    %swap3A_142 = tpu.vector_load %arg14[%swap3A_141] {strides = array<i32>} : memref<64xi32, #tpu.memory_space<vmem>>, vector<16xi32>,
    tpu.vector_store %arg14[%swap3A_141], %and3A_140 {strides = array<i32>} : memref<64xi32, #tpu.memory_space<vmem>>, vector<16xi32>,
    %shift_right_logical3A_143 = arith.constant 15 : i32
    %shift_right_logical3A_144 = vector.broadcast %shift_right_logical3A_143 : i32 to vector<16xi32>
    %shift_right_logical3A_145 = arith.shrui %get3A_137, %shift_right_logical3A_144 : vector<16xi32>
    %swap3A_146 = arith.constant 48 : index
    %swap3A_147 = tpu.vector_load %arg16[%swap3A_146] {strides = array<i32>} : memref<64xi32, #tpu.memory_space<vmem>>, vector<16xi32>,
    tpu.vector_store %arg16[%swap3A_146], %shift_right_logical3A_145 {strides = array<i32>} : memref<64xi32, #tpu.memory_space<vmem>>, vector<16xi32>,
    %dma_start3A_148 = arith.constant 0 : i32
    %dma_start3A_149 = arith.constant 0 : i32
    %dma_start3A_150 = tpu.memref_slice %arg2[%dma_start3A_148, %dma_start3A_149] : memref<10000x128xf32, #tpu.memory_space<hbm>> -> memref<10000x128xf32, #tpu.memory_space<hbm>>
    tpu.enqueue_indirect_dma source(%dma_start3A_150 : memref<10000x128xf32, #tpu.memory_space<hbm>>) target(%arg9 : memref<64x128xf32, #tpu.memory_space<vmem>>) offsets(%arg14 : memref<64xi32, #tpu.memory_space<vmem>>) semaphore(%arg18 : memref<!tpu.dma_semaphore, #tpu.memory_space<semaphore_mem>>)
    %add3A_151 = arith.constant 64 : i32
    %add3A_152 = arith.addi %mul3A_2, %add3A_151 : i32
    %dma_start3A_153 = arith.constant 0 : i32
    %dma_start3A_154 = tpu.memref_slice %arg3[%add3A_152, %dma_start3A_153] : memref<323584x128xf32, #tpu.memory_space<hbm>> -> memref<64x128xf32, #tpu.memory_space<hbm>>
    %dma_start3A_155 = arith.constant 0 : i32
    %dma_start3A_156 = tpu.memref_slice %arg3[%add3A_152, %dma_start3A_155] : memref<323584x128xf32, #tpu.memory_space<hbm>> -> memref<64x128xf32, #tpu.memory_space<hbm>>
    tpu.enqueue_dma source(%dma_start3A_156 : memref<64x128xf32, #tpu.memory_space<hbm>>) target(%arg11 : memref<64x128xf32, #tpu.memory_space<vmem>>) target_semaphore(%arg20 : memref<!tpu.dma_semaphore, #tpu.memory_space<semaphore_mem>>)
    %scan3A_157 = arith.constant 0 : i32
    %scan3A_158 = arith.constant 0 : i32
    %scan3A_159 = arith.constant 79 : i32
    %scan3A_160 = arith.addi %scan3A_158, %scan3A_159 : i32
    %scan3A_161 = arith.constant 1 : i32
    scf.for %scan3A_173 = %scan3A_158 to %scan3A_160 step %scan3A_161  : i32 {
      %mul3A_174 = arith.constant 2 : i32
      %mul3A_175 = arith.muli %mul3A_174, %scan3A_173 : i32
      %dma_wait3A = arith.constant 0 : i32
      %dma_wait3A_176 = arith.constant 0 : i32
      %dma_wait3A_177 = tpu.memref_slice %arg2[%dma_wait3A, %dma_wait3A_176] : memref<10000x128xf32, #tpu.memory_space<hbm>> -> memref<10000x128xf32, #tpu.memory_space<hbm>>
      tpu.wait_indirect_dma semaphore(%arg17 : memref<!tpu.dma_semaphore, #tpu.memory_space<semaphore_mem>>) src(%dma_wait3A_177 : memref<10000x128xf32, #tpu.memory_space<hbm>>) dst(%arg8 : memref<64x128xf32, #tpu.memory_space<vmem>>)
      %mul3A_178 = arith.constant 64 : i32
      %mul3A_179 = arith.muli %mul3A_175, %mul3A_178 : i32
      %add3A_180 = arith.addi %mul3A_2, %mul3A_179 : i32
      %dma_wait3A_181 = arith.constant 0 : i32
      %dma_wait3A_182 = tpu.memref_slice %arg3[%add3A_180, %dma_wait3A_181] : memref<323584x128xf32, #tpu.memory_space<hbm>> -> memref<64x128xf32, #tpu.memory_space<hbm>>
      %dma_wait3A_183 = arith.constant 0 : i32
      %dma_wait3A_184 = tpu.memref_slice %arg3[%add3A_180, %dma_wait3A_183] : memref<323584x128xf32, #tpu.memory_space<hbm>> -> memref<64x128xf32, #tpu.memory_space<hbm>>
      tpu.wait_dma2 semaphore(%arg19 : memref<!tpu.dma_semaphore, #tpu.memory_space<semaphore_mem>>) src(%dma_wait3A_184 : memref<64x128xf32, #tpu.memory_space<hbm>>) dst(%arg10 : memref<64x128xf32, #tpu.memory_space<vmem>>)
      %scan3A_185 = arith.constant 0 : i32
      %scan3A_186 = arith.constant 0 : i32
      %scan3A_187 = arith.constant 64 : i32
      %scan3A_188 = arith.addi %scan3A_186, %scan3A_187 : i32
      %scan3A_189 = arith.constant 1 : i32
      scf.for %scan3A_222 = %scan3A_186 to %scan3A_188 step %scan3A_189  : i32 {
        %get3A_223 = arith.index_cast %scan3A_222 : i32 to index
        %get3A_224 = arith.constant 0 : index
        %get3A_225 = tpu.vector_load %arg8[%get3A_223, %get3A_224] {strides = array<i32>} : memref<64x128xf32, #tpu.memory_space<vmem>>, vector<16xf32>,
        %get3A_226 = arith.index_cast %scan3A_222 : i32 to index
        %get3A_227 = arith.constant 0 : index
        %get3A_228 = tpu.vector_load %arg10[%get3A_226, %get3A_227] {strides = array<i32>} : memref<64x128xf32, #tpu.memory_space<vmem>>, vector<16xf32>,
        %mul3A_229 = arith.mulf %get3A_225, %get3A_228 : vector<16xf32>
        %swap3A_230 = arith.index_cast %scan3A_222 : i32 to index
        %swap3A_231 = arith.constant 0 : index
        %swap3A_232 = tpu.vector_load %arg8[%swap3A_230, %swap3A_231] {strides = array<i32>} : memref<64x128xf32, #tpu.memory_space<vmem>>, vector<16xf32>,
        tpu.vector_store %arg8[%swap3A_230, %swap3A_231], %mul3A_229 {strides = array<i32>} : memref<64x128xf32, #tpu.memory_space<vmem>>, vector<16xf32>,
        %get3A_233 = arith.index_cast %scan3A_222 : i32 to index
        %get3A_234 = arith.constant 16 : index
        %get3A_235 = tpu.vector_load %arg8[%get3A_233, %get3A_234] {strides = array<i32>} : memref<64x128xf32, #tpu.memory_space<vmem>>, vector<16xf32>,
        %get3A_236 = arith.index_cast %scan3A_222 : i32 to index
        %get3A_237 = arith.constant 16 : index
        %get3A_238 = tpu.vector_load %arg10[%get3A_236, %get3A_237] {strides = array<i32>} : memref<64x128xf32, #tpu.memory_space<vmem>>, vector<16xf32>,
        %mul3A_239 = arith.mulf %get3A_235, %get3A_238 : vector<16xf32>
        %swap3A_240 = arith.index_cast %scan3A_222 : i32 to index
        %swap3A_241 = arith.constant 16 : index
        %swap3A_242 = tpu.vector_load %arg8[%swap3A_240, %swap3A_241] {strides = array<i32>} : memref<64x128xf32, #tpu.memory_space<vmem>>, vector<16xf32>,
        tpu.vector_store %arg8[%swap3A_240, %swap3A_241], %mul3A_239 {strides = array<i32>} : memref<64x128xf32, #tpu.memory_space<vmem>>, vector<16xf32>,
        %get3A_243 = arith.index_cast %scan3A_222 : i32 to index
        %get3A_244 = arith.constant 32 : index
        %get3A_245 = tpu.vector_load %arg8[%get3A_243, %get3A_244] {strides = array<i32>} : memref<64x128xf32, #tpu.memory_space<vmem>>, vector<16xf32>,
        %get3A_246 = arith.index_cast %scan3A_222 : i32 to index
        %get3A_247 = arith.constant 32 : index
        %get3A_248 = tpu.vector_load %arg10[%get3A_246, %get3A_247] {strides = array<i32>} : memref<64x128xf32, #tpu.memory_space<vmem>>, vector<16xf32>,
        %mul3A_249 = arith.mulf %get3A_245, %get3A_248 : vector<16xf32>
        %swap3A_250 = arith.index_cast %scan3A_222 : i32 to index
        %swap3A_251 = arith.constant 32 : index
        %swap3A_252 = tpu.vector_load %arg8[%swap3A_250, %swap3A_251] {strides = array<i32>} : memref<64x128xf32, #tpu.memory_space<vmem>>, vector<16xf32>,
        tpu.vector_store %arg8[%swap3A_250, %swap3A_251], %mul3A_249 {strides = array<i32>} : memref<64x128xf32, #tpu.memory_space<vmem>>, vector<16xf32>,
        %get3A_253 = arith.index_cast %scan3A_222 : i32 to index
        %get3A_254 = arith.constant 48 : index
        %get3A_255 = tpu.vector_load %arg8[%get3A_253, %get3A_254] {strides = array<i32>} : memref<64x128xf32, #tpu.memory_space<vmem>>, vector<16xf32>,
        %get3A_256 = arith.index_cast %scan3A_222 : i32 to index
        %get3A_257 = arith.constant 48 : index
        %get3A_258 = tpu.vector_load %arg10[%get3A_256, %get3A_257] {strides = array<i32>} : memref<64x128xf32, #tpu.memory_space<vmem>>, vector<16xf32>,
        %mul3A_259 = arith.mulf %get3A_255, %get3A_258 : vector<16xf32>
        %swap3A_260 = arith.index_cast %scan3A_222 : i32 to index
        %swap3A_261 = arith.constant 48 : index
        %swap3A_262 = tpu.vector_load %arg8[%swap3A_260, %swap3A_261] {strides = array<i32>} : memref<64x128xf32, #tpu.memory_space<vmem>>, vector<16xf32>,
        tpu.vector_store %arg8[%swap3A_260, %swap3A_261], %mul3A_259 {strides = array<i32>} : memref<64x128xf32, #tpu.memory_space<vmem>>, vector<16xf32>,
        %get3A_263 = arith.index_cast %scan3A_222 : i32 to index
        %get3A_264 = arith.constant 64 : index
        %get3A_265 = tpu.vector_load %arg8[%get3A_263, %get3A_264] {strides = array<i32>} : memref<64x128xf32, #tpu.memory_space<vmem>>, vector<16xf32>,
        %get3A_266 = arith.index_cast %scan3A_222 : i32 to index
        %get3A_267 = arith.constant 64 : index
        %get3A_268 = tpu.vector_load %arg10[%get3A_266, %get3A_267] {strides = array<i32>} : memref<64x128xf32, #tpu.memory_space<vmem>>, vector<16xf32>,
        %mul3A_269 = arith.mulf %get3A_265, %get3A_268 : vector<16xf32>
        %swap3A_270 = arith.index_cast %scan3A_222 : i32 to index
        %swap3A_271 = arith.constant 64 : index
        %swap3A_272 = tpu.vector_load %arg8[%swap3A_270, %swap3A_271] {strides = array<i32>} : memref<64x128xf32, #tpu.memory_space<vmem>>, vector<16xf32>,
        tpu.vector_store %arg8[%swap3A_270, %swap3A_271], %mul3A_269 {strides = array<i32>} : memref<64x128xf32, #tpu.memory_space<vmem>>, vector<16xf32>,
        %get3A_273 = arith.index_cast %scan3A_222 : i32 to index
        %get3A_274 = arith.constant 80 : index
        %get3A_275 = tpu.vector_load %arg8[%get3A_273, %get3A_274] {strides = array<i32>} : memref<64x128xf32, #tpu.memory_space<vmem>>, vector<16xf32>,
        %get3A_276 = arith.index_cast %scan3A_222 : i32 to index
        %get3A_277 = arith.constant 80 : index
        %get3A_278 = tpu.vector_load %arg10[%get3A_276, %get3A_277] {strides = array<i32>} : memref<64x128xf32, #tpu.memory_space<vmem>>, vector<16xf32>,
        %mul3A_279 = arith.mulf %get3A_275, %get3A_278 : vector<16xf32>
        %swap3A_280 = arith.index_cast %scan3A_222 : i32 to index
        %swap3A_281 = arith.constant 80 : index
        %swap3A_282 = tpu.vector_load %arg8[%swap3A_280, %swap3A_281] {strides = array<i32>} : memref<64x128xf32, #tpu.memory_space<vmem>>, vector<16xf32>,
        tpu.vector_store %arg8[%swap3A_280, %swap3A_281], %mul3A_279 {strides = array<i32>} : memref<64x128xf32, #tpu.memory_space<vmem>>, vector<16xf32>,
        %get3A_283 = arith.index_cast %scan3A_222 : i32 to index
        %get3A_284 = arith.constant 96 : index
        %get3A_285 = tpu.vector_load %arg8[%get3A_283, %get3A_284] {strides = array<i32>} : memref<64x128xf32, #tpu.memory_space<vmem>>, vector<16xf32>,
        %get3A_286 = arith.index_cast %scan3A_222 : i32 to index
        %get3A_287 = arith.constant 96 : index
        %get3A_288 = tpu.vector_load %arg10[%get3A_286, %get3A_287] {strides = array<i32>} : memref<64x128xf32, #tpu.memory_space<vmem>>, vector<16xf32>,
        %mul3A_289 = arith.mulf %get3A_285, %get3A_288 : vector<16xf32>
        %swap3A_290 = arith.index_cast %scan3A_222 : i32 to index
        %swap3A_291 = arith.constant 96 : index
        %swap3A_292 = tpu.vector_load %arg8[%swap3A_290, %swap3A_291] {strides = array<i32>} : memref<64x128xf32, #tpu.memory_space<vmem>>, vector<16xf32>,
        tpu.vector_store %arg8[%swap3A_290, %swap3A_291], %mul3A_289 {strides = array<i32>} : memref<64x128xf32, #tpu.memory_space<vmem>>, vector<16xf32>,
        %get3A_293 = arith.index_cast %scan3A_222 : i32 to index
        %get3A_294 = arith.constant 112 : index
        %get3A_295 = tpu.vector_load %arg8[%get3A_293, %get3A_294] {strides = array<i32>} : memref<64x128xf32, #tpu.memory_space<vmem>>, vector<16xf32>,
        %get3A_296 = arith.index_cast %scan3A_222 : i32 to index
        %get3A_297 = arith.constant 112 : index
        %get3A_298 = tpu.vector_load %arg10[%get3A_296, %get3A_297] {strides = array<i32>} : memref<64x128xf32, #tpu.memory_space<vmem>>, vector<16xf32>,
        %mul3A_299 = arith.mulf %get3A_295, %get3A_298 : vector<16xf32>
        %swap3A_300 = arith.index_cast %scan3A_222 : i32 to index
        %swap3A_301 = arith.constant 112 : index
        %swap3A_302 = tpu.vector_load %arg8[%swap3A_300, %swap3A_301] {strides = array<i32>} : memref<64x128xf32, #tpu.memory_space<vmem>>, vector<16xf32>,
        tpu.vector_store %arg8[%swap3A_300, %swap3A_301], %mul3A_299 {strides = array<i32>} : memref<64x128xf32, #tpu.memory_space<vmem>>, vector<16xf32>,
      }
      %scan3A_190 = arith.constant 64 : i32
      "tpu.region"() ({
        %run_scoped3A = tpu.sem_alloc : memref<!tpu.dma_semaphore, #tpu.memory_space<semaphore_mem>>
        %dma_start3A_222 = arith.constant 0 : i32
        %dma_start3A_223 = arith.constant 0 : i32
        %dma_start3A_224 = tpu.memref_slice %arg7[%dma_start3A_222, %dma_start3A_223] : memref<10240x128xf32, #tpu.memory_space<vmem_shared>> -> memref<10240x128xf32, #tpu.memory_space<vmem_shared>>
        tpu.enqueue_indirect_dma source(%arg8 : memref<64x128xf32, #tpu.memory_space<vmem>>) target(%dma_start3A_224 : memref<10240x128xf32, #tpu.memory_space<vmem_shared>>) offsets(%arg15 : memref<64xi32, #tpu.memory_space<vmem>>) semaphore(%run_scoped3A : memref<!tpu.dma_semaphore, #tpu.memory_space<semaphore_mem>>) {add = true}
        %dma_wait3A_225 = arith.constant 0 : i32
        %dma_wait3A_226 = arith.constant 0 : i32
        %dma_wait3A_227 = tpu.memref_slice %arg7[%dma_wait3A_225, %dma_wait3A_226] : memref<10240x128xf32, #tpu.memory_space<vmem_shared>> -> memref<10240x128xf32, #tpu.memory_space<vmem_shared>>
        tpu.wait_indirect_dma semaphore(%run_scoped3A : memref<!tpu.dma_semaphore, #tpu.memory_space<semaphore_mem>>) src(%arg8 : memref<64x128xf32, #tpu.memory_space<vmem>>) dst(%dma_wait3A_227 : memref<10240x128xf32, #tpu.memory_space<vmem_shared>>)
        tpu.yield
      }) : () -> ()
      %add3A_191 = arith.constant 2 : i32
      %add3A_192 = arith.addi %mul3A_175, %add3A_191 : i32
      %lt3A = arith.constant 158 : i32
      %lt3A_193 = arith.cmpi slt, %add3A_192, %lt3A : i32
      %convert_element_type3A_194 = arith.extui %lt3A_193 : i1 to i32
      %cond3A_195 = arith.constant 0 : i32
      %cond3A_196 = arith.cmpi ne, %convert_element_type3A_194, %cond3A_195 : i32
      scf.if %cond3A_196 {
        %add3A_222 = arith.constant 2 : i32
        %add3A_223 = arith.addi %mul3A_175, %add3A_222 : i32
        %mul3A_224 = arith.constant 64 : i32
        %mul3A_225 = arith.muli %add3A_223, %mul3A_224 : i32
        %add3A_226 = arith.constant 0 : i32
        %add3A_227 = arith.addi %mul3A_225, %add3A_226 : i32
        %get3A_228 = arith.index_cast %add3A_227 : i32 to index
        %get3A_229 = tpu.vector_load %arg12[%get3A_228] {strides = array<i32>} : memref<10112xi32, #tpu.memory_space<vmem>>, vector<16xi32>,
        %and3A_230 = arith.constant 32767 : i32
        %and3A_231 = vector.broadcast %and3A_230 : i32 to vector<16xi32>
        %and3A_232 = arith.andi %get3A_229, %and3A_231 : vector<16xi32>
        %swap3A_233 = arith.constant 0 : index
        %swap3A_234 = tpu.vector_load %arg13[%swap3A_233] {strides = array<i32>} : memref<64xi32, #tpu.memory_space<vmem>>, vector<16xi32>,
        tpu.vector_store %arg13[%swap3A_233], %and3A_232 {strides = array<i32>} : memref<64xi32, #tpu.memory_space<vmem>>, vector<16xi32>,
        %shift_right_logical3A_235 = arith.constant 15 : i32
        %shift_right_logical3A_236 = vector.broadcast %shift_right_logical3A_235 : i32 to vector<16xi32>
        %shift_right_logical3A_237 = arith.shrui %get3A_229, %shift_right_logical3A_236 : vector<16xi32>
        %swap3A_238 = arith.constant 0 : index
        %swap3A_239 = tpu.vector_load %arg15[%swap3A_238] {strides = array<i32>} : memref<64xi32, #tpu.memory_space<vmem>>, vector<16xi32>,
        tpu.vector_store %arg15[%swap3A_238], %shift_right_logical3A_237 {strides = array<i32>} : memref<64xi32, #tpu.memory_space<vmem>>, vector<16xi32>,
        %mul3A_240 = arith.constant 64 : i32
        %mul3A_241 = arith.muli %add3A_223, %mul3A_240 : i32
        %add3A_242 = arith.constant 16 : i32
        %add3A_243 = arith.addi %mul3A_241, %add3A_242 : i32
        %get3A_244 = arith.index_cast %add3A_243 : i32 to index
        %get3A_245 = tpu.vector_load %arg12[%get3A_244] {strides = array<i32>} : memref<10112xi32, #tpu.memory_space<vmem>>, vector<16xi32>,
        %and3A_246 = arith.constant 32767 : i32
        %and3A_247 = vector.broadcast %and3A_246 : i32 to vector<16xi32>
        %and3A_248 = arith.andi %get3A_245, %and3A_247 : vector<16xi32>
        %swap3A_249 = arith.constant 16 : index
        %swap3A_250 = tpu.vector_load %arg13[%swap3A_249] {strides = array<i32>} : memref<64xi32, #tpu.memory_space<vmem>>, vector<16xi32>,
        tpu.vector_store %arg13[%swap3A_249], %and3A_248 {strides = array<i32>} : memref<64xi32, #tpu.memory_space<vmem>>, vector<16xi32>,
        %shift_right_logical3A_251 = arith.constant 15 : i32
        %shift_right_logical3A_252 = vector.broadcast %shift_right_logical3A_251 : i32 to vector<16xi32>
        %shift_right_logical3A_253 = arith.shrui %get3A_245, %shift_right_logical3A_252 : vector<16xi32>
        %swap3A_254 = arith.constant 16 : index
        %swap3A_255 = tpu.vector_load %arg15[%swap3A_254] {strides = array<i32>} : memref<64xi32, #tpu.memory_space<vmem>>, vector<16xi32>,
        tpu.vector_store %arg15[%swap3A_254], %shift_right_logical3A_253 {strides = array<i32>} : memref<64xi32, #tpu.memory_space<vmem>>, vector<16xi32>,
        %mul3A_256 = arith.constant 64 : i32
        %mul3A_257 = arith.muli %add3A_223, %mul3A_256 : i32
        %add3A_258 = arith.constant 32 : i32
        %add3A_259 = arith.addi %mul3A_257, %add3A_258 : i32
        %get3A_260 = arith.index_cast %add3A_259 : i32 to index
        %get3A_261 = tpu.vector_load %arg12[%get3A_260] {strides = array<i32>} : memref<10112xi32, #tpu.memory_space<vmem>>, vector<16xi32>,
        %and3A_262 = arith.constant 32767 : i32
        %and3A_263 = vector.broadcast %and3A_262 : i32 to vector<16xi32>
        %and3A_264 = arith.andi %get3A_261, %and3A_263 : vector<16xi32>
        %swap3A_265 = arith.constant 32 : index
        %swap3A_266 = tpu.vector_load %arg13[%swap3A_265] {strides = array<i32>} : memref<64xi32, #tpu.memory_space<vmem>>, vector<16xi32>,
        tpu.vector_store %arg13[%swap3A_265], %and3A_264 {strides = array<i32>} : memref<64xi32, #tpu.memory_space<vmem>>, vector<16xi32>,
        %shift_right_logical3A_267 = arith.constant 15 : i32
        %shift_right_logical3A_268 = vector.broadcast %shift_right_logical3A_267 : i32 to vector<16xi32>
        %shift_right_logical3A_269 = arith.shrui %get3A_261, %shift_right_logical3A_268 : vector<16xi32>
        %swap3A_270 = arith.constant 32 : index
        %swap3A_271 = tpu.vector_load %arg15[%swap3A_270] {strides = array<i32>} : memref<64xi32, #tpu.memory_space<vmem>>, vector<16xi32>,
        tpu.vector_store %arg15[%swap3A_270], %shift_right_logical3A_269 {strides = array<i32>} : memref<64xi32, #tpu.memory_space<vmem>>, vector<16xi32>,
        %mul3A_272 = arith.constant 64 : i32
        %mul3A_273 = arith.muli %add3A_223, %mul3A_272 : i32
        %add3A_274 = arith.constant 48 : i32
        %add3A_275 = arith.addi %mul3A_273, %add3A_274 : i32
        %get3A_276 = arith.index_cast %add3A_275 : i32 to index
        %get3A_277 = tpu.vector_load %arg12[%get3A_276] {strides = array<i32>} : memref<10112xi32, #tpu.memory_space<vmem>>, vector<16xi32>,
        %and3A_278 = arith.constant 32767 : i32
        %and3A_279 = vector.broadcast %and3A_278 : i32 to vector<16xi32>
        %and3A_280 = arith.andi %get3A_277, %and3A_279 : vector<16xi32>
        %swap3A_281 = arith.constant 48 : index
        %swap3A_282 = tpu.vector_load %arg13[%swap3A_281] {strides = array<i32>} : memref<64xi32, #tpu.memory_space<vmem>>, vector<16xi32>,
        tpu.vector_store %arg13[%swap3A_281], %and3A_280 {strides = array<i32>} : memref<64xi32, #tpu.memory_space<vmem>>, vector<16xi32>,
        %shift_right_logical3A_283 = arith.constant 15 : i32
        %shift_right_logical3A_284 = vector.broadcast %shift_right_logical3A_283 : i32 to vector<16xi32>
        %shift_right_logical3A_285 = arith.shrui %get3A_277, %shift_right_logical3A_284 : vector<16xi32>
        %swap3A_286 = arith.constant 48 : index
        %swap3A_287 = tpu.vector_load %arg15[%swap3A_286] {strides = array<i32>} : memref<64xi32, #tpu.memory_space<vmem>>, vector<16xi32>,
        tpu.vector_store %arg15[%swap3A_286], %shift_right_logical3A_285 {strides = array<i32>} : memref<64xi32, #tpu.memory_space<vmem>>, vector<16xi32>,
        %dma_start3A_288 = arith.constant 0 : i32
        %dma_start3A_289 = arith.constant 0 : i32
        %dma_start3A_290 = tpu.memref_slice %arg2[%dma_start3A_288, %dma_start3A_289] : memref<10000x128xf32, #tpu.memory_space<hbm>> -> memref<10000x128xf32, #tpu.memory_space<hbm>>
        tpu.enqueue_indirect_dma source(%dma_start3A_290 : memref<10000x128xf32, #tpu.memory_space<hbm>>) target(%arg8 : memref<64x128xf32, #tpu.memory_space<vmem>>) offsets(%arg13 : memref<64xi32, #tpu.memory_space<vmem>>) semaphore(%arg17 : memref<!tpu.dma_semaphore, #tpu.memory_space<semaphore_mem>>)
        %mul3A_291 = arith.constant 64 : i32
        %mul3A_292 = arith.muli %add3A_223, %mul3A_291 : i32
        %add3A_293 = arith.addi %mul3A_2, %mul3A_292 : i32
        %dma_start3A_294 = arith.constant 0 : i32
        %dma_start3A_295 = tpu.memref_slice %arg3[%add3A_293, %dma_start3A_294] : memref<323584x128xf32, #tpu.memory_space<hbm>> -> memref<64x128xf32, #tpu.memory_space<hbm>>
        %dma_start3A_296 = arith.constant 0 : i32
        %dma_start3A_297 = tpu.memref_slice %arg3[%add3A_293, %dma_start3A_296] : memref<323584x128xf32, #tpu.memory_space<hbm>> -> memref<64x128xf32, #tpu.memory_space<hbm>>
        tpu.enqueue_dma source(%dma_start3A_297 : memref<64x128xf32, #tpu.memory_space<hbm>>) target(%arg10 : memref<64x128xf32, #tpu.memory_space<vmem>>) target_semaphore(%arg19 : memref<!tpu.dma_semaphore, #tpu.memory_space<semaphore_mem>>)
      } else {
      }
      %add3A_197 = arith.constant 1 : i32
      %add3A_198 = arith.addi %mul3A_175, %add3A_197 : i32
      %dma_wait3A_199 = arith.constant 0 : i32
      %dma_wait3A_200 = arith.constant 0 : i32
      %dma_wait3A_201 = tpu.memref_slice %arg2[%dma_wait3A_199, %dma_wait3A_200] : memref<10000x128xf32, #tpu.memory_space<hbm>> -> memref<10000x128xf32, #tpu.memory_space<hbm>>
      tpu.wait_indirect_dma semaphore(%arg18 : memref<!tpu.dma_semaphore, #tpu.memory_space<semaphore_mem>>) src(%dma_wait3A_201 : memref<10000x128xf32, #tpu.memory_space<hbm>>) dst(%arg9 : memref<64x128xf32, #tpu.memory_space<vmem>>)
      %mul3A_202 = arith.constant 64 : i32
      %mul3A_203 = arith.muli %add3A_198, %mul3A_202 : i32
      %add3A_204 = arith.addi %mul3A_2, %mul3A_203 : i32
      %dma_wait3A_205 = arith.constant 0 : i32
      %dma_wait3A_206 = tpu.memref_slice %arg3[%add3A_204, %dma_wait3A_205] : memref<323584x128xf32, #tpu.memory_space<hbm>> -> memref<64x128xf32, #tpu.memory_space<hbm>>
      %dma_wait3A_207 = arith.constant 0 : i32
      %dma_wait3A_208 = tpu.memref_slice %arg3[%add3A_204, %dma_wait3A_207] : memref<323584x128xf32, #tpu.memory_space<hbm>> -> memref<64x128xf32, #tpu.memory_space<hbm>>
      tpu.wait_dma2 semaphore(%arg20 : memref<!tpu.dma_semaphore, #tpu.memory_space<semaphore_mem>>) src(%dma_wait3A_208 : memref<64x128xf32, #tpu.memory_space<hbm>>) dst(%arg11 : memref<64x128xf32, #tpu.memory_space<vmem>>)
      %scan3A_209 = arith.constant 0 : i32
      %scan3A_210 = arith.constant 0 : i32
      %scan3A_211 = arith.constant 64 : i32
      %scan3A_212 = arith.addi %scan3A_210, %scan3A_211 : i32
      %scan3A_213 = arith.constant 1 : i32
      scf.for %scan3A_222 = %scan3A_210 to %scan3A_212 step %scan3A_213  : i32 {
        %get3A_223 = arith.index_cast %scan3A_222 : i32 to index
        %get3A_224 = arith.constant 0 : index
        %get3A_225 = tpu.vector_load %arg9[%get3A_223, %get3A_224] {strides = array<i32>} : memref<64x128xf32, #tpu.memory_space<vmem>>, vector<16xf32>,
        %get3A_226 = arith.index_cast %scan3A_222 : i32 to index
        %get3A_227 = arith.constant 0 : index
        %get3A_228 = tpu.vector_load %arg11[%get3A_226, %get3A_227] {strides = array<i32>} : memref<64x128xf32, #tpu.memory_space<vmem>>, vector<16xf32>,
        %mul3A_229 = arith.mulf %get3A_225, %get3A_228 : vector<16xf32>
        %swap3A_230 = arith.index_cast %scan3A_222 : i32 to index
        %swap3A_231 = arith.constant 0 : index
        %swap3A_232 = tpu.vector_load %arg9[%swap3A_230, %swap3A_231] {strides = array<i32>} : memref<64x128xf32, #tpu.memory_space<vmem>>, vector<16xf32>,
        tpu.vector_store %arg9[%swap3A_230, %swap3A_231], %mul3A_229 {strides = array<i32>} : memref<64x128xf32, #tpu.memory_space<vmem>>, vector<16xf32>,
        %get3A_233 = arith.index_cast %scan3A_222 : i32 to index
        %get3A_234 = arith.constant 16 : index
        %get3A_235 = tpu.vector_load %arg9[%get3A_233, %get3A_234] {strides = array<i32>} : memref<64x128xf32, #tpu.memory_space<vmem>>, vector<16xf32>,
        %get3A_236 = arith.index_cast %scan3A_222 : i32 to index
        %get3A_237 = arith.constant 16 : index
        %get3A_238 = tpu.vector_load %arg11[%get3A_236, %get3A_237] {strides = array<i32>} : memref<64x128xf32, #tpu.memory_space<vmem>>, vector<16xf32>,
        %mul3A_239 = arith.mulf %get3A_235, %get3A_238 : vector<16xf32>
        %swap3A_240 = arith.index_cast %scan3A_222 : i32 to index
        %swap3A_241 = arith.constant 16 : index
        %swap3A_242 = tpu.vector_load %arg9[%swap3A_240, %swap3A_241] {strides = array<i32>} : memref<64x128xf32, #tpu.memory_space<vmem>>, vector<16xf32>,
        tpu.vector_store %arg9[%swap3A_240, %swap3A_241], %mul3A_239 {strides = array<i32>} : memref<64x128xf32, #tpu.memory_space<vmem>>, vector<16xf32>,
        %get3A_243 = arith.index_cast %scan3A_222 : i32 to index
        %get3A_244 = arith.constant 32 : index
        %get3A_245 = tpu.vector_load %arg9[%get3A_243, %get3A_244] {strides = array<i32>} : memref<64x128xf32, #tpu.memory_space<vmem>>, vector<16xf32>,
        %get3A_246 = arith.index_cast %scan3A_222 : i32 to index
        %get3A_247 = arith.constant 32 : index
        %get3A_248 = tpu.vector_load %arg11[%get3A_246, %get3A_247] {strides = array<i32>} : memref<64x128xf32, #tpu.memory_space<vmem>>, vector<16xf32>,
        %mul3A_249 = arith.mulf %get3A_245, %get3A_248 : vector<16xf32>
        %swap3A_250 = arith.index_cast %scan3A_222 : i32 to index
        %swap3A_251 = arith.constant 32 : index
        %swap3A_252 = tpu.vector_load %arg9[%swap3A_250, %swap3A_251] {strides = array<i32>} : memref<64x128xf32, #tpu.memory_space<vmem>>, vector<16xf32>,
        tpu.vector_store %arg9[%swap3A_250, %swap3A_251], %mul3A_249 {strides = array<i32>} : memref<64x128xf32, #tpu.memory_space<vmem>>, vector<16xf32>,
        %get3A_253 = arith.index_cast %scan3A_222 : i32 to index
        %get3A_254 = arith.constant 48 : index
        %get3A_255 = tpu.vector_load %arg9[%get3A_253, %get3A_254] {strides = array<i32>} : memref<64x128xf32, #tpu.memory_space<vmem>>, vector<16xf32>,
        %get3A_256 = arith.index_cast %scan3A_222 : i32 to index
        %get3A_257 = arith.constant 48 : index
        %get3A_258 = tpu.vector_load %arg11[%get3A_256, %get3A_257] {strides = array<i32>} : memref<64x128xf32, #tpu.memory_space<vmem>>, vector<16xf32>,
        %mul3A_259 = arith.mulf %get3A_255, %get3A_258 : vector<16xf32>
        %swap3A_260 = arith.index_cast %scan3A_222 : i32 to index
        %swap3A_261 = arith.constant 48 : index
        %swap3A_262 = tpu.vector_load %arg9[%swap3A_260, %swap3A_261] {strides = array<i32>} : memref<64x128xf32, #tpu.memory_space<vmem>>, vector<16xf32>,
        tpu.vector_store %arg9[%swap3A_260, %swap3A_261], %mul3A_259 {strides = array<i32>} : memref<64x128xf32, #tpu.memory_space<vmem>>, vector<16xf32>,
        %get3A_263 = arith.index_cast %scan3A_222 : i32 to index
        %get3A_264 = arith.constant 64 : index
        %get3A_265 = tpu.vector_load %arg9[%get3A_263, %get3A_264] {strides = array<i32>} : memref<64x128xf32, #tpu.memory_space<vmem>>, vector<16xf32>,
        %get3A_266 = arith.index_cast %scan3A_222 : i32 to index
        %get3A_267 = arith.constant 64 : index
        %get3A_268 = tpu.vector_load %arg11[%get3A_266, %get3A_267] {strides = array<i32>} : memref<64x128xf32, #tpu.memory_space<vmem>>, vector<16xf32>,
        %mul3A_269 = arith.mulf %get3A_265, %get3A_268 : vector<16xf32>
        %swap3A_270 = arith.index_cast %scan3A_222 : i32 to index
        %swap3A_271 = arith.constant 64 : index
        %swap3A_272 = tpu.vector_load %arg9[%swap3A_270, %swap3A_271] {strides = array<i32>} : memref<64x128xf32, #tpu.memory_space<vmem>>, vector<16xf32>,
        tpu.vector_store %arg9[%swap3A_270, %swap3A_271], %mul3A_269 {strides = array<i32>} : memref<64x128xf32, #tpu.memory_space<vmem>>, vector<16xf32>,
        %get3A_273 = arith.index_cast %scan3A_222 : i32 to index
        %get3A_274 = arith.constant 80 : index
        %get3A_275 = tpu.vector_load %arg9[%get3A_273, %get3A_274] {strides = array<i32>} : memref<64x128xf32, #tpu.memory_space<vmem>>, vector<16xf32>,
        %get3A_276 = arith.index_cast %scan3A_222 : i32 to index
        %get3A_277 = arith.constant 80 : index
        %get3A_278 = tpu.vector_load %arg11[%get3A_276, %get3A_277] {strides = array<i32>} : memref<64x128xf32, #tpu.memory_space<vmem>>, vector<16xf32>,
        %mul3A_279 = arith.mulf %get3A_275, %get3A_278 : vector<16xf32>
        %swap3A_280 = arith.index_cast %scan3A_222 : i32 to index
        %swap3A_281 = arith.constant 80 : index
        %swap3A_282 = tpu.vector_load %arg9[%swap3A_280, %swap3A_281] {strides = array<i32>} : memref<64x128xf32, #tpu.memory_space<vmem>>, vector<16xf32>,
        tpu.vector_store %arg9[%swap3A_280, %swap3A_281], %mul3A_279 {strides = array<i32>} : memref<64x128xf32, #tpu.memory_space<vmem>>, vector<16xf32>,
        %get3A_283 = arith.index_cast %scan3A_222 : i32 to index
        %get3A_284 = arith.constant 96 : index
        %get3A_285 = tpu.vector_load %arg9[%get3A_283, %get3A_284] {strides = array<i32>} : memref<64x128xf32, #tpu.memory_space<vmem>>, vector<16xf32>,
        %get3A_286 = arith.index_cast %scan3A_222 : i32 to index
        %get3A_287 = arith.constant 96 : index
        %get3A_288 = tpu.vector_load %arg11[%get3A_286, %get3A_287] {strides = array<i32>} : memref<64x128xf32, #tpu.memory_space<vmem>>, vector<16xf32>,
        %mul3A_289 = arith.mulf %get3A_285, %get3A_288 : vector<16xf32>
        %swap3A_290 = arith.index_cast %scan3A_222 : i32 to index
        %swap3A_291 = arith.constant 96 : index
        %swap3A_292 = tpu.vector_load %arg9[%swap3A_290, %swap3A_291] {strides = array<i32>} : memref<64x128xf32, #tpu.memory_space<vmem>>, vector<16xf32>,
        tpu.vector_store %arg9[%swap3A_290, %swap3A_291], %mul3A_289 {strides = array<i32>} : memref<64x128xf32, #tpu.memory_space<vmem>>, vector<16xf32>,
        %get3A_293 = arith.index_cast %scan3A_222 : i32 to index
        %get3A_294 = arith.constant 112 : index
        %get3A_295 = tpu.vector_load %arg9[%get3A_293, %get3A_294] {strides = array<i32>} : memref<64x128xf32, #tpu.memory_space<vmem>>, vector<16xf32>,
        %get3A_296 = arith.index_cast %scan3A_222 : i32 to index
        %get3A_297 = arith.constant 112 : index
        %get3A_298 = tpu.vector_load %arg11[%get3A_296, %get3A_297] {strides = array<i32>} : memref<64x128xf32, #tpu.memory_space<vmem>>, vector<16xf32>,
        %mul3A_299 = arith.mulf %get3A_295, %get3A_298 : vector<16xf32>
        %swap3A_300 = arith.index_cast %scan3A_222 : i32 to index
        %swap3A_301 = arith.constant 112 : index
        %swap3A_302 = tpu.vector_load %arg9[%swap3A_300, %swap3A_301] {strides = array<i32>} : memref<64x128xf32, #tpu.memory_space<vmem>>, vector<16xf32>,
        tpu.vector_store %arg9[%swap3A_300, %swap3A_301], %mul3A_299 {strides = array<i32>} : memref<64x128xf32, #tpu.memory_space<vmem>>, vector<16xf32>,
      }
      %scan3A_214 = arith.constant 64 : i32
      "tpu.region"() ({
        %run_scoped3A = tpu.sem_alloc : memref<!tpu.dma_semaphore, #tpu.memory_space<semaphore_mem>>
        %dma_start3A_222 = arith.constant 0 : i32
        %dma_start3A_223 = arith.constant 0 : i32
        %dma_start3A_224 = tpu.memref_slice %arg7[%dma_start3A_222, %dma_start3A_223] : memref<10240x128xf32, #tpu.memory_space<vmem_shared>> -> memref<10240x128xf32, #tpu.memory_space<vmem_shared>>
        tpu.enqueue_indirect_dma source(%arg9 : memref<64x128xf32, #tpu.memory_space<vmem>>) target(%dma_start3A_224 : memref<10240x128xf32, #tpu.memory_space<vmem_shared>>) offsets(%arg16 : memref<64xi32, #tpu.memory_space<vmem>>) semaphore(%run_scoped3A : memref<!tpu.dma_semaphore, #tpu.memory_space<semaphore_mem>>) {add = true}
        %dma_wait3A_225 = arith.constant 0 : i32
        %dma_wait3A_226 = arith.constant 0 : i32
        %dma_wait3A_227 = tpu.memref_slice %arg7[%dma_wait3A_225, %dma_wait3A_226] : memref<10240x128xf32, #tpu.memory_space<vmem_shared>> -> memref<10240x128xf32, #tpu.memory_space<vmem_shared>>
        tpu.wait_indirect_dma semaphore(%run_scoped3A : memref<!tpu.dma_semaphore, #tpu.memory_space<semaphore_mem>>) src(%arg9 : memref<64x128xf32, #tpu.memory_space<vmem>>) dst(%dma_wait3A_227 : memref<10240x128xf32, #tpu.memory_space<vmem_shared>>)
        tpu.yield
      }) : () -> ()
      %add3A_215 = arith.constant 2 : i32
      %add3A_216 = arith.addi %add3A_198, %add3A_215 : i32
      %lt3A_217 = arith.constant 158 : i32
      %lt3A_218 = arith.cmpi slt, %add3A_216, %lt3A_217 : i32
      %convert_element_type3A_219 = arith.extui %lt3A_218 : i1 to i32
      %cond3A_220 = arith.constant 0 : i32
      %cond3A_221 = arith.cmpi ne, %convert_element_type3A_219, %cond3A_220 : i32
      scf.if %cond3A_221 {
        %add3A_222 = arith.constant 2 : i32
        %add3A_223 = arith.addi %add3A_198, %add3A_222 : i32
        %mul3A_224 = arith.constant 64 : i32
        %mul3A_225 = arith.muli %add3A_223, %mul3A_224 : i32
        %add3A_226 = arith.constant 0 : i32
        %add3A_227 = arith.addi %mul3A_225, %add3A_226 : i32
        %get3A_228 = arith.index_cast %add3A_227 : i32 to index
        %get3A_229 = tpu.vector_load %arg12[%get3A_228] {strides = array<i32>} : memref<10112xi32, #tpu.memory_space<vmem>>, vector<16xi32>,
        %and3A_230 = arith.constant 32767 : i32
        %and3A_231 = vector.broadcast %and3A_230 : i32 to vector<16xi32>
        %and3A_232 = arith.andi %get3A_229, %and3A_231 : vector<16xi32>
        %swap3A_233 = arith.constant 0 : index
        %swap3A_234 = tpu.vector_load %arg14[%swap3A_233] {strides = array<i32>} : memref<64xi32, #tpu.memory_space<vmem>>, vector<16xi32>,
        tpu.vector_store %arg14[%swap3A_233], %and3A_232 {strides = array<i32>} : memref<64xi32, #tpu.memory_space<vmem>>, vector<16xi32>,
        %shift_right_logical3A_235 = arith.constant 15 : i32
        %shift_right_logical3A_236 = vector.broadcast %shift_right_logical3A_235 : i32 to vector<16xi32>
        %shift_right_logical3A_237 = arith.shrui %get3A_229, %shift_right_logical3A_236 : vector<16xi32>
        %swap3A_238 = arith.constant 0 : index
        %swap3A_239 = tpu.vector_load %arg16[%swap3A_238] {strides = array<i32>} : memref<64xi32, #tpu.memory_space<vmem>>, vector<16xi32>,
        tpu.vector_store %arg16[%swap3A_238], %shift_right_logical3A_237 {strides = array<i32>} : memref<64xi32, #tpu.memory_space<vmem>>, vector<16xi32>,
        %mul3A_240 = arith.constant 64 : i32
        %mul3A_241 = arith.muli %add3A_223, %mul3A_240 : i32
        %add3A_242 = arith.constant 16 : i32
        %add3A_243 = arith.addi %mul3A_241, %add3A_242 : i32
        %get3A_244 = arith.index_cast %add3A_243 : i32 to index
        %get3A_245 = tpu.vector_load %arg12[%get3A_244] {strides = array<i32>} : memref<10112xi32, #tpu.memory_space<vmem>>, vector<16xi32>,
        %and3A_246 = arith.constant 32767 : i32
        %and3A_247 = vector.broadcast %and3A_246 : i32 to vector<16xi32>
        %and3A_248 = arith.andi %get3A_245, %and3A_247 : vector<16xi32>
        %swap3A_249 = arith.constant 16 : index
        %swap3A_250 = tpu.vector_load %arg14[%swap3A_249] {strides = array<i32>} : memref<64xi32, #tpu.memory_space<vmem>>, vector<16xi32>,
        tpu.vector_store %arg14[%swap3A_249], %and3A_248 {strides = array<i32>} : memref<64xi32, #tpu.memory_space<vmem>>, vector<16xi32>,
        %shift_right_logical3A_251 = arith.constant 15 : i32
        %shift_right_logical3A_252 = vector.broadcast %shift_right_logical3A_251 : i32 to vector<16xi32>
        %shift_right_logical3A_253 = arith.shrui %get3A_245, %shift_right_logical3A_252 : vector<16xi32>
        %swap3A_254 = arith.constant 16 : index
        %swap3A_255 = tpu.vector_load %arg16[%swap3A_254] {strides = array<i32>} : memref<64xi32, #tpu.memory_space<vmem>>, vector<16xi32>,
        tpu.vector_store %arg16[%swap3A_254], %shift_right_logical3A_253 {strides = array<i32>} : memref<64xi32, #tpu.memory_space<vmem>>, vector<16xi32>,
        %mul3A_256 = arith.constant 64 : i32
        %mul3A_257 = arith.muli %add3A_223, %mul3A_256 : i32
        %add3A_258 = arith.constant 32 : i32
        %add3A_259 = arith.addi %mul3A_257, %add3A_258 : i32
        %get3A_260 = arith.index_cast %add3A_259 : i32 to index
        %get3A_261 = tpu.vector_load %arg12[%get3A_260] {strides = array<i32>} : memref<10112xi32, #tpu.memory_space<vmem>>, vector<16xi32>,
        %and3A_262 = arith.constant 32767 : i32
        %and3A_263 = vector.broadcast %and3A_262 : i32 to vector<16xi32>
        %and3A_264 = arith.andi %get3A_261, %and3A_263 : vector<16xi32>
        %swap3A_265 = arith.constant 32 : index
        %swap3A_266 = tpu.vector_load %arg14[%swap3A_265] {strides = array<i32>} : memref<64xi32, #tpu.memory_space<vmem>>, vector<16xi32>,
        tpu.vector_store %arg14[%swap3A_265], %and3A_264 {strides = array<i32>} : memref<64xi32, #tpu.memory_space<vmem>>, vector<16xi32>,
        %shift_right_logical3A_267 = arith.constant 15 : i32
        %shift_right_logical3A_268 = vector.broadcast %shift_right_logical3A_267 : i32 to vector<16xi32>
        %shift_right_logical3A_269 = arith.shrui %get3A_261, %shift_right_logical3A_268 : vector<16xi32>
        %swap3A_270 = arith.constant 32 : index
        %swap3A_271 = tpu.vector_load %arg16[%swap3A_270] {strides = array<i32>} : memref<64xi32, #tpu.memory_space<vmem>>, vector<16xi32>,
        tpu.vector_store %arg16[%swap3A_270], %shift_right_logical3A_269 {strides = array<i32>} : memref<64xi32, #tpu.memory_space<vmem>>, vector<16xi32>,
        %mul3A_272 = arith.constant 64 : i32
        %mul3A_273 = arith.muli %add3A_223, %mul3A_272 : i32
        %add3A_274 = arith.constant 48 : i32
        %add3A_275 = arith.addi %mul3A_273, %add3A_274 : i32
        %get3A_276 = arith.index_cast %add3A_275 : i32 to index
        %get3A_277 = tpu.vector_load %arg12[%get3A_276] {strides = array<i32>} : memref<10112xi32, #tpu.memory_space<vmem>>, vector<16xi32>,
        %and3A_278 = arith.constant 32767 : i32
        %and3A_279 = vector.broadcast %and3A_278 : i32 to vector<16xi32>
        %and3A_280 = arith.andi %get3A_277, %and3A_279 : vector<16xi32>
        %swap3A_281 = arith.constant 48 : index
        %swap3A_282 = tpu.vector_load %arg14[%swap3A_281] {strides = array<i32>} : memref<64xi32, #tpu.memory_space<vmem>>, vector<16xi32>,
        tpu.vector_store %arg14[%swap3A_281], %and3A_280 {strides = array<i32>} : memref<64xi32, #tpu.memory_space<vmem>>, vector<16xi32>,
        %shift_right_logical3A_283 = arith.constant 15 : i32
        %shift_right_logical3A_284 = vector.broadcast %shift_right_logical3A_283 : i32 to vector<16xi32>
        %shift_right_logical3A_285 = arith.shrui %get3A_277, %shift_right_logical3A_284 : vector<16xi32>
        %swap3A_286 = arith.constant 48 : index
        %swap3A_287 = tpu.vector_load %arg16[%swap3A_286] {strides = array<i32>} : memref<64xi32, #tpu.memory_space<vmem>>, vector<16xi32>,
        tpu.vector_store %arg16[%swap3A_286], %shift_right_logical3A_285 {strides = array<i32>} : memref<64xi32, #tpu.memory_space<vmem>>, vector<16xi32>,
        %dma_start3A_288 = arith.constant 0 : i32
        %dma_start3A_289 = arith.constant 0 : i32
        %dma_start3A_290 = tpu.memref_slice %arg2[%dma_start3A_288, %dma_start3A_289] : memref<10000x128xf32, #tpu.memory_space<hbm>> -> memref<10000x128xf32, #tpu.memory_space<hbm>>
        tpu.enqueue_indirect_dma source(%dma_start3A_290 : memref<10000x128xf32, #tpu.memory_space<hbm>>) target(%arg9 : memref<64x128xf32, #tpu.memory_space<vmem>>) offsets(%arg14 : memref<64xi32, #tpu.memory_space<vmem>>) semaphore(%arg18 : memref<!tpu.dma_semaphore, #tpu.memory_space<semaphore_mem>>)
        %mul3A_291 = arith.constant 64 : i32
        %mul3A_292 = arith.muli %add3A_223, %mul3A_291 : i32
        %add3A_293 = arith.addi %mul3A_2, %mul3A_292 : i32
        %dma_start3A_294 = arith.constant 0 : i32
        %dma_start3A_295 = tpu.memref_slice %arg3[%add3A_293, %dma_start3A_294] : memref<323584x128xf32, #tpu.memory_space<hbm>> -> memref<64x128xf32, #tpu.memory_space<hbm>>
        %dma_start3A_296 = arith.constant 0 : i32
        %dma_start3A_297 = tpu.memref_slice %arg3[%add3A_293, %dma_start3A_296] : memref<323584x128xf32, #tpu.memory_space<hbm>> -> memref<64x128xf32, #tpu.memory_space<hbm>>
        tpu.enqueue_dma source(%dma_start3A_297 : memref<64x128xf32, #tpu.memory_space<hbm>>) target(%arg11 : memref<64x128xf32, #tpu.memory_space<vmem>>) target_semaphore(%arg20 : memref<!tpu.dma_semaphore, #tpu.memory_space<semaphore_mem>>)
      } else {
      }
    }
    %scan3A_162 = arith.constant 79 : i32
    %barrier3A_163 = arith.constant 0 : index
    tpu.barrier barrier_id(%barrier3A_163)
    %mul3A_164 = arith.constant 640 : i32
    %mul3A_165 = arith.muli %arg1, %mul3A_164 : i32
    %eq3A = arith.constant 0 : i32
    %eq3A_166 = arith.cmpi eq, %arg0, %eq3A : i32
    %convert_element_type3A = arith.extui %eq3A_166 : i1 to i32
    %cond3A = arith.constant 0 : i32
    %cond3A_167 = arith.cmpi ne, %convert_element_type3A, %cond3A : i32
    scf.if %cond3A_167 {
      "tpu.region"() ({
        %run_scoped3A = tpu.sem_alloc : memref<!tpu.dma_semaphore, #tpu.memory_space<semaphore_mem>>
        %dma_start3A_173 = arith.constant 0 : i32
        %dma_start3A_174 = tpu.memref_slice %arg5[%mul3A_165, %dma_start3A_173] : memref<10240x128xf32, #tpu.memory_space<hbm>> -> memref<640x128xf32, #tpu.memory_space<hbm>>
        %dma_start3A_175 = arith.constant 0 : i32
        %dma_start3A_176 = tpu.memref_slice %arg7[%mul3A_165, %dma_start3A_175] : memref<10240x128xf32, #tpu.memory_space<vmem_shared>> -> memref<640x128xf32, #tpu.memory_space<vmem_shared>>
        tpu.enqueue_dma source(%dma_start3A_176 : memref<640x128xf32, #tpu.memory_space<vmem_shared>>) target(%dma_start3A_174 : memref<640x128xf32, #tpu.memory_space<hbm>>) target_semaphore(%run_scoped3A : memref<!tpu.dma_semaphore, #tpu.memory_space<semaphore_mem>>)
        %dma_wait3A = arith.constant 0 : i32
        %dma_wait3A_177 = tpu.memref_slice %arg5[%mul3A_165, %dma_wait3A] : memref<10240x128xf32, #tpu.memory_space<hbm>> -> memref<640x128xf32, #tpu.memory_space<hbm>>
        %dma_wait3A_178 = arith.constant 0 : i32
        %dma_wait3A_179 = tpu.memref_slice %arg7[%mul3A_165, %dma_wait3A_178] : memref<10240x128xf32, #tpu.memory_space<vmem_shared>> -> memref<640x128xf32, #tpu.memory_space<vmem_shared>>
        tpu.wait_dma2 semaphore(%run_scoped3A : memref<!tpu.dma_semaphore, #tpu.memory_space<semaphore_mem>>) src(%dma_wait3A_179 : memref<640x128xf32, #tpu.memory_space<vmem_shared>>) dst(%dma_wait3A_177 : memref<640x128xf32, #tpu.memory_space<hbm>>)
        tpu.yield
      }) : () -> ()
    } else {
    }
    %eq3A_168 = arith.constant 1 : i32
    %eq3A_169 = arith.cmpi eq, %arg0, %eq3A_168 : i32
    %convert_element_type3A_170 = arith.extui %eq3A_169 : i1 to i32
    %cond3A_171 = arith.constant 0 : i32
    %cond3A_172 = arith.cmpi ne, %convert_element_type3A_170, %cond3A_171 : i32
    scf.if %cond3A_172 {
      "tpu.region"() ({
        %run_scoped3A = tpu.sem_alloc : memref<!tpu.dma_semaphore, #tpu.memory_space<semaphore_mem>>
        %dma_start3A_173 = arith.constant 0 : i32
        %dma_start3A_174 = tpu.memref_slice %arg6[%mul3A_165, %dma_start3A_173] : memref<10240x128xf32, #tpu.memory_space<hbm>> -> memref<640x128xf32, #tpu.memory_space<hbm>>
        %dma_start3A_175 = arith.constant 0 : i32
        %dma_start3A_176 = tpu.memref_slice %arg7[%mul3A_165, %dma_start3A_175] : memref<10240x128xf32, #tpu.memory_space<vmem_shared>> -> memref<640x128xf32, #tpu.memory_space<vmem_shared>>
        tpu.enqueue_dma source(%dma_start3A_176 : memref<640x128xf32, #tpu.memory_space<vmem_shared>>) target(%dma_start3A_174 : memref<640x128xf32, #tpu.memory_space<hbm>>) target_semaphore(%run_scoped3A : memref<!tpu.dma_semaphore, #tpu.memory_space<semaphore_mem>>)
        %dma_wait3A = arith.constant 0 : i32
        %dma_wait3A_177 = tpu.memref_slice %arg6[%mul3A_165, %dma_wait3A] : memref<10240x128xf32, #tpu.memory_space<hbm>> -> memref<640x128xf32, #tpu.memory_space<hbm>>
        %dma_wait3A_178 = arith.constant 0 : i32
        %dma_wait3A_179 = tpu.memref_slice %arg7[%mul3A_165, %dma_wait3A_178] : memref<10240x128xf32, #tpu.memory_space<vmem_shared>> -> memref<640x128xf32, #tpu.memory_space<vmem_shared>>
        tpu.wait_dma2 semaphore(%run_scoped3A : memref<!tpu.dma_semaphore, #tpu.memory_space<semaphore_mem>>) src(%dma_wait3A_179 : memref<640x128xf32, #tpu.memory_space<vmem_shared>>) dst(%dma_wait3A_177 : memref<640x128xf32, #tpu.memory_space<hbm>>)
        tpu.yield
      }) : () -> ()
    } else {
    }
    return
  }
}

#map = affine_map<(d0, d1) -> (0, 0)>
module attributes {stable_mosaic.version = 14 : i64} {
  func.func @_sc_agg_body(%arg0: i32, %arg1: i32, %arg2: memref<10000x128xf32, #tpu.memory_space<hbm>>, %arg3: memref<323584x128xf32, #tpu.memory_space<hbm>>, %arg4: memref<32x10112xi32, #tpu.memory_space<hbm>>, %arg5: memref<10240x128xf32, #tpu.memory_space<hbm>>, %arg6: memref<10240x128xf32, #tpu.memory_space<hbm>>, %arg7: memref<10240x128xf32, #tpu.memory_space<vmem_shared>>, %arg8: memref<64x128xf32, #tpu.memory_space<vmem>>, %arg9: memref<64x128xf32, #tpu.memory_space<vmem>>, %arg10: memref<64x128xf32, #tpu.memory_space<vmem>>, %arg11: memref<64x128xf32, #tpu.memory_space<vmem>>, %arg12: memref<10112xi32, #tpu.memory_space<vmem>>, %arg13: memref<64xi32, #tpu.memory_space<vmem>>, %arg14: memref<64xi32, #tpu.memory_space<vmem>>, %arg15: memref<64xi32, #tpu.memory_space<vmem>>, %arg16: memref<64xi32, #tpu.memory_space<vmem>>, %arg17: memref<!tpu.dma_semaphore, #tpu.memory_space<semaphore_mem>>, %arg18: memref<!tpu.dma_semaphore, #tpu.memory_space<semaphore_mem>>, %arg19: memref<!tpu.dma_semaphore, #tpu.memory_space<semaphore_mem>>, %arg20: memref<!tpu.dma_semaphore, #tpu.memory_space<semaphore_mem>>) attributes {dimension_semantics = [#tpu.dimension_semantics<core_parallel>, #tpu.dimension_semantics<subcore_parallel>], iteration_bounds = array<i64: 2, 16>, scalar_prefetch = 0 : i64, scratch_operands = 14 : i64, tpu.core_type = #tpu.core_type<sc_vector_subcore>, window_params = [{transform_indices = #map}, {transform_indices = #map}, {transform_indices = #map}, {transform_indices = #map}, {transform_indices = #map}]} {
    %mul3A = arith.constant 16 : i32
    %mul3A_0 = arith.muli %arg0, %mul3A : i32
    %add3A = arith.addi %mul3A_0, %arg1 : i32
    %mul3A_1 = arith.constant 10112 : i32
    %mul3A_2 = arith.muli %add3A, %mul3A_1 : i32
    "tpu.region"() ({
      %run_scoped3A = tpu.sem_alloc : memref<!tpu.dma_semaphore, #tpu.memory_space<semaphore_mem>>
      %dma_start3A_173 = arith.constant 0 : i32
      %dma_start3A_174 = tpu.memref_slice %arg4[%add3A, %dma_start3A_173] : memref<32x10112xi32, #tpu.memory_space<hbm>> -> memref<1x10112xi32, #tpu.memory_space<hbm>>
      %dma_start3A_175 = tpu.memref_squeeze %dma_start3A_174 : memref<1x10112xi32, #tpu.memory_space<hbm>> -> memref<10112xi32, #tpu.memory_space<hbm>>
      %dma_start3A_176 = arith.constant 0 : i32
      %dma_start3A_177 = tpu.memref_slice %arg4[%add3A, %dma_start3A_176] : memref<32x10112xi32, #tpu.memory_space<hbm>> -> memref<1x10112xi32, #tpu.memory_space<hbm>>
      %dma_start3A_178 = tpu.memref_squeeze %dma_start3A_177 : memref<1x10112xi32, #tpu.memory_space<hbm>> -> memref<10112xi32, #tpu.memory_space<hbm>>
      tpu.enqueue_dma source(%dma_start3A_178 : memref<10112xi32, #tpu.memory_space<hbm>>) target(%arg12 : memref<10112xi32, #tpu.memory_space<vmem>>) target_semaphore(%run_scoped3A : memref<!tpu.dma_semaphore, #tpu.memory_space<semaphore_mem>>)
      %dma_wait3A = arith.constant 0 : i32
      %dma_wait3A_179 = tpu.memref_slice %arg4[%add3A, %dma_wait3A] : memref<32x10112xi32, #tpu.memory_space<hbm>> -> memref<1x10112xi32, #tpu.memory_space<hbm>>
      %dma_wait3A_180 = tpu.memref_squeeze %dma_wait3A_179 : memref<1x10112xi32, #tpu.memory_space<hbm>> -> memref<10112xi32, #tpu.memory_space<hbm>>
      %dma_wait3A_181 = arith.constant 0 : i32
      %dma_wait3A_182 = tpu.memref_slice %arg4[%add3A, %dma_wait3A_181] : memref<32x10112xi32, #tpu.memory_space<hbm>> -> memref<1x10112xi32, #tpu.memory_space<hbm>>
      %dma_wait3A_183 = tpu.memref_squeeze %dma_wait3A_182 : memref<1x10112xi32, #tpu.memory_space<hbm>> -> memref<10112xi32, #tpu.memory_space<hbm>>
      tpu.wait_dma2 semaphore(%run_scoped3A : memref<!tpu.dma_semaphore, #tpu.memory_space<semaphore_mem>>) src(%dma_wait3A_183 : memref<10112xi32, #tpu.memory_space<hbm>>) dst(%arg12 : memref<10112xi32, #tpu.memory_space<vmem>>)
      tpu.yield
    }) : () -> ()
    %scan3A = arith.constant 0 : i32
    %scan3A_3 = arith.constant 0 : i32
    %scan3A_4 = arith.constant 64 : i32
    %scan3A_5 = arith.addi %scan3A_3, %scan3A_4 : i32
    %scan3A_6 = arith.constant 1 : i32
    scf.for %scan3A_173 = %scan3A_3 to %scan3A_5 step %scan3A_6  : i32 {
      %broadcast_in_dim3A = arith.constant 0.000000e+00 : f32
      %broadcast_in_dim3A_174 = vector.broadcast %broadcast_in_dim3A : f32 to vector<16xf32>
      %swap3A_175 = arith.index_cast %scan3A_173 : i32 to index
      %swap3A_176 = arith.constant 0 : index
      %swap3A_177 = tpu.vector_load %arg8[%swap3A_175, %swap3A_176] {strides = array<i32>} : memref<64x128xf32, #tpu.memory_space<vmem>>, vector<16xf32>,
      tpu.vector_store %arg8[%swap3A_175, %swap3A_176], %broadcast_in_dim3A_174 {strides = array<i32>} : memref<64x128xf32, #tpu.memory_space<vmem>>, vector<16xf32>,
      %broadcast_in_dim3A_178 = arith.constant 0.000000e+00 : f32
      %broadcast_in_dim3A_179 = vector.broadcast %broadcast_in_dim3A_178 : f32 to vector<16xf32>
      %swap3A_180 = arith.index_cast %scan3A_173 : i32 to index
      %swap3A_181 = arith.constant 16 : index
      %swap3A_182 = tpu.vector_load %arg8[%swap3A_180, %swap3A_181] {strides = array<i32>} : memref<64x128xf32, #tpu.memory_space<vmem>>, vector<16xf32>,
      tpu.vector_store %arg8[%swap3A_180, %swap3A_181], %broadcast_in_dim3A_179 {strides = array<i32>} : memref<64x128xf32, #tpu.memory_space<vmem>>, vector<16xf32>,
      %broadcast_in_dim3A_183 = arith.constant 0.000000e+00 : f32
      %broadcast_in_dim3A_184 = vector.broadcast %broadcast_in_dim3A_183 : f32 to vector<16xf32>
      %swap3A_185 = arith.index_cast %scan3A_173 : i32 to index
      %swap3A_186 = arith.constant 32 : index
      %swap3A_187 = tpu.vector_load %arg8[%swap3A_185, %swap3A_186] {strides = array<i32>} : memref<64x128xf32, #tpu.memory_space<vmem>>, vector<16xf32>,
      tpu.vector_store %arg8[%swap3A_185, %swap3A_186], %broadcast_in_dim3A_184 {strides = array<i32>} : memref<64x128xf32, #tpu.memory_space<vmem>>, vector<16xf32>,
      %broadcast_in_dim3A_188 = arith.constant 0.000000e+00 : f32
      %broadcast_in_dim3A_189 = vector.broadcast %broadcast_in_dim3A_188 : f32 to vector<16xf32>
      %swap3A_190 = arith.index_cast %scan3A_173 : i32 to index
      %swap3A_191 = arith.constant 48 : index
      %swap3A_192 = tpu.vector_load %arg8[%swap3A_190, %swap3A_191] {strides = array<i32>} : memref<64x128xf32, #tpu.memory_space<vmem>>, vector<16xf32>,
      tpu.vector_store %arg8[%swap3A_190, %swap3A_191], %broadcast_in_dim3A_189 {strides = array<i32>} : memref<64x128xf32, #tpu.memory_space<vmem>>, vector<16xf32>,
      %broadcast_in_dim3A_193 = arith.constant 0.000000e+00 : f32
      %broadcast_in_dim3A_194 = vector.broadcast %broadcast_in_dim3A_193 : f32 to vector<16xf32>
      %swap3A_195 = arith.index_cast %scan3A_173 : i32 to index
      %swap3A_196 = arith.constant 64 : index
      %swap3A_197 = tpu.vector_load %arg8[%swap3A_195, %swap3A_196] {strides = array<i32>} : memref<64x128xf32, #tpu.memory_space<vmem>>, vector<16xf32>,
      tpu.vector_store %arg8[%swap3A_195, %swap3A_196], %broadcast_in_dim3A_194 {strides = array<i32>} : memref<64x128xf32, #tpu.memory_space<vmem>>, vector<16xf32>,
      %broadcast_in_dim3A_198 = arith.constant 0.000000e+00 : f32
      %broadcast_in_dim3A_199 = vector.broadcast %broadcast_in_dim3A_198 : f32 to vector<16xf32>
      %swap3A_200 = arith.index_cast %scan3A_173 : i32 to index
      %swap3A_201 = arith.constant 80 : index
      %swap3A_202 = tpu.vector_load %arg8[%swap3A_200, %swap3A_201] {strides = array<i32>} : memref<64x128xf32, #tpu.memory_space<vmem>>, vector<16xf32>,
      tpu.vector_store %arg8[%swap3A_200, %swap3A_201], %broadcast_in_dim3A_199 {strides = array<i32>} : memref<64x128xf32, #tpu.memory_space<vmem>>, vector<16xf32>,
      %broadcast_in_dim3A_203 = arith.constant 0.000000e+00 : f32
      %broadcast_in_dim3A_204 = vector.broadcast %broadcast_in_dim3A_203 : f32 to vector<16xf32>
      %swap3A_205 = arith.index_cast %scan3A_173 : i32 to index
      %swap3A_206 = arith.constant 96 : index
      %swap3A_207 = tpu.vector_load %arg8[%swap3A_205, %swap3A_206] {strides = array<i32>} : memref<64x128xf32, #tpu.memory_space<vmem>>, vector<16xf32>,
      tpu.vector_store %arg8[%swap3A_205, %swap3A_206], %broadcast_in_dim3A_204 {strides = array<i32>} : memref<64x128xf32, #tpu.memory_space<vmem>>, vector<16xf32>,
      %broadcast_in_dim3A_208 = arith.constant 0.000000e+00 : f32
      %broadcast_in_dim3A_209 = vector.broadcast %broadcast_in_dim3A_208 : f32 to vector<16xf32>
      %swap3A_210 = arith.index_cast %scan3A_173 : i32 to index
      %swap3A_211 = arith.constant 112 : index
      %swap3A_212 = tpu.vector_load %arg8[%swap3A_210, %swap3A_211] {strides = array<i32>} : memref<64x128xf32, #tpu.memory_space<vmem>>, vector<16xf32>,
      tpu.vector_store %arg8[%swap3A_210, %swap3A_211], %broadcast_in_dim3A_209 {strides = array<i32>} : memref<64x128xf32, #tpu.memory_space<vmem>>, vector<16xf32>,
    }
    %scan3A_7 = arith.constant 64 : i32
    %mul3A_8 = arith.constant 640 : i32
    %mul3A_9 = arith.muli %arg1, %mul3A_8 : i32
    %add3A_10 = arith.constant 0 : i32
    %add3A_11 = arith.addi %mul3A_9, %add3A_10 : i32
    "tpu.region"() ({
      %run_scoped3A = tpu.sem_alloc : memref<!tpu.dma_semaphore, #tpu.memory_space<semaphore_mem>>
      %dma_start3A_173 = arith.constant 0 : i32
      %dma_start3A_174 = tpu.memref_slice %arg7[%add3A_11, %dma_start3A_173] : memref<10240x128xf32, #tpu.memory_space<vmem_shared>> -> memref<64x128xf32, #tpu.memory_space<vmem_shared>>
      %dma_start3A_175 = arith.constant 0 : i32
      %dma_start3A_176 = tpu.memref_slice %arg7[%add3A_11, %dma_start3A_175] : memref<10240x128xf32, #tpu.memory_space<vmem_shared>> -> memref<64x128xf32, #tpu.memory_space<vmem_shared>>
      tpu.enqueue_dma source(%arg8 : memref<64x128xf32, #tpu.memory_space<vmem>>) target(%dma_start3A_176 : memref<64x128xf32, #tpu.memory_space<vmem_shared>>) target_semaphore(%run_scoped3A : memref<!tpu.dma_semaphore, #tpu.memory_space<semaphore_mem>>)
      %dma_wait3A = arith.constant 0 : i32
      %dma_wait3A_177 = tpu.memref_slice %arg7[%add3A_11, %dma_wait3A] : memref<10240x128xf32, #tpu.memory_space<vmem_shared>> -> memref<64x128xf32, #tpu.memory_space<vmem_shared>>
      %dma_wait3A_178 = arith.constant 0 : i32
      %dma_wait3A_179 = tpu.memref_slice %arg7[%add3A_11, %dma_wait3A_178] : memref<10240x128xf32, #tpu.memory_space<vmem_shared>> -> memref<64x128xf32, #tpu.memory_space<vmem_shared>>
      tpu.wait_dma2 semaphore(%run_scoped3A : memref<!tpu.dma_semaphore, #tpu.memory_space<semaphore_mem>>) src(%arg8 : memref<64x128xf32, #tpu.memory_space<vmem>>) dst(%dma_wait3A_179 : memref<64x128xf32, #tpu.memory_space<vmem_shared>>)
      tpu.yield
    }) : () -> ()
    %mul3A_12 = arith.constant 640 : i32
    %mul3A_13 = arith.muli %arg1, %mul3A_12 : i32
    %add3A_14 = arith.constant 64 : i32
    %add3A_15 = arith.addi %mul3A_13, %add3A_14 : i32
    "tpu.region"() ({
      %run_scoped3A = tpu.sem_alloc : memref<!tpu.dma_semaphore, #tpu.memory_space<semaphore_mem>>
      %dma_start3A_173 = arith.constant 0 : i32
      %dma_start3A_174 = tpu.memref_slice %arg7[%add3A_15, %dma_start3A_173] : memref<10240x128xf32, #tpu.memory_space<vmem_shared>> -> memref<64x128xf32, #tpu.memory_space<vmem_shared>>
      %dma_start3A_175 = arith.constant 0 : i32
      %dma_start3A_176 = tpu.memref_slice %arg7[%add3A_15, %dma_start3A_175] : memref<10240x128xf32, #tpu.memory_space<vmem_shared>> -> memref<64x128xf32, #tpu.memory_space<vmem_shared>>
      tpu.enqueue_dma source(%arg8 : memref<64x128xf32, #tpu.memory_space<vmem>>) target(%dma_start3A_176 : memref<64x128xf32, #tpu.memory_space<vmem_shared>>) target_semaphore(%run_scoped3A : memref<!tpu.dma_semaphore, #tpu.memory_space<semaphore_mem>>)
      %dma_wait3A = arith.constant 0 : i32
      %dma_wait3A_177 = tpu.memref_slice %arg7[%add3A_15, %dma_wait3A] : memref<10240x128xf32, #tpu.memory_space<vmem_shared>> -> memref<64x128xf32, #tpu.memory_space<vmem_shared>>
      %dma_wait3A_178 = arith.constant 0 : i32
      %dma_wait3A_179 = tpu.memref_slice %arg7[%add3A_15, %dma_wait3A_178] : memref<10240x128xf32, #tpu.memory_space<vmem_shared>> -> memref<64x128xf32, #tpu.memory_space<vmem_shared>>
      tpu.wait_dma2 semaphore(%run_scoped3A : memref<!tpu.dma_semaphore, #tpu.memory_space<semaphore_mem>>) src(%arg8 : memref<64x128xf32, #tpu.memory_space<vmem>>) dst(%dma_wait3A_179 : memref<64x128xf32, #tpu.memory_space<vmem_shared>>)
      tpu.yield
    }) : () -> ()
    %mul3A_16 = arith.constant 640 : i32
    %mul3A_17 = arith.muli %arg1, %mul3A_16 : i32
    %add3A_18 = arith.constant 128 : i32
    %add3A_19 = arith.addi %mul3A_17, %add3A_18 : i32
    "tpu.region"() ({
      %run_scoped3A = tpu.sem_alloc : memref<!tpu.dma_semaphore, #tpu.memory_space<semaphore_mem>>
      %dma_start3A_173 = arith.constant 0 : i32
      %dma_start3A_174 = tpu.memref_slice %arg7[%add3A_19, %dma_start3A_173] : memref<10240x128xf32, #tpu.memory_space<vmem_shared>> -> memref<64x128xf32, #tpu.memory_space<vmem_shared>>
      %dma_start3A_175 = arith.constant 0 : i32
      %dma_start3A_176 = tpu.memref_slice %arg7[%add3A_19, %dma_start3A_175] : memref<10240x128xf32, #tpu.memory_space<vmem_shared>> -> memref<64x128xf32, #tpu.memory_space<vmem_shared>>
      tpu.enqueue_dma source(%arg8 : memref<64x128xf32, #tpu.memory_space<vmem>>) target(%dma_start3A_176 : memref<64x128xf32, #tpu.memory_space<vmem_shared>>) target_semaphore(%run_scoped3A : memref<!tpu.dma_semaphore, #tpu.memory_space<semaphore_mem>>)
      %dma_wait3A = arith.constant 0 : i32
      %dma_wait3A_177 = tpu.memref_slice %arg7[%add3A_19, %dma_wait3A] : memref<10240x128xf32, #tpu.memory_space<vmem_shared>> -> memref<64x128xf32, #tpu.memory_space<vmem_shared>>
      %dma_wait3A_178 = arith.constant 0 : i32
      %dma_wait3A_179 = tpu.memref_slice %arg7[%add3A_19, %dma_wait3A_178] : memref<10240x128xf32, #tpu.memory_space<vmem_shared>> -> memref<64x128xf32, #tpu.memory_space<vmem_shared>>
      tpu.wait_dma2 semaphore(%run_scoped3A : memref<!tpu.dma_semaphore, #tpu.memory_space<semaphore_mem>>) src(%arg8 : memref<64x128xf32, #tpu.memory_space<vmem>>) dst(%dma_wait3A_179 : memref<64x128xf32, #tpu.memory_space<vmem_shared>>)
      tpu.yield
    }) : () -> ()
    %mul3A_20 = arith.constant 640 : i32
    %mul3A_21 = arith.muli %arg1, %mul3A_20 : i32
    %add3A_22 = arith.constant 192 : i32
    %add3A_23 = arith.addi %mul3A_21, %add3A_22 : i32
    "tpu.region"() ({
      %run_scoped3A = tpu.sem_alloc : memref<!tpu.dma_semaphore, #tpu.memory_space<semaphore_mem>>
      %dma_start3A_173 = arith.constant 0 : i32
      %dma_start3A_174 = tpu.memref_slice %arg7[%add3A_23, %dma_start3A_173] : memref<10240x128xf32, #tpu.memory_space<vmem_shared>> -> memref<64x128xf32, #tpu.memory_space<vmem_shared>>
      %dma_start3A_175 = arith.constant 0 : i32
      %dma_start3A_176 = tpu.memref_slice %arg7[%add3A_23, %dma_start3A_175] : memref<10240x128xf32, #tpu.memory_space<vmem_shared>> -> memref<64x128xf32, #tpu.memory_space<vmem_shared>>
      tpu.enqueue_dma source(%arg8 : memref<64x128xf32, #tpu.memory_space<vmem>>) target(%dma_start3A_176 : memref<64x128xf32, #tpu.memory_space<vmem_shared>>) target_semaphore(%run_scoped3A : memref<!tpu.dma_semaphore, #tpu.memory_space<semaphore_mem>>)
      %dma_wait3A = arith.constant 0 : i32
      %dma_wait3A_177 = tpu.memref_slice %arg7[%add3A_23, %dma_wait3A] : memref<10240x128xf32, #tpu.memory_space<vmem_shared>> -> memref<64x128xf32, #tpu.memory_space<vmem_shared>>
      %dma_wait3A_178 = arith.constant 0 : i32
      %dma_wait3A_179 = tpu.memref_slice %arg7[%add3A_23, %dma_wait3A_178] : memref<10240x128xf32, #tpu.memory_space<vmem_shared>> -> memref<64x128xf32, #tpu.memory_space<vmem_shared>>
      tpu.wait_dma2 semaphore(%run_scoped3A : memref<!tpu.dma_semaphore, #tpu.memory_space<semaphore_mem>>) src(%arg8 : memref<64x128xf32, #tpu.memory_space<vmem>>) dst(%dma_wait3A_179 : memref<64x128xf32, #tpu.memory_space<vmem_shared>>)
      tpu.yield
    }) : () -> ()
    %mul3A_24 = arith.constant 640 : i32
    %mul3A_25 = arith.muli %arg1, %mul3A_24 : i32
    %add3A_26 = arith.constant 256 : i32
    %add3A_27 = arith.addi %mul3A_25, %add3A_26 : i32
    "tpu.region"() ({
      %run_scoped3A = tpu.sem_alloc : memref<!tpu.dma_semaphore, #tpu.memory_space<semaphore_mem>>
      %dma_start3A_173 = arith.constant 0 : i32
      %dma_start3A_174 = tpu.memref_slice %arg7[%add3A_27, %dma_start3A_173] : memref<10240x128xf32, #tpu.memory_space<vmem_shared>> -> memref<64x128xf32, #tpu.memory_space<vmem_shared>>
      %dma_start3A_175 = arith.constant 0 : i32
      %dma_start3A_176 = tpu.memref_slice %arg7[%add3A_27, %dma_start3A_175] : memref<10240x128xf32, #tpu.memory_space<vmem_shared>> -> memref<64x128xf32, #tpu.memory_space<vmem_shared>>
      tpu.enqueue_dma source(%arg8 : memref<64x128xf32, #tpu.memory_space<vmem>>) target(%dma_start3A_176 : memref<64x128xf32, #tpu.memory_space<vmem_shared>>) target_semaphore(%run_scoped3A : memref<!tpu.dma_semaphore, #tpu.memory_space<semaphore_mem>>)
      %dma_wait3A = arith.constant 0 : i32
      %dma_wait3A_177 = tpu.memref_slice %arg7[%add3A_27, %dma_wait3A] : memref<10240x128xf32, #tpu.memory_space<vmem_shared>> -> memref<64x128xf32, #tpu.memory_space<vmem_shared>>
      %dma_wait3A_178 = arith.constant 0 : i32
      %dma_wait3A_179 = tpu.memref_slice %arg7[%add3A_27, %dma_wait3A_178] : memref<10240x128xf32, #tpu.memory_space<vmem_shared>> -> memref<64x128xf32, #tpu.memory_space<vmem_shared>>
      tpu.wait_dma2 semaphore(%run_scoped3A : memref<!tpu.dma_semaphore, #tpu.memory_space<semaphore_mem>>) src(%arg8 : memref<64x128xf32, #tpu.memory_space<vmem>>) dst(%dma_wait3A_179 : memref<64x128xf32, #tpu.memory_space<vmem_shared>>)
      tpu.yield
    }) : () -> ()
    %mul3A_28 = arith.constant 640 : i32
    %mul3A_29 = arith.muli %arg1, %mul3A_28 : i32
    %add3A_30 = arith.constant 320 : i32
    %add3A_31 = arith.addi %mul3A_29, %add3A_30 : i32
    "tpu.region"() ({
      %run_scoped3A = tpu.sem_alloc : memref<!tpu.dma_semaphore, #tpu.memory_space<semaphore_mem>>
      %dma_start3A_173 = arith.constant 0 : i32
      %dma_start3A_174 = tpu.memref_slice %arg7[%add3A_31, %dma_start3A_173] : memref<10240x128xf32, #tpu.memory_space<vmem_shared>> -> memref<64x128xf32, #tpu.memory_space<vmem_shared>>
      %dma_start3A_175 = arith.constant 0 : i32
      %dma_start3A_176 = tpu.memref_slice %arg7[%add3A_31, %dma_start3A_175] : memref<10240x128xf32, #tpu.memory_space<vmem_shared>> -> memref<64x128xf32, #tpu.memory_space<vmem_shared>>
      tpu.enqueue_dma source(%arg8 : memref<64x128xf32, #tpu.memory_space<vmem>>) target(%dma_start3A_176 : memref<64x128xf32, #tpu.memory_space<vmem_shared>>) target_semaphore(%run_scoped3A : memref<!tpu.dma_semaphore, #tpu.memory_space<semaphore_mem>>)
      %dma_wait3A = arith.constant 0 : i32
      %dma_wait3A_177 = tpu.memref_slice %arg7[%add3A_31, %dma_wait3A] : memref<10240x128xf32, #tpu.memory_space<vmem_shared>> -> memref<64x128xf32, #tpu.memory_space<vmem_shared>>
      %dma_wait3A_178 = arith.constant 0 : i32
      %dma_wait3A_179 = tpu.memref_slice %arg7[%add3A_31, %dma_wait3A_178] : memref<10240x128xf32, #tpu.memory_space<vmem_shared>> -> memref<64x128xf32, #tpu.memory_space<vmem_shared>>
      tpu.wait_dma2 semaphore(%run_scoped3A : memref<!tpu.dma_semaphore, #tpu.memory_space<semaphore_mem>>) src(%arg8 : memref<64x128xf32, #tpu.memory_space<vmem>>) dst(%dma_wait3A_179 : memref<64x128xf32, #tpu.memory_space<vmem_shared>>)
      tpu.yield
    }) : () -> ()
    %mul3A_32 = arith.constant 640 : i32
    %mul3A_33 = arith.muli %arg1, %mul3A_32 : i32
    %add3A_34 = arith.constant 384 : i32
    %add3A_35 = arith.addi %mul3A_33, %add3A_34 : i32
    "tpu.region"() ({
      %run_scoped3A = tpu.sem_alloc : memref<!tpu.dma_semaphore, #tpu.memory_space<semaphore_mem>>
      %dma_start3A_173 = arith.constant 0 : i32
      %dma_start3A_174 = tpu.memref_slice %arg7[%add3A_35, %dma_start3A_173] : memref<10240x128xf32, #tpu.memory_space<vmem_shared>> -> memref<64x128xf32, #tpu.memory_space<vmem_shared>>
      %dma_start3A_175 = arith.constant 0 : i32
      %dma_start3A_176 = tpu.memref_slice %arg7[%add3A_35, %dma_start3A_175] : memref<10240x128xf32, #tpu.memory_space<vmem_shared>> -> memref<64x128xf32, #tpu.memory_space<vmem_shared>>
      tpu.enqueue_dma source(%arg8 : memref<64x128xf32, #tpu.memory_space<vmem>>) target(%dma_start3A_176 : memref<64x128xf32, #tpu.memory_space<vmem_shared>>) target_semaphore(%run_scoped3A : memref<!tpu.dma_semaphore, #tpu.memory_space<semaphore_mem>>)
      %dma_wait3A = arith.constant 0 : i32
      %dma_wait3A_177 = tpu.memref_slice %arg7[%add3A_35, %dma_wait3A] : memref<10240x128xf32, #tpu.memory_space<vmem_shared>> -> memref<64x128xf32, #tpu.memory_space<vmem_shared>>
      %dma_wait3A_178 = arith.constant 0 : i32
      %dma_wait3A_179 = tpu.memref_slice %arg7[%add3A_35, %dma_wait3A_178] : memref<10240x128xf32, #tpu.memory_space<vmem_shared>> -> memref<64x128xf32, #tpu.memory_space<vmem_shared>>
      tpu.wait_dma2 semaphore(%run_scoped3A : memref<!tpu.dma_semaphore, #tpu.memory_space<semaphore_mem>>) src(%arg8 : memref<64x128xf32, #tpu.memory_space<vmem>>) dst(%dma_wait3A_179 : memref<64x128xf32, #tpu.memory_space<vmem_shared>>)
      tpu.yield
    }) : () -> ()
    %mul3A_36 = arith.constant 640 : i32
    %mul3A_37 = arith.muli %arg1, %mul3A_36 : i32
    %add3A_38 = arith.constant 448 : i32
    %add3A_39 = arith.addi %mul3A_37, %add3A_38 : i32
    "tpu.region"() ({
      %run_scoped3A = tpu.sem_alloc : memref<!tpu.dma_semaphore, #tpu.memory_space<semaphore_mem>>
      %dma_start3A_173 = arith.constant 0 : i32
      %dma_start3A_174 = tpu.memref_slice %arg7[%add3A_39, %dma_start3A_173] : memref<10240x128xf32, #tpu.memory_space<vmem_shared>> -> memref<64x128xf32, #tpu.memory_space<vmem_shared>>
      %dma_start3A_175 = arith.constant 0 : i32
      %dma_start3A_176 = tpu.memref_slice %arg7[%add3A_39, %dma_start3A_175] : memref<10240x128xf32, #tpu.memory_space<vmem_shared>> -> memref<64x128xf32, #tpu.memory_space<vmem_shared>>
      tpu.enqueue_dma source(%arg8 : memref<64x128xf32, #tpu.memory_space<vmem>>) target(%dma_start3A_176 : memref<64x128xf32, #tpu.memory_space<vmem_shared>>) target_semaphore(%run_scoped3A : memref<!tpu.dma_semaphore, #tpu.memory_space<semaphore_mem>>)
      %dma_wait3A = arith.constant 0 : i32
      %dma_wait3A_177 = tpu.memref_slice %arg7[%add3A_39, %dma_wait3A] : memref<10240x128xf32, #tpu.memory_space<vmem_shared>> -> memref<64x128xf32, #tpu.memory_space<vmem_shared>>
      %dma_wait3A_178 = arith.constant 0 : i32
      %dma_wait3A_179 = tpu.memref_slice %arg7[%add3A_39, %dma_wait3A_178] : memref<10240x128xf32, #tpu.memory_space<vmem_shared>> -> memref<64x128xf32, #tpu.memory_space<vmem_shared>>
      tpu.wait_dma2 semaphore(%run_scoped3A : memref<!tpu.dma_semaphore, #tpu.memory_space<semaphore_mem>>) src(%arg8 : memref<64x128xf32, #tpu.memory_space<vmem>>) dst(%dma_wait3A_179 : memref<64x128xf32, #tpu.memory_space<vmem_shared>>)
      tpu.yield
    }) : () -> ()
    %mul3A_40 = arith.constant 640 : i32
    %mul3A_41 = arith.muli %arg1, %mul3A_40 : i32
    %add3A_42 = arith.constant 512 : i32
    %add3A_43 = arith.addi %mul3A_41, %add3A_42 : i32
    "tpu.region"() ({
      %run_scoped3A = tpu.sem_alloc : memref<!tpu.dma_semaphore, #tpu.memory_space<semaphore_mem>>
      %dma_start3A_173 = arith.constant 0 : i32
      %dma_start3A_174 = tpu.memref_slice %arg7[%add3A_43, %dma_start3A_173] : memref<10240x128xf32, #tpu.memory_space<vmem_shared>> -> memref<64x128xf32, #tpu.memory_space<vmem_shared>>
      %dma_start3A_175 = arith.constant 0 : i32
      %dma_start3A_176 = tpu.memref_slice %arg7[%add3A_43, %dma_start3A_175] : memref<10240x128xf32, #tpu.memory_space<vmem_shared>> -> memref<64x128xf32, #tpu.memory_space<vmem_shared>>
      tpu.enqueue_dma source(%arg8 : memref<64x128xf32, #tpu.memory_space<vmem>>) target(%dma_start3A_176 : memref<64x128xf32, #tpu.memory_space<vmem_shared>>) target_semaphore(%run_scoped3A : memref<!tpu.dma_semaphore, #tpu.memory_space<semaphore_mem>>)
      %dma_wait3A = arith.constant 0 : i32
      %dma_wait3A_177 = tpu.memref_slice %arg7[%add3A_43, %dma_wait3A] : memref<10240x128xf32, #tpu.memory_space<vmem_shared>> -> memref<64x128xf32, #tpu.memory_space<vmem_shared>>
      %dma_wait3A_178 = arith.constant 0 : i32
      %dma_wait3A_179 = tpu.memref_slice %arg7[%add3A_43, %dma_wait3A_178] : memref<10240x128xf32, #tpu.memory_space<vmem_shared>> -> memref<64x128xf32, #tpu.memory_space<vmem_shared>>
      tpu.wait_dma2 semaphore(%run_scoped3A : memref<!tpu.dma_semaphore, #tpu.memory_space<semaphore_mem>>) src(%arg8 : memref<64x128xf32, #tpu.memory_space<vmem>>) dst(%dma_wait3A_179 : memref<64x128xf32, #tpu.memory_space<vmem_shared>>)
      tpu.yield
    }) : () -> ()
    %mul3A_44 = arith.constant 640 : i32
    %mul3A_45 = arith.muli %arg1, %mul3A_44 : i32
    %add3A_46 = arith.constant 576 : i32
    %add3A_47 = arith.addi %mul3A_45, %add3A_46 : i32
    "tpu.region"() ({
      %run_scoped3A = tpu.sem_alloc : memref<!tpu.dma_semaphore, #tpu.memory_space<semaphore_mem>>
      %dma_start3A_173 = arith.constant 0 : i32
      %dma_start3A_174 = tpu.memref_slice %arg7[%add3A_47, %dma_start3A_173] : memref<10240x128xf32, #tpu.memory_space<vmem_shared>> -> memref<64x128xf32, #tpu.memory_space<vmem_shared>>
      %dma_start3A_175 = arith.constant 0 : i32
      %dma_start3A_176 = tpu.memref_slice %arg7[%add3A_47, %dma_start3A_175] : memref<10240x128xf32, #tpu.memory_space<vmem_shared>> -> memref<64x128xf32, #tpu.memory_space<vmem_shared>>
      tpu.enqueue_dma source(%arg8 : memref<64x128xf32, #tpu.memory_space<vmem>>) target(%dma_start3A_176 : memref<64x128xf32, #tpu.memory_space<vmem_shared>>) target_semaphore(%run_scoped3A : memref<!tpu.dma_semaphore, #tpu.memory_space<semaphore_mem>>)
      %dma_wait3A = arith.constant 0 : i32
      %dma_wait3A_177 = tpu.memref_slice %arg7[%add3A_47, %dma_wait3A] : memref<10240x128xf32, #tpu.memory_space<vmem_shared>> -> memref<64x128xf32, #tpu.memory_space<vmem_shared>>
      %dma_wait3A_178 = arith.constant 0 : i32
      %dma_wait3A_179 = tpu.memref_slice %arg7[%add3A_47, %dma_wait3A_178] : memref<10240x128xf32, #tpu.memory_space<vmem_shared>> -> memref<64x128xf32, #tpu.memory_space<vmem_shared>>
      tpu.wait_dma2 semaphore(%run_scoped3A : memref<!tpu.dma_semaphore, #tpu.memory_space<semaphore_mem>>) src(%arg8 : memref<64x128xf32, #tpu.memory_space<vmem>>) dst(%dma_wait3A_179 : memref<64x128xf32, #tpu.memory_space<vmem_shared>>)
      tpu.yield
    }) : () -> ()
    %barrier3A = arith.constant 0 : index
    tpu.barrier barrier_id(%barrier3A)
    %get3A = arith.constant 0 : index
    %get3A_48 = tpu.vector_load %arg12[%get3A] {strides = array<i32>} : memref<10112xi32, #tpu.memory_space<vmem>>, vector<16xi32>,
    %and3A = arith.constant 32767 : i32
    %and3A_49 = vector.broadcast %and3A : i32 to vector<16xi32>
    %and3A_50 = arith.andi %get3A_48, %and3A_49 : vector<16xi32>
    %swap3A = arith.constant 0 : index
    %swap3A_51 = tpu.vector_load %arg13[%swap3A] {strides = array<i32>} : memref<64xi32, #tpu.memory_space<vmem>>, vector<16xi32>,
    tpu.vector_store %arg13[%swap3A], %and3A_50 {strides = array<i32>} : memref<64xi32, #tpu.memory_space<vmem>>, vector<16xi32>,
    %shift_right_logical3A = arith.constant 15 : i32
    %shift_right_logical3A_52 = vector.broadcast %shift_right_logical3A : i32 to vector<16xi32>
    %shift_right_logical3A_53 = arith.shrui %get3A_48, %shift_right_logical3A_52 : vector<16xi32>
    %swap3A_54 = arith.constant 0 : index
    %swap3A_55 = tpu.vector_load %arg15[%swap3A_54] {strides = array<i32>} : memref<64xi32, #tpu.memory_space<vmem>>, vector<16xi32>,
    tpu.vector_store %arg15[%swap3A_54], %shift_right_logical3A_53 {strides = array<i32>} : memref<64xi32, #tpu.memory_space<vmem>>, vector<16xi32>,
    %get3A_56 = arith.constant 16 : index
    %get3A_57 = tpu.vector_load %arg12[%get3A_56] {strides = array<i32>} : memref<10112xi32, #tpu.memory_space<vmem>>, vector<16xi32>,
    %and3A_58 = arith.constant 32767 : i32
    %and3A_59 = vector.broadcast %and3A_58 : i32 to vector<16xi32>
    %and3A_60 = arith.andi %get3A_57, %and3A_59 : vector<16xi32>
    %swap3A_61 = arith.constant 16 : index
    %swap3A_62 = tpu.vector_load %arg13[%swap3A_61] {strides = array<i32>} : memref<64xi32, #tpu.memory_space<vmem>>, vector<16xi32>,
    tpu.vector_store %arg13[%swap3A_61], %and3A_60 {strides = array<i32>} : memref<64xi32, #tpu.memory_space<vmem>>, vector<16xi32>,
    %shift_right_logical3A_63 = arith.constant 15 : i32
    %shift_right_logical3A_64 = vector.broadcast %shift_right_logical3A_63 : i32 to vector<16xi32>
    %shift_right_logical3A_65 = arith.shrui %get3A_57, %shift_right_logical3A_64 : vector<16xi32>
    %swap3A_66 = arith.constant 16 : index
    %swap3A_67 = tpu.vector_load %arg15[%swap3A_66] {strides = array<i32>} : memref<64xi32, #tpu.memory_space<vmem>>, vector<16xi32>,
    tpu.vector_store %arg15[%swap3A_66], %shift_right_logical3A_65 {strides = array<i32>} : memref<64xi32, #tpu.memory_space<vmem>>, vector<16xi32>,
    %get3A_68 = arith.constant 32 : index
    %get3A_69 = tpu.vector_load %arg12[%get3A_68] {strides = array<i32>} : memref<10112xi32, #tpu.memory_space<vmem>>, vector<16xi32>,
    %and3A_70 = arith.constant 32767 : i32
    %and3A_71 = vector.broadcast %and3A_70 : i32 to vector<16xi32>
    %and3A_72 = arith.andi %get3A_69, %and3A_71 : vector<16xi32>
    %swap3A_73 = arith.constant 32 : index
    %swap3A_74 = tpu.vector_load %arg13[%swap3A_73] {strides = array<i32>} : memref<64xi32, #tpu.memory_space<vmem>>, vector<16xi32>,
    tpu.vector_store %arg13[%swap3A_73], %and3A_72 {strides = array<i32>} : memref<64xi32, #tpu.memory_space<vmem>>, vector<16xi32>,
    %shift_right_logical3A_75 = arith.constant 15 : i32
    %shift_right_logical3A_76 = vector.broadcast %shift_right_logical3A_75 : i32 to vector<16xi32>
    %shift_right_logical3A_77 = arith.shrui %get3A_69, %shift_right_logical3A_76 : vector<16xi32>
    %swap3A_78 = arith.constant 32 : index
    %swap3A_79 = tpu.vector_load %arg15[%swap3A_78] {strides = array<i32>} : memref<64xi32, #tpu.memory_space<vmem>>, vector<16xi32>,
    tpu.vector_store %arg15[%swap3A_78], %shift_right_logical3A_77 {strides = array<i32>} : memref<64xi32, #tpu.memory_space<vmem>>, vector<16xi32>,
    %get3A_80 = arith.constant 48 : index
    %get3A_81 = tpu.vector_load %arg12[%get3A_80] {strides = array<i32>} : memref<10112xi32, #tpu.memory_space<vmem>>, vector<16xi32>,
    %and3A_82 = arith.constant 32767 : i32
    %and3A_83 = vector.broadcast %and3A_82 : i32 to vector<16xi32>
    %and3A_84 = arith.andi %get3A_81, %and3A_83 : vector<16xi32>
    %swap3A_85 = arith.constant 48 : index
    %swap3A_86 = tpu.vector_load %arg13[%swap3A_85] {strides = array<i32>} : memref<64xi32, #tpu.memory_space<vmem>>, vector<16xi32>,
    tpu.vector_store %arg13[%swap3A_85], %and3A_84 {strides = array<i32>} : memref<64xi32, #tpu.memory_space<vmem>>, vector<16xi32>,
    %shift_right_logical3A_87 = arith.constant 15 : i32
    %shift_right_logical3A_88 = vector.broadcast %shift_right_logical3A_87 : i32 to vector<16xi32>
    %shift_right_logical3A_89 = arith.shrui %get3A_81, %shift_right_logical3A_88 : vector<16xi32>
    %swap3A_90 = arith.constant 48 : index
    %swap3A_91 = tpu.vector_load %arg15[%swap3A_90] {strides = array<i32>} : memref<64xi32, #tpu.memory_space<vmem>>, vector<16xi32>,
    tpu.vector_store %arg15[%swap3A_90], %shift_right_logical3A_89 {strides = array<i32>} : memref<64xi32, #tpu.memory_space<vmem>>, vector<16xi32>,
    %dma_start3A = arith.constant 0 : i32
    %dma_start3A_92 = arith.constant 0 : i32
    %dma_start3A_93 = tpu.memref_slice %arg2[%dma_start3A, %dma_start3A_92] : memref<10000x128xf32, #tpu.memory_space<hbm>> -> memref<10000x128xf32, #tpu.memory_space<hbm>>
    tpu.enqueue_indirect_dma source(%dma_start3A_93 : memref<10000x128xf32, #tpu.memory_space<hbm>>) target(%arg8 : memref<64x128xf32, #tpu.memory_space<vmem>>) offsets(%arg13 : memref<64xi32, #tpu.memory_space<vmem>>) semaphore(%arg17 : memref<!tpu.dma_semaphore, #tpu.memory_space<semaphore_mem>>)
    %add3A_94 = arith.constant 0 : i32
    %add3A_95 = arith.addi %mul3A_2, %add3A_94 : i32
    %dma_start3A_96 = arith.constant 0 : i32
    %dma_start3A_97 = tpu.memref_slice %arg3[%add3A_95, %dma_start3A_96] : memref<323584x128xf32, #tpu.memory_space<hbm>> -> memref<64x128xf32, #tpu.memory_space<hbm>>
    %dma_start3A_98 = arith.constant 0 : i32
    %dma_start3A_99 = tpu.memref_slice %arg3[%add3A_95, %dma_start3A_98] : memref<323584x128xf32, #tpu.memory_space<hbm>> -> memref<64x128xf32, #tpu.memory_space<hbm>>
    tpu.enqueue_dma source(%dma_start3A_99 : memref<64x128xf32, #tpu.memory_space<hbm>>) target(%arg10 : memref<64x128xf32, #tpu.memory_space<vmem>>) target_semaphore(%arg19 : memref<!tpu.dma_semaphore, #tpu.memory_space<semaphore_mem>>)
    %get3A_100 = arith.constant 64 : index
    %get3A_101 = tpu.vector_load %arg12[%get3A_100] {strides = array<i32>} : memref<10112xi32, #tpu.memory_space<vmem>>, vector<16xi32>,
    %and3A_102 = arith.constant 32767 : i32
    %and3A_103 = vector.broadcast %and3A_102 : i32 to vector<16xi32>
    %and3A_104 = arith.andi %get3A_101, %and3A_103 : vector<16xi32>
    %swap3A_105 = arith.constant 0 : index
    %swap3A_106 = tpu.vector_load %arg14[%swap3A_105] {strides = array<i32>} : memref<64xi32, #tpu.memory_space<vmem>>, vector<16xi32>,
    tpu.vector_store %arg14[%swap3A_105], %and3A_104 {strides = array<i32>} : memref<64xi32, #tpu.memory_space<vmem>>, vector<16xi32>,
    %shift_right_logical3A_107 = arith.constant 15 : i32
    %shift_right_logical3A_108 = vector.broadcast %shift_right_logical3A_107 : i32 to vector<16xi32>
    %shift_right_logical3A_109 = arith.shrui %get3A_101, %shift_right_logical3A_108 : vector<16xi32>
    %swap3A_110 = arith.constant 0 : index
    %swap3A_111 = tpu.vector_load %arg16[%swap3A_110] {strides = array<i32>} : memref<64xi32, #tpu.memory_space<vmem>>, vector<16xi32>,
    tpu.vector_store %arg16[%swap3A_110], %shift_right_logical3A_109 {strides = array<i32>} : memref<64xi32, #tpu.memory_space<vmem>>, vector<16xi32>,
    %get3A_112 = arith.constant 80 : index
    %get3A_113 = tpu.vector_load %arg12[%get3A_112] {strides = array<i32>} : memref<10112xi32, #tpu.memory_space<vmem>>, vector<16xi32>,
    %and3A_114 = arith.constant 32767 : i32
    %and3A_115 = vector.broadcast %and3A_114 : i32 to vector<16xi32>
    %and3A_116 = arith.andi %get3A_113, %and3A_115 : vector<16xi32>
    %swap3A_117 = arith.constant 16 : index
    %swap3A_118 = tpu.vector_load %arg14[%swap3A_117] {strides = array<i32>} : memref<64xi32, #tpu.memory_space<vmem>>, vector<16xi32>,
    tpu.vector_store %arg14[%swap3A_117], %and3A_116 {strides = array<i32>} : memref<64xi32, #tpu.memory_space<vmem>>, vector<16xi32>,
    %shift_right_logical3A_119 = arith.constant 15 : i32
    %shift_right_logical3A_120 = vector.broadcast %shift_right_logical3A_119 : i32 to vector<16xi32>
    %shift_right_logical3A_121 = arith.shrui %get3A_113, %shift_right_logical3A_120 : vector<16xi32>
    %swap3A_122 = arith.constant 16 : index
    %swap3A_123 = tpu.vector_load %arg16[%swap3A_122] {strides = array<i32>} : memref<64xi32, #tpu.memory_space<vmem>>, vector<16xi32>,
    tpu.vector_store %arg16[%swap3A_122], %shift_right_logical3A_121 {strides = array<i32>} : memref<64xi32, #tpu.memory_space<vmem>>, vector<16xi32>,
    %get3A_124 = arith.constant 96 : index
    %get3A_125 = tpu.vector_load %arg12[%get3A_124] {strides = array<i32>} : memref<10112xi32, #tpu.memory_space<vmem>>, vector<16xi32>,
    %and3A_126 = arith.constant 32767 : i32
    %and3A_127 = vector.broadcast %and3A_126 : i32 to vector<16xi32>
    %and3A_128 = arith.andi %get3A_125, %and3A_127 : vector<16xi32>
    %swap3A_129 = arith.constant 32 : index
    %swap3A_130 = tpu.vector_load %arg14[%swap3A_129] {strides = array<i32>} : memref<64xi32, #tpu.memory_space<vmem>>, vector<16xi32>,
    tpu.vector_store %arg14[%swap3A_129], %and3A_128 {strides = array<i32>} : memref<64xi32, #tpu.memory_space<vmem>>, vector<16xi32>,
    %shift_right_logical3A_131 = arith.constant 15 : i32
    %shift_right_logical3A_132 = vector.broadcast %shift_right_logical3A_131 : i32 to vector<16xi32>
    %shift_right_logical3A_133 = arith.shrui %get3A_125, %shift_right_logical3A_132 : vector<16xi32>
    %swap3A_134 = arith.constant 32 : index
    %swap3A_135 = tpu.vector_load %arg16[%swap3A_134] {strides = array<i32>} : memref<64xi32, #tpu.memory_space<vmem>>, vector<16xi32>,
    tpu.vector_store %arg16[%swap3A_134], %shift_right_logical3A_133 {strides = array<i32>} : memref<64xi32, #tpu.memory_space<vmem>>, vector<16xi32>,
    %get3A_136 = arith.constant 112 : index
    %get3A_137 = tpu.vector_load %arg12[%get3A_136] {strides = array<i32>} : memref<10112xi32, #tpu.memory_space<vmem>>, vector<16xi32>,
    %and3A_138 = arith.constant 32767 : i32
    %and3A_139 = vector.broadcast %and3A_138 : i32 to vector<16xi32>
    %and3A_140 = arith.andi %get3A_137, %and3A_139 : vector<16xi32>
    %swap3A_141 = arith.constant 48 : index
    %swap3A_142 = tpu.vector_load %arg14[%swap3A_141] {strides = array<i32>} : memref<64xi32, #tpu.memory_space<vmem>>, vector<16xi32>,
    tpu.vector_store %arg14[%swap3A_141], %and3A_140 {strides = array<i32>} : memref<64xi32, #tpu.memory_space<vmem>>, vector<16xi32>,
    %shift_right_logical3A_143 = arith.constant 15 : i32
    %shift_right_logical3A_144 = vector.broadcast %shift_right_logical3A_143 : i32 to vector<16xi32>
    %shift_right_logical3A_145 = arith.shrui %get3A_137, %shift_right_logical3A_144 : vector<16xi32>
    %swap3A_146 = arith.constant 48 : index
    %swap3A_147 = tpu.vector_load %arg16[%swap3A_146] {strides = array<i32>} : memref<64xi32, #tpu.memory_space<vmem>>, vector<16xi32>,
    tpu.vector_store %arg16[%swap3A_146], %shift_right_logical3A_145 {strides = array<i32>} : memref<64xi32, #tpu.memory_space<vmem>>, vector<16xi32>,
    %dma_start3A_148 = arith.constant 0 : i32
    %dma_start3A_149 = arith.constant 0 : i32
    %dma_start3A_150 = tpu.memref_slice %arg2[%dma_start3A_148, %dma_start3A_149] : memref<10000x128xf32, #tpu.memory_space<hbm>> -> memref<10000x128xf32, #tpu.memory_space<hbm>>
    tpu.enqueue_indirect_dma source(%dma_start3A_150 : memref<10000x128xf32, #tpu.memory_space<hbm>>) target(%arg9 : memref<64x128xf32, #tpu.memory_space<vmem>>) offsets(%arg14 : memref<64xi32, #tpu.memory_space<vmem>>) semaphore(%arg18 : memref<!tpu.dma_semaphore, #tpu.memory_space<semaphore_mem>>)
    %add3A_151 = arith.constant 64 : i32
    %add3A_152 = arith.addi %mul3A_2, %add3A_151 : i32
    %dma_start3A_153 = arith.constant 0 : i32
    %dma_start3A_154 = tpu.memref_slice %arg3[%add3A_152, %dma_start3A_153] : memref<323584x128xf32, #tpu.memory_space<hbm>> -> memref<64x128xf32, #tpu.memory_space<hbm>>
    %dma_start3A_155 = arith.constant 0 : i32
    %dma_start3A_156 = tpu.memref_slice %arg3[%add3A_152, %dma_start3A_155] : memref<323584x128xf32, #tpu.memory_space<hbm>> -> memref<64x128xf32, #tpu.memory_space<hbm>>
    tpu.enqueue_dma source(%dma_start3A_156 : memref<64x128xf32, #tpu.memory_space<hbm>>) target(%arg11 : memref<64x128xf32, #tpu.memory_space<vmem>>) target_semaphore(%arg20 : memref<!tpu.dma_semaphore, #tpu.memory_space<semaphore_mem>>)
    %scan3A_157 = arith.constant 0 : i32
    %scan3A_158 = arith.constant 0 : i32
    %scan3A_159 = arith.constant 79 : i32
    %scan3A_160 = arith.addi %scan3A_158, %scan3A_159 : i32
    %scan3A_161 = arith.constant 1 : i32
    scf.for %scan3A_173 = %scan3A_158 to %scan3A_160 step %scan3A_161  : i32 {
      %mul3A_174 = arith.constant 2 : i32
      %mul3A_175 = arith.muli %mul3A_174, %scan3A_173 : i32
      %dma_wait3A = arith.constant 0 : i32
      %dma_wait3A_176 = arith.constant 0 : i32
      %dma_wait3A_177 = tpu.memref_slice %arg2[%dma_wait3A, %dma_wait3A_176] : memref<10000x128xf32, #tpu.memory_space<hbm>> -> memref<10000x128xf32, #tpu.memory_space<hbm>>
      tpu.wait_indirect_dma semaphore(%arg17 : memref<!tpu.dma_semaphore, #tpu.memory_space<semaphore_mem>>) src(%dma_wait3A_177 : memref<10000x128xf32, #tpu.memory_space<hbm>>) dst(%arg8 : memref<64x128xf32, #tpu.memory_space<vmem>>)
      %mul3A_178 = arith.constant 64 : i32
      %mul3A_179 = arith.muli %mul3A_175, %mul3A_178 : i32
      %add3A_180 = arith.addi %mul3A_2, %mul3A_179 : i32
      %dma_wait3A_181 = arith.constant 0 : i32
      %dma_wait3A_182 = tpu.memref_slice %arg3[%add3A_180, %dma_wait3A_181] : memref<323584x128xf32, #tpu.memory_space<hbm>> -> memref<64x128xf32, #tpu.memory_space<hbm>>
      %dma_wait3A_183 = arith.constant 0 : i32
      %dma_wait3A_184 = tpu.memref_slice %arg3[%add3A_180, %dma_wait3A_183] : memref<323584x128xf32, #tpu.memory_space<hbm>> -> memref<64x128xf32, #tpu.memory_space<hbm>>
      tpu.wait_dma2 semaphore(%arg19 : memref<!tpu.dma_semaphore, #tpu.memory_space<semaphore_mem>>) src(%dma_wait3A_184 : memref<64x128xf32, #tpu.memory_space<hbm>>) dst(%arg10 : memref<64x128xf32, #tpu.memory_space<vmem>>)
      %scan3A_185 = arith.constant 0 : i32
      %scan3A_186 = arith.constant 0 : i32
      %scan3A_187 = arith.constant 64 : i32
      %scan3A_188 = arith.addi %scan3A_186, %scan3A_187 : i32
      %scan3A_189 = arith.constant 1 : i32
      scf.for %scan3A_222 = %scan3A_186 to %scan3A_188 step %scan3A_189  : i32 {
        %get3A_223 = arith.index_cast %scan3A_222 : i32 to index
        %get3A_224 = arith.constant 0 : index
        %get3A_225 = tpu.vector_load %arg8[%get3A_223, %get3A_224] {strides = array<i32>} : memref<64x128xf32, #tpu.memory_space<vmem>>, vector<16xf32>,
        %get3A_226 = arith.index_cast %scan3A_222 : i32 to index
        %get3A_227 = arith.constant 0 : index
        %get3A_228 = tpu.vector_load %arg10[%get3A_226, %get3A_227] {strides = array<i32>} : memref<64x128xf32, #tpu.memory_space<vmem>>, vector<16xf32>,
        %mul3A_229 = arith.mulf %get3A_225, %get3A_228 : vector<16xf32>
        %swap3A_230 = arith.index_cast %scan3A_222 : i32 to index
        %swap3A_231 = arith.constant 0 : index
        %swap3A_232 = tpu.vector_load %arg8[%swap3A_230, %swap3A_231] {strides = array<i32>} : memref<64x128xf32, #tpu.memory_space<vmem>>, vector<16xf32>,
        tpu.vector_store %arg8[%swap3A_230, %swap3A_231], %mul3A_229 {strides = array<i32>} : memref<64x128xf32, #tpu.memory_space<vmem>>, vector<16xf32>,
        %get3A_233 = arith.index_cast %scan3A_222 : i32 to index
        %get3A_234 = arith.constant 16 : index
        %get3A_235 = tpu.vector_load %arg8[%get3A_233, %get3A_234] {strides = array<i32>} : memref<64x128xf32, #tpu.memory_space<vmem>>, vector<16xf32>,
        %get3A_236 = arith.index_cast %scan3A_222 : i32 to index
        %get3A_237 = arith.constant 16 : index
        %get3A_238 = tpu.vector_load %arg10[%get3A_236, %get3A_237] {strides = array<i32>} : memref<64x128xf32, #tpu.memory_space<vmem>>, vector<16xf32>,
        %mul3A_239 = arith.mulf %get3A_235, %get3A_238 : vector<16xf32>
        %swap3A_240 = arith.index_cast %scan3A_222 : i32 to index
        %swap3A_241 = arith.constant 16 : index
        %swap3A_242 = tpu.vector_load %arg8[%swap3A_240, %swap3A_241] {strides = array<i32>} : memref<64x128xf32, #tpu.memory_space<vmem>>, vector<16xf32>,
        tpu.vector_store %arg8[%swap3A_240, %swap3A_241], %mul3A_239 {strides = array<i32>} : memref<64x128xf32, #tpu.memory_space<vmem>>, vector<16xf32>,
        %get3A_243 = arith.index_cast %scan3A_222 : i32 to index
        %get3A_244 = arith.constant 32 : index
        %get3A_245 = tpu.vector_load %arg8[%get3A_243, %get3A_244] {strides = array<i32>} : memref<64x128xf32, #tpu.memory_space<vmem>>, vector<16xf32>,
        %get3A_246 = arith.index_cast %scan3A_222 : i32 to index
        %get3A_247 = arith.constant 32 : index
        %get3A_248 = tpu.vector_load %arg10[%get3A_246, %get3A_247] {strides = array<i32>} : memref<64x128xf32, #tpu.memory_space<vmem>>, vector<16xf32>,
        %mul3A_249 = arith.mulf %get3A_245, %get3A_248 : vector<16xf32>
        %swap3A_250 = arith.index_cast %scan3A_222 : i32 to index
        %swap3A_251 = arith.constant 32 : index
        %swap3A_252 = tpu.vector_load %arg8[%swap3A_250, %swap3A_251] {strides = array<i32>} : memref<64x128xf32, #tpu.memory_space<vmem>>, vector<16xf32>,
        tpu.vector_store %arg8[%swap3A_250, %swap3A_251], %mul3A_249 {strides = array<i32>} : memref<64x128xf32, #tpu.memory_space<vmem>>, vector<16xf32>,
        %get3A_253 = arith.index_cast %scan3A_222 : i32 to index
        %get3A_254 = arith.constant 48 : index
        %get3A_255 = tpu.vector_load %arg8[%get3A_253, %get3A_254] {strides = array<i32>} : memref<64x128xf32, #tpu.memory_space<vmem>>, vector<16xf32>,
        %get3A_256 = arith.index_cast %scan3A_222 : i32 to index
        %get3A_257 = arith.constant 48 : index
        %get3A_258 = tpu.vector_load %arg10[%get3A_256, %get3A_257] {strides = array<i32>} : memref<64x128xf32, #tpu.memory_space<vmem>>, vector<16xf32>,
        %mul3A_259 = arith.mulf %get3A_255, %get3A_258 : vector<16xf32>
        %swap3A_260 = arith.index_cast %scan3A_222 : i32 to index
        %swap3A_261 = arith.constant 48 : index
        %swap3A_262 = tpu.vector_load %arg8[%swap3A_260, %swap3A_261] {strides = array<i32>} : memref<64x128xf32, #tpu.memory_space<vmem>>, vector<16xf32>,
        tpu.vector_store %arg8[%swap3A_260, %swap3A_261], %mul3A_259 {strides = array<i32>} : memref<64x128xf32, #tpu.memory_space<vmem>>, vector<16xf32>,
        %get3A_263 = arith.index_cast %scan3A_222 : i32 to index
        %get3A_264 = arith.constant 64 : index
        %get3A_265 = tpu.vector_load %arg8[%get3A_263, %get3A_264] {strides = array<i32>} : memref<64x128xf32, #tpu.memory_space<vmem>>, vector<16xf32>,
        %get3A_266 = arith.index_cast %scan3A_222 : i32 to index
        %get3A_267 = arith.constant 64 : index
        %get3A_268 = tpu.vector_load %arg10[%get3A_266, %get3A_267] {strides = array<i32>} : memref<64x128xf32, #tpu.memory_space<vmem>>, vector<16xf32>,
        %mul3A_269 = arith.mulf %get3A_265, %get3A_268 : vector<16xf32>
        %swap3A_270 = arith.index_cast %scan3A_222 : i32 to index
        %swap3A_271 = arith.constant 64 : index
        %swap3A_272 = tpu.vector_load %arg8[%swap3A_270, %swap3A_271] {strides = array<i32>} : memref<64x128xf32, #tpu.memory_space<vmem>>, vector<16xf32>,
        tpu.vector_store %arg8[%swap3A_270, %swap3A_271], %mul3A_269 {strides = array<i32>} : memref<64x128xf32, #tpu.memory_space<vmem>>, vector<16xf32>,
        %get3A_273 = arith.index_cast %scan3A_222 : i32 to index
        %get3A_274 = arith.constant 80 : index
        %get3A_275 = tpu.vector_load %arg8[%get3A_273, %get3A_274] {strides = array<i32>} : memref<64x128xf32, #tpu.memory_space<vmem>>, vector<16xf32>,
        %get3A_276 = arith.index_cast %scan3A_222 : i32 to index
        %get3A_277 = arith.constant 80 : index
        %get3A_278 = tpu.vector_load %arg10[%get3A_276, %get3A_277] {strides = array<i32>} : memref<64x128xf32, #tpu.memory_space<vmem>>, vector<16xf32>,
        %mul3A_279 = arith.mulf %get3A_275, %get3A_278 : vector<16xf32>
        %swap3A_280 = arith.index_cast %scan3A_222 : i32 to index
        %swap3A_281 = arith.constant 80 : index
        %swap3A_282 = tpu.vector_load %arg8[%swap3A_280, %swap3A_281] {strides = array<i32>} : memref<64x128xf32, #tpu.memory_space<vmem>>, vector<16xf32>,
        tpu.vector_store %arg8[%swap3A_280, %swap3A_281], %mul3A_279 {strides = array<i32>} : memref<64x128xf32, #tpu.memory_space<vmem>>, vector<16xf32>,
        %get3A_283 = arith.index_cast %scan3A_222 : i32 to index
        %get3A_284 = arith.constant 96 : index
        %get3A_285 = tpu.vector_load %arg8[%get3A_283, %get3A_284] {strides = array<i32>} : memref<64x128xf32, #tpu.memory_space<vmem>>, vector<16xf32>,
        %get3A_286 = arith.index_cast %scan3A_222 : i32 to index
        %get3A_287 = arith.constant 96 : index
        %get3A_288 = tpu.vector_load %arg10[%get3A_286, %get3A_287] {strides = array<i32>} : memref<64x128xf32, #tpu.memory_space<vmem>>, vector<16xf32>,
        %mul3A_289 = arith.mulf %get3A_285, %get3A_288 : vector<16xf32>
        %swap3A_290 = arith.index_cast %scan3A_222 : i32 to index
        %swap3A_291 = arith.constant 96 : index
        %swap3A_292 = tpu.vector_load %arg8[%swap3A_290, %swap3A_291] {strides = array<i32>} : memref<64x128xf32, #tpu.memory_space<vmem>>, vector<16xf32>,
        tpu.vector_store %arg8[%swap3A_290, %swap3A_291], %mul3A_289 {strides = array<i32>} : memref<64x128xf32, #tpu.memory_space<vmem>>, vector<16xf32>,
        %get3A_293 = arith.index_cast %scan3A_222 : i32 to index
        %get3A_294 = arith.constant 112 : index
        %get3A_295 = tpu.vector_load %arg8[%get3A_293, %get3A_294] {strides = array<i32>} : memref<64x128xf32, #tpu.memory_space<vmem>>, vector<16xf32>,
        %get3A_296 = arith.index_cast %scan3A_222 : i32 to index
        %get3A_297 = arith.constant 112 : index
        %get3A_298 = tpu.vector_load %arg10[%get3A_296, %get3A_297] {strides = array<i32>} : memref<64x128xf32, #tpu.memory_space<vmem>>, vector<16xf32>,
        %mul3A_299 = arith.mulf %get3A_295, %get3A_298 : vector<16xf32>
        %swap3A_300 = arith.index_cast %scan3A_222 : i32 to index
        %swap3A_301 = arith.constant 112 : index
        %swap3A_302 = tpu.vector_load %arg8[%swap3A_300, %swap3A_301] {strides = array<i32>} : memref<64x128xf32, #tpu.memory_space<vmem>>, vector<16xf32>,
        tpu.vector_store %arg8[%swap3A_300, %swap3A_301], %mul3A_299 {strides = array<i32>} : memref<64x128xf32, #tpu.memory_space<vmem>>, vector<16xf32>,
      }
      %scan3A_190 = arith.constant 64 : i32
      "tpu.region"() ({
        %run_scoped3A = tpu.sem_alloc : memref<!tpu.dma_semaphore, #tpu.memory_space<semaphore_mem>>
        %dma_start3A_222 = arith.constant 0 : i32
        %dma_start3A_223 = arith.constant 0 : i32
        %dma_start3A_224 = tpu.memref_slice %arg7[%dma_start3A_222, %dma_start3A_223] : memref<10240x128xf32, #tpu.memory_space<vmem_shared>> -> memref<10240x128xf32, #tpu.memory_space<vmem_shared>>
        tpu.enqueue_indirect_dma source(%arg8 : memref<64x128xf32, #tpu.memory_space<vmem>>) target(%dma_start3A_224 : memref<10240x128xf32, #tpu.memory_space<vmem_shared>>) offsets(%arg15 : memref<64xi32, #tpu.memory_space<vmem>>) semaphore(%run_scoped3A : memref<!tpu.dma_semaphore, #tpu.memory_space<semaphore_mem>>) {add = true}
        %dma_wait3A_225 = arith.constant 0 : i32
        %dma_wait3A_226 = arith.constant 0 : i32
        %dma_wait3A_227 = tpu.memref_slice %arg7[%dma_wait3A_225, %dma_wait3A_226] : memref<10240x128xf32, #tpu.memory_space<vmem_shared>> -> memref<10240x128xf32, #tpu.memory_space<vmem_shared>>
        tpu.wait_indirect_dma semaphore(%run_scoped3A : memref<!tpu.dma_semaphore, #tpu.memory_space<semaphore_mem>>) src(%arg8 : memref<64x128xf32, #tpu.memory_space<vmem>>) dst(%dma_wait3A_227 : memref<10240x128xf32, #tpu.memory_space<vmem_shared>>)
        tpu.yield
      }) : () -> ()
      %add3A_191 = arith.constant 2 : i32
      %add3A_192 = arith.addi %mul3A_175, %add3A_191 : i32
      %lt3A = arith.constant 158 : i32
      %lt3A_193 = arith.cmpi slt, %add3A_192, %lt3A : i32
      %convert_element_type3A_194 = arith.extui %lt3A_193 : i1 to i32
      %cond3A_195 = arith.constant 0 : i32
      %cond3A_196 = arith.cmpi ne, %convert_element_type3A_194, %cond3A_195 : i32
      scf.if %cond3A_196 {
        %add3A_222 = arith.constant 2 : i32
        %add3A_223 = arith.addi %mul3A_175, %add3A_222 : i32
        %mul3A_224 = arith.constant 64 : i32
        %mul3A_225 = arith.muli %add3A_223, %mul3A_224 : i32
        %add3A_226 = arith.constant 0 : i32
        %add3A_227 = arith.addi %mul3A_225, %add3A_226 : i32
        %get3A_228 = arith.index_cast %add3A_227 : i32 to index
        %get3A_229 = tpu.vector_load %arg12[%get3A_228] {strides = array<i32>} : memref<10112xi32, #tpu.memory_space<vmem>>, vector<16xi32>,
        %and3A_230 = arith.constant 32767 : i32
        %and3A_231 = vector.broadcast %and3A_230 : i32 to vector<16xi32>
        %and3A_232 = arith.andi %get3A_229, %and3A_231 : vector<16xi32>
        %swap3A_233 = arith.constant 0 : index
        %swap3A_234 = tpu.vector_load %arg13[%swap3A_233] {strides = array<i32>} : memref<64xi32, #tpu.memory_space<vmem>>, vector<16xi32>,
        tpu.vector_store %arg13[%swap3A_233], %and3A_232 {strides = array<i32>} : memref<64xi32, #tpu.memory_space<vmem>>, vector<16xi32>,
        %shift_right_logical3A_235 = arith.constant 15 : i32
        %shift_right_logical3A_236 = vector.broadcast %shift_right_logical3A_235 : i32 to vector<16xi32>
        %shift_right_logical3A_237 = arith.shrui %get3A_229, %shift_right_logical3A_236 : vector<16xi32>
        %swap3A_238 = arith.constant 0 : index
        %swap3A_239 = tpu.vector_load %arg15[%swap3A_238] {strides = array<i32>} : memref<64xi32, #tpu.memory_space<vmem>>, vector<16xi32>,
        tpu.vector_store %arg15[%swap3A_238], %shift_right_logical3A_237 {strides = array<i32>} : memref<64xi32, #tpu.memory_space<vmem>>, vector<16xi32>,
        %mul3A_240 = arith.constant 64 : i32
        %mul3A_241 = arith.muli %add3A_223, %mul3A_240 : i32
        %add3A_242 = arith.constant 16 : i32
        %add3A_243 = arith.addi %mul3A_241, %add3A_242 : i32
        %get3A_244 = arith.index_cast %add3A_243 : i32 to index
        %get3A_245 = tpu.vector_load %arg12[%get3A_244] {strides = array<i32>} : memref<10112xi32, #tpu.memory_space<vmem>>, vector<16xi32>,
        %and3A_246 = arith.constant 32767 : i32
        %and3A_247 = vector.broadcast %and3A_246 : i32 to vector<16xi32>
        %and3A_248 = arith.andi %get3A_245, %and3A_247 : vector<16xi32>
        %swap3A_249 = arith.constant 16 : index
        %swap3A_250 = tpu.vector_load %arg13[%swap3A_249] {strides = array<i32>} : memref<64xi32, #tpu.memory_space<vmem>>, vector<16xi32>,
        tpu.vector_store %arg13[%swap3A_249], %and3A_248 {strides = array<i32>} : memref<64xi32, #tpu.memory_space<vmem>>, vector<16xi32>,
        %shift_right_logical3A_251 = arith.constant 15 : i32
        %shift_right_logical3A_252 = vector.broadcast %shift_right_logical3A_251 : i32 to vector<16xi32>
        %shift_right_logical3A_253 = arith.shrui %get3A_245, %shift_right_logical3A_252 : vector<16xi32>
        %swap3A_254 = arith.constant 16 : index
        %swap3A_255 = tpu.vector_load %arg15[%swap3A_254] {strides = array<i32>} : memref<64xi32, #tpu.memory_space<vmem>>, vector<16xi32>,
        tpu.vector_store %arg15[%swap3A_254], %shift_right_logical3A_253 {strides = array<i32>} : memref<64xi32, #tpu.memory_space<vmem>>, vector<16xi32>,
        %mul3A_256 = arith.constant 64 : i32
        %mul3A_257 = arith.muli %add3A_223, %mul3A_256 : i32
        %add3A_258 = arith.constant 32 : i32
        %add3A_259 = arith.addi %mul3A_257, %add3A_258 : i32
        %get3A_260 = arith.index_cast %add3A_259 : i32 to index
        %get3A_261 = tpu.vector_load %arg12[%get3A_260] {strides = array<i32>} : memref<10112xi32, #tpu.memory_space<vmem>>, vector<16xi32>,
        %and3A_262 = arith.constant 32767 : i32
        %and3A_263 = vector.broadcast %and3A_262 : i32 to vector<16xi32>
        %and3A_264 = arith.andi %get3A_261, %and3A_263 : vector<16xi32>
        %swap3A_265 = arith.constant 32 : index
        %swap3A_266 = tpu.vector_load %arg13[%swap3A_265] {strides = array<i32>} : memref<64xi32, #tpu.memory_space<vmem>>, vector<16xi32>,
        tpu.vector_store %arg13[%swap3A_265], %and3A_264 {strides = array<i32>} : memref<64xi32, #tpu.memory_space<vmem>>, vector<16xi32>,
        %shift_right_logical3A_267 = arith.constant 15 : i32
        %shift_right_logical3A_268 = vector.broadcast %shift_right_logical3A_267 : i32 to vector<16xi32>
        %shift_right_logical3A_269 = arith.shrui %get3A_261, %shift_right_logical3A_268 : vector<16xi32>
        %swap3A_270 = arith.constant 32 : index
        %swap3A_271 = tpu.vector_load %arg15[%swap3A_270] {strides = array<i32>} : memref<64xi32, #tpu.memory_space<vmem>>, vector<16xi32>,
        tpu.vector_store %arg15[%swap3A_270], %shift_right_logical3A_269 {strides = array<i32>} : memref<64xi32, #tpu.memory_space<vmem>>, vector<16xi32>,
        %mul3A_272 = arith.constant 64 : i32
        %mul3A_273 = arith.muli %add3A_223, %mul3A_272 : i32
        %add3A_274 = arith.constant 48 : i32
        %add3A_275 = arith.addi %mul3A_273, %add3A_274 : i32
        %get3A_276 = arith.index_cast %add3A_275 : i32 to index
        %get3A_277 = tpu.vector_load %arg12[%get3A_276] {strides = array<i32>} : memref<10112xi32, #tpu.memory_space<vmem>>, vector<16xi32>,
        %and3A_278 = arith.constant 32767 : i32
        %and3A_279 = vector.broadcast %and3A_278 : i32 to vector<16xi32>
        %and3A_280 = arith.andi %get3A_277, %and3A_279 : vector<16xi32>
        %swap3A_281 = arith.constant 48 : index
        %swap3A_282 = tpu.vector_load %arg13[%swap3A_281] {strides = array<i32>} : memref<64xi32, #tpu.memory_space<vmem>>, vector<16xi32>,
        tpu.vector_store %arg13[%swap3A_281], %and3A_280 {strides = array<i32>} : memref<64xi32, #tpu.memory_space<vmem>>, vector<16xi32>,
        %shift_right_logical3A_283 = arith.constant 15 : i32
        %shift_right_logical3A_284 = vector.broadcast %shift_right_logical3A_283 : i32 to vector<16xi32>
        %shift_right_logical3A_285 = arith.shrui %get3A_277, %shift_right_logical3A_284 : vector<16xi32>
        %swap3A_286 = arith.constant 48 : index
        %swap3A_287 = tpu.vector_load %arg15[%swap3A_286] {strides = array<i32>} : memref<64xi32, #tpu.memory_space<vmem>>, vector<16xi32>,
        tpu.vector_store %arg15[%swap3A_286], %shift_right_logical3A_285 {strides = array<i32>} : memref<64xi32, #tpu.memory_space<vmem>>, vector<16xi32>,
        %dma_start3A_288 = arith.constant 0 : i32
        %dma_start3A_289 = arith.constant 0 : i32
        %dma_start3A_290 = tpu.memref_slice %arg2[%dma_start3A_288, %dma_start3A_289] : memref<10000x128xf32, #tpu.memory_space<hbm>> -> memref<10000x128xf32, #tpu.memory_space<hbm>>
        tpu.enqueue_indirect_dma source(%dma_start3A_290 : memref<10000x128xf32, #tpu.memory_space<hbm>>) target(%arg8 : memref<64x128xf32, #tpu.memory_space<vmem>>) offsets(%arg13 : memref<64xi32, #tpu.memory_space<vmem>>) semaphore(%arg17 : memref<!tpu.dma_semaphore, #tpu.memory_space<semaphore_mem>>)
        %mul3A_291 = arith.constant 64 : i32
        %mul3A_292 = arith.muli %add3A_223, %mul3A_291 : i32
        %add3A_293 = arith.addi %mul3A_2, %mul3A_292 : i32
        %dma_start3A_294 = arith.constant 0 : i32
        %dma_start3A_295 = tpu.memref_slice %arg3[%add3A_293, %dma_start3A_294] : memref<323584x128xf32, #tpu.memory_space<hbm>> -> memref<64x128xf32, #tpu.memory_space<hbm>>
        %dma_start3A_296 = arith.constant 0 : i32
        %dma_start3A_297 = tpu.memref_slice %arg3[%add3A_293, %dma_start3A_296] : memref<323584x128xf32, #tpu.memory_space<hbm>> -> memref<64x128xf32, #tpu.memory_space<hbm>>
        tpu.enqueue_dma source(%dma_start3A_297 : memref<64x128xf32, #tpu.memory_space<hbm>>) target(%arg10 : memref<64x128xf32, #tpu.memory_space<vmem>>) target_semaphore(%arg19 : memref<!tpu.dma_semaphore, #tpu.memory_space<semaphore_mem>>)
      } else {
      }
      %add3A_197 = arith.constant 1 : i32
      %add3A_198 = arith.addi %mul3A_175, %add3A_197 : i32
      %dma_wait3A_199 = arith.constant 0 : i32
      %dma_wait3A_200 = arith.constant 0 : i32
      %dma_wait3A_201 = tpu.memref_slice %arg2[%dma_wait3A_199, %dma_wait3A_200] : memref<10000x128xf32, #tpu.memory_space<hbm>> -> memref<10000x128xf32, #tpu.memory_space<hbm>>
      tpu.wait_indirect_dma semaphore(%arg18 : memref<!tpu.dma_semaphore, #tpu.memory_space<semaphore_mem>>) src(%dma_wait3A_201 : memref<10000x128xf32, #tpu.memory_space<hbm>>) dst(%arg9 : memref<64x128xf32, #tpu.memory_space<vmem>>)
      %mul3A_202 = arith.constant 64 : i32
      %mul3A_203 = arith.muli %add3A_198, %mul3A_202 : i32
      %add3A_204 = arith.addi %mul3A_2, %mul3A_203 : i32
      %dma_wait3A_205 = arith.constant 0 : i32
      %dma_wait3A_206 = tpu.memref_slice %arg3[%add3A_204, %dma_wait3A_205] : memref<323584x128xf32, #tpu.memory_space<hbm>> -> memref<64x128xf32, #tpu.memory_space<hbm>>
      %dma_wait3A_207 = arith.constant 0 : i32
      %dma_wait3A_208 = tpu.memref_slice %arg3[%add3A_204, %dma_wait3A_207] : memref<323584x128xf32, #tpu.memory_space<hbm>> -> memref<64x128xf32, #tpu.memory_space<hbm>>
      tpu.wait_dma2 semaphore(%arg20 : memref<!tpu.dma_semaphore, #tpu.memory_space<semaphore_mem>>) src(%dma_wait3A_208 : memref<64x128xf32, #tpu.memory_space<hbm>>) dst(%arg11 : memref<64x128xf32, #tpu.memory_space<vmem>>)
      %scan3A_209 = arith.constant 0 : i32
      %scan3A_210 = arith.constant 0 : i32
      %scan3A_211 = arith.constant 64 : i32
      %scan3A_212 = arith.addi %scan3A_210, %scan3A_211 : i32
      %scan3A_213 = arith.constant 1 : i32
      scf.for %scan3A_222 = %scan3A_210 to %scan3A_212 step %scan3A_213  : i32 {
        %get3A_223 = arith.index_cast %scan3A_222 : i32 to index
        %get3A_224 = arith.constant 0 : index
        %get3A_225 = tpu.vector_load %arg9[%get3A_223, %get3A_224] {strides = array<i32>} : memref<64x128xf32, #tpu.memory_space<vmem>>, vector<16xf32>,
        %get3A_226 = arith.index_cast %scan3A_222 : i32 to index
        %get3A_227 = arith.constant 0 : index
        %get3A_228 = tpu.vector_load %arg11[%get3A_226, %get3A_227] {strides = array<i32>} : memref<64x128xf32, #tpu.memory_space<vmem>>, vector<16xf32>,
        %mul3A_229 = arith.mulf %get3A_225, %get3A_228 : vector<16xf32>
        %swap3A_230 = arith.index_cast %scan3A_222 : i32 to index
        %swap3A_231 = arith.constant 0 : index
        %swap3A_232 = tpu.vector_load %arg9[%swap3A_230, %swap3A_231] {strides = array<i32>} : memref<64x128xf32, #tpu.memory_space<vmem>>, vector<16xf32>,
        tpu.vector_store %arg9[%swap3A_230, %swap3A_231], %mul3A_229 {strides = array<i32>} : memref<64x128xf32, #tpu.memory_space<vmem>>, vector<16xf32>,
        %get3A_233 = arith.index_cast %scan3A_222 : i32 to index
        %get3A_234 = arith.constant 16 : index
        %get3A_235 = tpu.vector_load %arg9[%get3A_233, %get3A_234] {strides = array<i32>} : memref<64x128xf32, #tpu.memory_space<vmem>>, vector<16xf32>,
        %get3A_236 = arith.index_cast %scan3A_222 : i32 to index
        %get3A_237 = arith.constant 16 : index
        %get3A_238 = tpu.vector_load %arg11[%get3A_236, %get3A_237] {strides = array<i32>} : memref<64x128xf32, #tpu.memory_space<vmem>>, vector<16xf32>,
        %mul3A_239 = arith.mulf %get3A_235, %get3A_238 : vector<16xf32>
        %swap3A_240 = arith.index_cast %scan3A_222 : i32 to index
        %swap3A_241 = arith.constant 16 : index
        %swap3A_242 = tpu.vector_load %arg9[%swap3A_240, %swap3A_241] {strides = array<i32>} : memref<64x128xf32, #tpu.memory_space<vmem>>, vector<16xf32>,
        tpu.vector_store %arg9[%swap3A_240, %swap3A_241], %mul3A_239 {strides = array<i32>} : memref<64x128xf32, #tpu.memory_space<vmem>>, vector<16xf32>,
        %get3A_243 = arith.index_cast %scan3A_222 : i32 to index
        %get3A_244 = arith.constant 32 : index
        %get3A_245 = tpu.vector_load %arg9[%get3A_243, %get3A_244] {strides = array<i32>} : memref<64x128xf32, #tpu.memory_space<vmem>>, vector<16xf32>,
        %get3A_246 = arith.index_cast %scan3A_222 : i32 to index
        %get3A_247 = arith.constant 32 : index
        %get3A_248 = tpu.vector_load %arg11[%get3A_246, %get3A_247] {strides = array<i32>} : memref<64x128xf32, #tpu.memory_space<vmem>>, vector<16xf32>,
        %mul3A_249 = arith.mulf %get3A_245, %get3A_248 : vector<16xf32>
        %swap3A_250 = arith.index_cast %scan3A_222 : i32 to index
        %swap3A_251 = arith.constant 32 : index
        %swap3A_252 = tpu.vector_load %arg9[%swap3A_250, %swap3A_251] {strides = array<i32>} : memref<64x128xf32, #tpu.memory_space<vmem>>, vector<16xf32>,
        tpu.vector_store %arg9[%swap3A_250, %swap3A_251], %mul3A_249 {strides = array<i32>} : memref<64x128xf32, #tpu.memory_space<vmem>>, vector<16xf32>,
        %get3A_253 = arith.index_cast %scan3A_222 : i32 to index
        %get3A_254 = arith.constant 48 : index
        %get3A_255 = tpu.vector_load %arg9[%get3A_253, %get3A_254] {strides = array<i32>} : memref<64x128xf32, #tpu.memory_space<vmem>>, vector<16xf32>,
        %get3A_256 = arith.index_cast %scan3A_222 : i32 to index
        %get3A_257 = arith.constant 48 : index
        %get3A_258 = tpu.vector_load %arg11[%get3A_256, %get3A_257] {strides = array<i32>} : memref<64x128xf32, #tpu.memory_space<vmem>>, vector<16xf32>,
        %mul3A_259 = arith.mulf %get3A_255, %get3A_258 : vector<16xf32>
        %swap3A_260 = arith.index_cast %scan3A_222 : i32 to index
        %swap3A_261 = arith.constant 48 : index
        %swap3A_262 = tpu.vector_load %arg9[%swap3A_260, %swap3A_261] {strides = array<i32>} : memref<64x128xf32, #tpu.memory_space<vmem>>, vector<16xf32>,
        tpu.vector_store %arg9[%swap3A_260, %swap3A_261], %mul3A_259 {strides = array<i32>} : memref<64x128xf32, #tpu.memory_space<vmem>>, vector<16xf32>,
        %get3A_263 = arith.index_cast %scan3A_222 : i32 to index
        %get3A_264 = arith.constant 64 : index
        %get3A_265 = tpu.vector_load %arg9[%get3A_263, %get3A_264] {strides = array<i32>} : memref<64x128xf32, #tpu.memory_space<vmem>>, vector<16xf32>,
        %get3A_266 = arith.index_cast %scan3A_222 : i32 to index
        %get3A_267 = arith.constant 64 : index
        %get3A_268 = tpu.vector_load %arg11[%get3A_266, %get3A_267] {strides = array<i32>} : memref<64x128xf32, #tpu.memory_space<vmem>>, vector<16xf32>,
        %mul3A_269 = arith.mulf %get3A_265, %get3A_268 : vector<16xf32>
        %swap3A_270 = arith.index_cast %scan3A_222 : i32 to index
        %swap3A_271 = arith.constant 64 : index
        %swap3A_272 = tpu.vector_load %arg9[%swap3A_270, %swap3A_271] {strides = array<i32>} : memref<64x128xf32, #tpu.memory_space<vmem>>, vector<16xf32>,
        tpu.vector_store %arg9[%swap3A_270, %swap3A_271], %mul3A_269 {strides = array<i32>} : memref<64x128xf32, #tpu.memory_space<vmem>>, vector<16xf32>,
        %get3A_273 = arith.index_cast %scan3A_222 : i32 to index
        %get3A_274 = arith.constant 80 : index
        %get3A_275 = tpu.vector_load %arg9[%get3A_273, %get3A_274] {strides = array<i32>} : memref<64x128xf32, #tpu.memory_space<vmem>>, vector<16xf32>,
        %get3A_276 = arith.index_cast %scan3A_222 : i32 to index
        %get3A_277 = arith.constant 80 : index
        %get3A_278 = tpu.vector_load %arg11[%get3A_276, %get3A_277] {strides = array<i32>} : memref<64x128xf32, #tpu.memory_space<vmem>>, vector<16xf32>,
        %mul3A_279 = arith.mulf %get3A_275, %get3A_278 : vector<16xf32>
        %swap3A_280 = arith.index_cast %scan3A_222 : i32 to index
        %swap3A_281 = arith.constant 80 : index
        %swap3A_282 = tpu.vector_load %arg9[%swap3A_280, %swap3A_281] {strides = array<i32>} : memref<64x128xf32, #tpu.memory_space<vmem>>, vector<16xf32>,
        tpu.vector_store %arg9[%swap3A_280, %swap3A_281], %mul3A_279 {strides = array<i32>} : memref<64x128xf32, #tpu.memory_space<vmem>>, vector<16xf32>,
        %get3A_283 = arith.index_cast %scan3A_222 : i32 to index
        %get3A_284 = arith.constant 96 : index
        %get3A_285 = tpu.vector_load %arg9[%get3A_283, %get3A_284] {strides = array<i32>} : memref<64x128xf32, #tpu.memory_space<vmem>>, vector<16xf32>,
        %get3A_286 = arith.index_cast %scan3A_222 : i32 to index
        %get3A_287 = arith.constant 96 : index
        %get3A_288 = tpu.vector_load %arg11[%get3A_286, %get3A_287] {strides = array<i32>} : memref<64x128xf32, #tpu.memory_space<vmem>>, vector<16xf32>,
        %mul3A_289 = arith.mulf %get3A_285, %get3A_288 : vector<16xf32>
        %swap3A_290 = arith.index_cast %scan3A_222 : i32 to index
        %swap3A_291 = arith.constant 96 : index
        %swap3A_292 = tpu.vector_load %arg9[%swap3A_290, %swap3A_291] {strides = array<i32>} : memref<64x128xf32, #tpu.memory_space<vmem>>, vector<16xf32>,
        tpu.vector_store %arg9[%swap3A_290, %swap3A_291], %mul3A_289 {strides = array<i32>} : memref<64x128xf32, #tpu.memory_space<vmem>>, vector<16xf32>,
        %get3A_293 = arith.index_cast %scan3A_222 : i32 to index
        %get3A_294 = arith.constant 112 : index
        %get3A_295 = tpu.vector_load %arg9[%get3A_293, %get3A_294] {strides = array<i32>} : memref<64x128xf32, #tpu.memory_space<vmem>>, vector<16xf32>,
        %get3A_296 = arith.index_cast %scan3A_222 : i32 to index
        %get3A_297 = arith.constant 112 : index
        %get3A_298 = tpu.vector_load %arg11[%get3A_296, %get3A_297] {strides = array<i32>} : memref<64x128xf32, #tpu.memory_space<vmem>>, vector<16xf32>,
        %mul3A_299 = arith.mulf %get3A_295, %get3A_298 : vector<16xf32>
        %swap3A_300 = arith.index_cast %scan3A_222 : i32 to index
        %swap3A_301 = arith.constant 112 : index
        %swap3A_302 = tpu.vector_load %arg9[%swap3A_300, %swap3A_301] {strides = array<i32>} : memref<64x128xf32, #tpu.memory_space<vmem>>, vector<16xf32>,
        tpu.vector_store %arg9[%swap3A_300, %swap3A_301], %mul3A_299 {strides = array<i32>} : memref<64x128xf32, #tpu.memory_space<vmem>>, vector<16xf32>,
      }
      %scan3A_214 = arith.constant 64 : i32
      "tpu.region"() ({
        %run_scoped3A = tpu.sem_alloc : memref<!tpu.dma_semaphore, #tpu.memory_space<semaphore_mem>>
        %dma_start3A_222 = arith.constant 0 : i32
        %dma_start3A_223 = arith.constant 0 : i32
        %dma_start3A_224 = tpu.memref_slice %arg7[%dma_start3A_222, %dma_start3A_223] : memref<10240x128xf32, #tpu.memory_space<vmem_shared>> -> memref<10240x128xf32, #tpu.memory_space<vmem_shared>>
        tpu.enqueue_indirect_dma source(%arg9 : memref<64x128xf32, #tpu.memory_space<vmem>>) target(%dma_start3A_224 : memref<10240x128xf32, #tpu.memory_space<vmem_shared>>) offsets(%arg16 : memref<64xi32, #tpu.memory_space<vmem>>) semaphore(%run_scoped3A : memref<!tpu.dma_semaphore, #tpu.memory_space<semaphore_mem>>) {add = true}
        %dma_wait3A_225 = arith.constant 0 : i32
        %dma_wait3A_226 = arith.constant 0 : i32
        %dma_wait3A_227 = tpu.memref_slice %arg7[%dma_wait3A_225, %dma_wait3A_226] : memref<10240x128xf32, #tpu.memory_space<vmem_shared>> -> memref<10240x128xf32, #tpu.memory_space<vmem_shared>>
        tpu.wait_indirect_dma semaphore(%run_scoped3A : memref<!tpu.dma_semaphore, #tpu.memory_space<semaphore_mem>>) src(%arg9 : memref<64x128xf32, #tpu.memory_space<vmem>>) dst(%dma_wait3A_227 : memref<10240x128xf32, #tpu.memory_space<vmem_shared>>)
        tpu.yield
      }) : () -> ()
      %add3A_215 = arith.constant 2 : i32
      %add3A_216 = arith.addi %add3A_198, %add3A_215 : i32
      %lt3A_217 = arith.constant 158 : i32
      %lt3A_218 = arith.cmpi slt, %add3A_216, %lt3A_217 : i32
      %convert_element_type3A_219 = arith.extui %lt3A_218 : i1 to i32
      %cond3A_220 = arith.constant 0 : i32
      %cond3A_221 = arith.cmpi ne, %convert_element_type3A_219, %cond3A_220 : i32
      scf.if %cond3A_221 {
        %add3A_222 = arith.constant 2 : i32
        %add3A_223 = arith.addi %add3A_198, %add3A_222 : i32
        %mul3A_224 = arith.constant 64 : i32
        %mul3A_225 = arith.muli %add3A_223, %mul3A_224 : i32
        %add3A_226 = arith.constant 0 : i32
        %add3A_227 = arith.addi %mul3A_225, %add3A_226 : i32
        %get3A_228 = arith.index_cast %add3A_227 : i32 to index
        %get3A_229 = tpu.vector_load %arg12[%get3A_228] {strides = array<i32>} : memref<10112xi32, #tpu.memory_space<vmem>>, vector<16xi32>,
        %and3A_230 = arith.constant 32767 : i32
        %and3A_231 = vector.broadcast %and3A_230 : i32 to vector<16xi32>
        %and3A_232 = arith.andi %get3A_229, %and3A_231 : vector<16xi32>
        %swap3A_233 = arith.constant 0 : index
        %swap3A_234 = tpu.vector_load %arg14[%swap3A_233] {strides = array<i32>} : memref<64xi32, #tpu.memory_space<vmem>>, vector<16xi32>,
        tpu.vector_store %arg14[%swap3A_233], %and3A_232 {strides = array<i32>} : memref<64xi32, #tpu.memory_space<vmem>>, vector<16xi32>,
        %shift_right_logical3A_235 = arith.constant 15 : i32
        %shift_right_logical3A_236 = vector.broadcast %shift_right_logical3A_235 : i32 to vector<16xi32>
        %shift_right_logical3A_237 = arith.shrui %get3A_229, %shift_right_logical3A_236 : vector<16xi32>
        %swap3A_238 = arith.constant 0 : index
        %swap3A_239 = tpu.vector_load %arg16[%swap3A_238] {strides = array<i32>} : memref<64xi32, #tpu.memory_space<vmem>>, vector<16xi32>,
        tpu.vector_store %arg16[%swap3A_238], %shift_right_logical3A_237 {strides = array<i32>} : memref<64xi32, #tpu.memory_space<vmem>>, vector<16xi32>,
        %mul3A_240 = arith.constant 64 : i32
        %mul3A_241 = arith.muli %add3A_223, %mul3A_240 : i32
        %add3A_242 = arith.constant 16 : i32
        %add3A_243 = arith.addi %mul3A_241, %add3A_242 : i32
        %get3A_244 = arith.index_cast %add3A_243 : i32 to index
        %get3A_245 = tpu.vector_load %arg12[%get3A_244] {strides = array<i32>} : memref<10112xi32, #tpu.memory_space<vmem>>, vector<16xi32>,
        %and3A_246 = arith.constant 32767 : i32
        %and3A_247 = vector.broadcast %and3A_246 : i32 to vector<16xi32>
        %and3A_248 = arith.andi %get3A_245, %and3A_247 : vector<16xi32>
        %swap3A_249 = arith.constant 16 : index
        %swap3A_250 = tpu.vector_load %arg14[%swap3A_249] {strides = array<i32>} : memref<64xi32, #tpu.memory_space<vmem>>, vector<16xi32>,
        tpu.vector_store %arg14[%swap3A_249], %and3A_248 {strides = array<i32>} : memref<64xi32, #tpu.memory_space<vmem>>, vector<16xi32>,
        %shift_right_logical3A_251 = arith.constant 15 : i32
        %shift_right_logical3A_252 = vector.broadcast %shift_right_logical3A_251 : i32 to vector<16xi32>
        %shift_right_logical3A_253 = arith.shrui %get3A_245, %shift_right_logical3A_252 : vector<16xi32>
        %swap3A_254 = arith.constant 16 : index
        %swap3A_255 = tpu.vector_load %arg16[%swap3A_254] {strides = array<i32>} : memref<64xi32, #tpu.memory_space<vmem>>, vector<16xi32>,
        tpu.vector_store %arg16[%swap3A_254], %shift_right_logical3A_253 {strides = array<i32>} : memref<64xi32, #tpu.memory_space<vmem>>, vector<16xi32>,
        %mul3A_256 = arith.constant 64 : i32
        %mul3A_257 = arith.muli %add3A_223, %mul3A_256 : i32
        %add3A_258 = arith.constant 32 : i32
        %add3A_259 = arith.addi %mul3A_257, %add3A_258 : i32
        %get3A_260 = arith.index_cast %add3A_259 : i32 to index
        %get3A_261 = tpu.vector_load %arg12[%get3A_260] {strides = array<i32>} : memref<10112xi32, #tpu.memory_space<vmem>>, vector<16xi32>,
        %and3A_262 = arith.constant 32767 : i32
        %and3A_263 = vector.broadcast %and3A_262 : i32 to vector<16xi32>
        %and3A_264 = arith.andi %get3A_261, %and3A_263 : vector<16xi32>
        %swap3A_265 = arith.constant 32 : index
        %swap3A_266 = tpu.vector_load %arg14[%swap3A_265] {strides = array<i32>} : memref<64xi32, #tpu.memory_space<vmem>>, vector<16xi32>,
        tpu.vector_store %arg14[%swap3A_265], %and3A_264 {strides = array<i32>} : memref<64xi32, #tpu.memory_space<vmem>>, vector<16xi32>,
        %shift_right_logical3A_267 = arith.constant 15 : i32
        %shift_right_logical3A_268 = vector.broadcast %shift_right_logical3A_267 : i32 to vector<16xi32>
        %shift_right_logical3A_269 = arith.shrui %get3A_261, %shift_right_logical3A_268 : vector<16xi32>
        %swap3A_270 = arith.constant 32 : index
        %swap3A_271 = tpu.vector_load %arg16[%swap3A_270] {strides = array<i32>} : memref<64xi32, #tpu.memory_space<vmem>>, vector<16xi32>,
        tpu.vector_store %arg16[%swap3A_270], %shift_right_logical3A_269 {strides = array<i32>} : memref<64xi32, #tpu.memory_space<vmem>>, vector<16xi32>,
        %mul3A_272 = arith.constant 64 : i32
        %mul3A_273 = arith.muli %add3A_223, %mul3A_272 : i32
        %add3A_274 = arith.constant 48 : i32
        %add3A_275 = arith.addi %mul3A_273, %add3A_274 : i32
        %get3A_276 = arith.index_cast %add3A_275 : i32 to index
        %get3A_277 = tpu.vector_load %arg12[%get3A_276] {strides = array<i32>} : memref<10112xi32, #tpu.memory_space<vmem>>, vector<16xi32>,
        %and3A_278 = arith.constant 32767 : i32
        %and3A_279 = vector.broadcast %and3A_278 : i32 to vector<16xi32>
        %and3A_280 = arith.andi %get3A_277, %and3A_279 : vector<16xi32>
        %swap3A_281 = arith.constant 48 : index
        %swap3A_282 = tpu.vector_load %arg14[%swap3A_281] {strides = array<i32>} : memref<64xi32, #tpu.memory_space<vmem>>, vector<16xi32>,
        tpu.vector_store %arg14[%swap3A_281], %and3A_280 {strides = array<i32>} : memref<64xi32, #tpu.memory_space<vmem>>, vector<16xi32>,
        %shift_right_logical3A_283 = arith.constant 15 : i32
        %shift_right_logical3A_284 = vector.broadcast %shift_right_logical3A_283 : i32 to vector<16xi32>
        %shift_right_logical3A_285 = arith.shrui %get3A_277, %shift_right_logical3A_284 : vector<16xi32>
        %swap3A_286 = arith.constant 48 : index
        %swap3A_287 = tpu.vector_load %arg16[%swap3A_286] {strides = array<i32>} : memref<64xi32, #tpu.memory_space<vmem>>, vector<16xi32>,
        tpu.vector_store %arg16[%swap3A_286], %shift_right_logical3A_285 {strides = array<i32>} : memref<64xi32, #tpu.memory_space<vmem>>, vector<16xi32>,
        %dma_start3A_288 = arith.constant 0 : i32
        %dma_start3A_289 = arith.constant 0 : i32
        %dma_start3A_290 = tpu.memref_slice %arg2[%dma_start3A_288, %dma_start3A_289] : memref<10000x128xf32, #tpu.memory_space<hbm>> -> memref<10000x128xf32, #tpu.memory_space<hbm>>
        tpu.enqueue_indirect_dma source(%dma_start3A_290 : memref<10000x128xf32, #tpu.memory_space<hbm>>) target(%arg9 : memref<64x128xf32, #tpu.memory_space<vmem>>) offsets(%arg14 : memref<64xi32, #tpu.memory_space<vmem>>) semaphore(%arg18 : memref<!tpu.dma_semaphore, #tpu.memory_space<semaphore_mem>>)
        %mul3A_291 = arith.constant 64 : i32
        %mul3A_292 = arith.muli %add3A_223, %mul3A_291 : i32
        %add3A_293 = arith.addi %mul3A_2, %mul3A_292 : i32
        %dma_start3A_294 = arith.constant 0 : i32
        %dma_start3A_295 = tpu.memref_slice %arg3[%add3A_293, %dma_start3A_294] : memref<323584x128xf32, #tpu.memory_space<hbm>> -> memref<64x128xf32, #tpu.memory_space<hbm>>
        %dma_start3A_296 = arith.constant 0 : i32
        %dma_start3A_297 = tpu.memref_slice %arg3[%add3A_293, %dma_start3A_296] : memref<323584x128xf32, #tpu.memory_space<hbm>> -> memref<64x128xf32, #tpu.memory_space<hbm>>
        tpu.enqueue_dma source(%dma_start3A_297 : memref<64x128xf32, #tpu.memory_space<hbm>>) target(%arg11 : memref<64x128xf32, #tpu.memory_space<vmem>>) target_semaphore(%arg20 : memref<!tpu.dma_semaphore, #tpu.memory_space<semaphore_mem>>)
      } else {
      }
    }
    %scan3A_162 = arith.constant 79 : i32
    %barrier3A_163 = arith.constant 0 : index
    tpu.barrier barrier_id(%barrier3A_163)
    %mul3A_164 = arith.constant 640 : i32
    %mul3A_165 = arith.muli %arg1, %mul3A_164 : i32
    %eq3A = arith.constant 0 : i32
    %eq3A_166 = arith.cmpi eq, %arg0, %eq3A : i32
    %convert_element_type3A = arith.extui %eq3A_166 : i1 to i32
    %cond3A = arith.constant 0 : i32
    %cond3A_167 = arith.cmpi ne, %convert_element_type3A, %cond3A : i32
    scf.if %cond3A_167 {
      "tpu.region"() ({
        %run_scoped3A = tpu.sem_alloc : memref<!tpu.dma_semaphore, #tpu.memory_space<semaphore_mem>>
        %dma_start3A_173 = arith.constant 0 : i32
        %dma_start3A_174 = tpu.memref_slice %arg5[%mul3A_165, %dma_start3A_173] : memref<10240x128xf32, #tpu.memory_space<hbm>> -> memref<640x128xf32, #tpu.memory_space<hbm>>
        %dma_start3A_175 = arith.constant 0 : i32
        %dma_start3A_176 = tpu.memref_slice %arg7[%mul3A_165, %dma_start3A_175] : memref<10240x128xf32, #tpu.memory_space<vmem_shared>> -> memref<640x128xf32, #tpu.memory_space<vmem_shared>>
        tpu.enqueue_dma source(%dma_start3A_176 : memref<640x128xf32, #tpu.memory_space<vmem_shared>>) target(%dma_start3A_174 : memref<640x128xf32, #tpu.memory_space<hbm>>) target_semaphore(%run_scoped3A : memref<!tpu.dma_semaphore, #tpu.memory_space<semaphore_mem>>)
        %dma_wait3A = arith.constant 0 : i32
        %dma_wait3A_177 = tpu.memref_slice %arg5[%mul3A_165, %dma_wait3A] : memref<10240x128xf32, #tpu.memory_space<hbm>> -> memref<640x128xf32, #tpu.memory_space<hbm>>
        %dma_wait3A_178 = arith.constant 0 : i32
        %dma_wait3A_179 = tpu.memref_slice %arg7[%mul3A_165, %dma_wait3A_178] : memref<10240x128xf32, #tpu.memory_space<vmem_shared>> -> memref<640x128xf32, #tpu.memory_space<vmem_shared>>
        tpu.wait_dma2 semaphore(%run_scoped3A : memref<!tpu.dma_semaphore, #tpu.memory_space<semaphore_mem>>) src(%dma_wait3A_179 : memref<640x128xf32, #tpu.memory_space<vmem_shared>>) dst(%dma_wait3A_177 : memref<640x128xf32, #tpu.memory_space<hbm>>)
        tpu.yield
      }) : () -> ()
    } else {
    }
    %eq3A_168 = arith.constant 1 : i32
    %eq3A_169 = arith.cmpi eq, %arg0, %eq3A_168 : i32
    %convert_element_type3A_170 = arith.extui %eq3A_169 : i1 to i32
    %cond3A_171 = arith.constant 0 : i32
    %cond3A_172 = arith.cmpi ne, %convert_element_type3A_170, %cond3A_171 : i32
    scf.if %cond3A_172 {
      "tpu.region"() ({
        %run_scoped3A = tpu.sem_alloc : memref<!tpu.dma_semaphore, #tpu.memory_space<semaphore_mem>>
        %dma_start3A_173 = arith.constant 0 : i32
        %dma_start3A_174 = tpu.memref_slice %arg6[%mul3A_165, %dma_start3A_173] : memref<10240x128xf32, #tpu.memory_space<hbm>> -> memref<640x128xf32, #tpu.memory_space<hbm>>
        %dma_start3A_175 = arith.constant 0 : i32
        %dma_start3A_176 = tpu.memref_slice %arg7[%mul3A_165, %dma_start3A_175] : memref<10240x128xf32, #tpu.memory_space<vmem_shared>> -> memref<640x128xf32, #tpu.memory_space<vmem_shared>>
        tpu.enqueue_dma source(%dma_start3A_176 : memref<640x128xf32, #tpu.memory_space<vmem_shared>>) target(%dma_start3A_174 : memref<640x128xf32, #tpu.memory_space<hbm>>) target_semaphore(%run_scoped3A : memref<!tpu.dma_semaphore, #tpu.memory_space<semaphore_mem>>)
        %dma_wait3A = arith.constant 0 : i32
        %dma_wait3A_177 = tpu.memref_slice %arg6[%mul3A_165, %dma_wait3A] : memref<10240x128xf32, #tpu.memory_space<hbm>> -> memref<640x128xf32, #tpu.memory_space<hbm>>
        %dma_wait3A_178 = arith.constant 0 : i32
        %dma_wait3A_179 = tpu.memref_slice %arg7[%mul3A_165, %dma_wait3A_178] : memref<10240x128xf32, #tpu.memory_space<vmem_shared>> -> memref<640x128xf32, #tpu.memory_space<vmem_shared>>
        tpu.wait_dma2 semaphore(%run_scoped3A : memref<!tpu.dma_semaphore, #tpu.memory_space<semaphore_mem>>) src(%dma_wait3A_179 : memref<640x128xf32, #tpu.memory_space<vmem_shared>>) dst(%dma_wait3A_177 : memref<640x128xf32, #tpu.memory_space<hbm>>)
        tpu.yield
      }) : () -> ()
    } else {
    }
    return
  }
}

#map = affine_map<(d0, d1) -> (0)>
module attributes {stable_mosaic.version = 14 : i64} {
  func.func @_sc_geom_body(%arg0: i32, %arg1: i32, %arg2: memref<30000xf32, #tpu.memory_space<hbm>>, %arg3: memref<323584xi32, #tpu.memory_space<hbm>>, %arg4: memref<323584xi32, #tpu.memory_space<hbm>>, %arg5: memref<323584xf32, #tpu.memory_space<hbm>>, %arg6: memref<30000xf32, #tpu.memory_space<vmem>>, %arg7: memref<10112xi32, #tpu.memory_space<vmem>>, %arg8: memref<10112xi32, #tpu.memory_space<vmem>>, %arg9: memref<10112xf32, #tpu.memory_space<vmem>>) attributes {dimension_semantics = [#tpu.dimension_semantics<core_parallel>, #tpu.dimension_semantics<subcore_parallel>], iteration_bounds = array<i64: 2, 16>, scalar_prefetch = 0 : i64, scratch_operands = 4 : i64, tpu.core_type = #tpu.core_type<sc_vector_subcore>, window_params = [{transform_indices = #map}, {transform_indices = #map}, {transform_indices = #map}, {transform_indices = #map}]} {
    %mul3A = arith.constant 16 : i32
    %mul3A_0 = arith.muli %arg0, %mul3A : i32
    %add3A = arith.addi %mul3A_0, %arg1 : i32
    %mul3A_1 = arith.constant 10112 : i32
    %mul3A_2 = arith.muli %add3A, %mul3A_1 : i32
    "tpu.region"() ({
      %run_scoped3A = tpu.sem_alloc : memref<!tpu.dma_semaphore, #tpu.memory_space<semaphore_mem>>
      tpu.enqueue_dma source(%arg2 : memref<30000xf32, #tpu.memory_space<hbm>>) target(%arg6 : memref<30000xf32, #tpu.memory_space<vmem>>) target_semaphore(%run_scoped3A : memref<!tpu.dma_semaphore, #tpu.memory_space<semaphore_mem>>)
      tpu.wait_dma2 semaphore(%run_scoped3A : memref<!tpu.dma_semaphore, #tpu.memory_space<semaphore_mem>>) src(%arg2 : memref<30000xf32, #tpu.memory_space<hbm>>) dst(%arg6 : memref<30000xf32, #tpu.memory_space<vmem>>)
      tpu.yield
    }) : () -> ()
    "tpu.region"() ({
      %run_scoped3A = tpu.sem_alloc : memref<!tpu.dma_semaphore, #tpu.memory_space<semaphore_mem>>
      %dma_start3A = tpu.memref_slice %arg3[%mul3A_2] : memref<323584xi32, #tpu.memory_space<hbm>> -> memref<10112xi32, #tpu.memory_space<hbm>>
      %dma_start3A_8 = tpu.memref_slice %arg3[%mul3A_2] : memref<323584xi32, #tpu.memory_space<hbm>> -> memref<10112xi32, #tpu.memory_space<hbm>>
      tpu.enqueue_dma source(%dma_start3A_8 : memref<10112xi32, #tpu.memory_space<hbm>>) target(%arg7 : memref<10112xi32, #tpu.memory_space<vmem>>) target_semaphore(%run_scoped3A : memref<!tpu.dma_semaphore, #tpu.memory_space<semaphore_mem>>)
      %dma_wait3A = tpu.memref_slice %arg3[%mul3A_2] : memref<323584xi32, #tpu.memory_space<hbm>> -> memref<10112xi32, #tpu.memory_space<hbm>>
      %dma_wait3A_9 = tpu.memref_slice %arg3[%mul3A_2] : memref<323584xi32, #tpu.memory_space<hbm>> -> memref<10112xi32, #tpu.memory_space<hbm>>
      tpu.wait_dma2 semaphore(%run_scoped3A : memref<!tpu.dma_semaphore, #tpu.memory_space<semaphore_mem>>) src(%dma_wait3A_9 : memref<10112xi32, #tpu.memory_space<hbm>>) dst(%arg7 : memref<10112xi32, #tpu.memory_space<vmem>>)
      tpu.yield
    }) : () -> ()
    "tpu.region"() ({
      %run_scoped3A = tpu.sem_alloc : memref<!tpu.dma_semaphore, #tpu.memory_space<semaphore_mem>>
      %dma_start3A = tpu.memref_slice %arg4[%mul3A_2] : memref<323584xi32, #tpu.memory_space<hbm>> -> memref<10112xi32, #tpu.memory_space<hbm>>
      %dma_start3A_8 = tpu.memref_slice %arg4[%mul3A_2] : memref<323584xi32, #tpu.memory_space<hbm>> -> memref<10112xi32, #tpu.memory_space<hbm>>
      tpu.enqueue_dma source(%dma_start3A_8 : memref<10112xi32, #tpu.memory_space<hbm>>) target(%arg8 : memref<10112xi32, #tpu.memory_space<vmem>>) target_semaphore(%run_scoped3A : memref<!tpu.dma_semaphore, #tpu.memory_space<semaphore_mem>>)
      %dma_wait3A = tpu.memref_slice %arg4[%mul3A_2] : memref<323584xi32, #tpu.memory_space<hbm>> -> memref<10112xi32, #tpu.memory_space<hbm>>
      %dma_wait3A_9 = tpu.memref_slice %arg4[%mul3A_2] : memref<323584xi32, #tpu.memory_space<hbm>> -> memref<10112xi32, #tpu.memory_space<hbm>>
      tpu.wait_dma2 semaphore(%run_scoped3A : memref<!tpu.dma_semaphore, #tpu.memory_space<semaphore_mem>>) src(%dma_wait3A_9 : memref<10112xi32, #tpu.memory_space<hbm>>) dst(%arg8 : memref<10112xi32, #tpu.memory_space<vmem>>)
      tpu.yield
    }) : () -> ()
    %scan3A = arith.constant 0 : i32
    %scan3A_3 = arith.constant 0 : i32
    %scan3A_4 = arith.constant 632 : i32
    %scan3A_5 = arith.addi %scan3A_3, %scan3A_4 : i32
    %scan3A_6 = arith.constant 1 : i32
    scf.for %scan3A_8 = %scan3A_3 to %scan3A_5 step %scan3A_6  : i32 {
      %mul3A_9 = arith.constant 16 : i32
      %mul3A_10 = arith.muli %scan3A_8, %mul3A_9 : i32
      %get3A = arith.index_cast %mul3A_10 : i32 to index
      %get3A_11 = tpu.vector_load %arg7[%get3A] {strides = array<i32>} : memref<10112xi32, #tpu.memory_space<vmem>>, vector<16xi32>,
      %mul3A_12 = arith.constant 3 : i32
      %mul3A_13 = vector.broadcast %mul3A_12 : i32 to vector<16xi32>
      %mul3A_14 = arith.muli %get3A_11, %mul3A_13 : vector<16xi32>
      %get3A_15 = arith.index_cast %mul3A_10 : i32 to index
      %get3A_16 = tpu.vector_load %arg8[%get3A_15] {strides = array<i32>} : memref<10112xi32, #tpu.memory_space<vmem>>, vector<16xi32>,
      %mul3A_17 = arith.constant 3 : i32
      %mul3A_18 = vector.broadcast %mul3A_17 : i32 to vector<16xi32>
      %mul3A_19 = arith.muli %get3A_16, %mul3A_18 : vector<16xi32>
      %broadcast_in_dim3A = arith.constant 0.000000e+00 : f32
      %broadcast_in_dim3A_20 = vector.broadcast %broadcast_in_dim3A : f32 to vector<16xf32>
      %add3A_21 = arith.constant 0 : i32
      %add3A_22 = vector.broadcast %add3A_21 : i32 to vector<16xi32>
      %add3A_23 = arith.addi %mul3A_14, %add3A_22 : vector<16xi32>
      %gather3A = tpu.vector_load_idx %arg6[%add3A_23] : memref<30000xf32, #tpu.memory_space<vmem>>[vector<16xi32>], vector<16xf32>,
      %add3A_24 = arith.constant 0 : i32
      %add3A_25 = vector.broadcast %add3A_24 : i32 to vector<16xi32>
      %add3A_26 = arith.addi %mul3A_19, %add3A_25 : vector<16xi32>
      %gather3A_27 = tpu.vector_load_idx %arg6[%add3A_26] : memref<30000xf32, #tpu.memory_space<vmem>>[vector<16xi32>], vector<16xf32>,
      %sub3A = arith.subf %gather3A, %gather3A_27 : vector<16xf32>
      %mul3A_28 = arith.mulf %sub3A, %sub3A : vector<16xf32>
      %add3A_29 = arith.addf %broadcast_in_dim3A_20, %mul3A_28 : vector<16xf32>
      %add3A_30 = arith.constant 1 : i32
      %add3A_31 = vector.broadcast %add3A_30 : i32 to vector<16xi32>
      %add3A_32 = arith.addi %mul3A_14, %add3A_31 : vector<16xi32>
      %gather3A_33 = tpu.vector_load_idx %arg6[%add3A_32] : memref<30000xf32, #tpu.memory_space<vmem>>[vector<16xi32>], vector<16xf32>,
      %add3A_34 = arith.constant 1 : i32
      %add3A_35 = vector.broadcast %add3A_34 : i32 to vector<16xi32>
      %add3A_36 = arith.addi %mul3A_19, %add3A_35 : vector<16xi32>
      %gather3A_37 = tpu.vector_load_idx %arg6[%add3A_36] : memref<30000xf32, #tpu.memory_space<vmem>>[vector<16xi32>], vector<16xf32>,
      %sub3A_38 = arith.subf %gather3A_33, %gather3A_37 : vector<16xf32>
      %mul3A_39 = arith.mulf %sub3A_38, %sub3A_38 : vector<16xf32>
      %add3A_40 = arith.addf %add3A_29, %mul3A_39 : vector<16xf32>
      %add3A_41 = arith.constant 2 : i32
      %add3A_42 = vector.broadcast %add3A_41 : i32 to vector<16xi32>
      %add3A_43 = arith.addi %mul3A_14, %add3A_42 : vector<16xi32>
      %gather3A_44 = tpu.vector_load_idx %arg6[%add3A_43] : memref<30000xf32, #tpu.memory_space<vmem>>[vector<16xi32>], vector<16xf32>,
      %add3A_45 = arith.constant 2 : i32
      %add3A_46 = vector.broadcast %add3A_45 : i32 to vector<16xi32>
      %add3A_47 = arith.addi %mul3A_19, %add3A_46 : vector<16xi32>
      %gather3A_48 = tpu.vector_load_idx %arg6[%add3A_47] : memref<30000xf32, #tpu.memory_space<vmem>>[vector<16xi32>], vector<16xf32>,
      %sub3A_49 = arith.subf %gather3A_44, %gather3A_48 : vector<16xf32>
      %mul3A_50 = arith.mulf %sub3A_49, %sub3A_49 : vector<16xf32>
      %add3A_51 = arith.addf %add3A_40, %mul3A_50 : vector<16xf32>
      %swap3A = arith.index_cast %mul3A_10 : i32 to index
      %swap3A_52 = tpu.vector_load %arg9[%swap3A] {strides = array<i32>} : memref<10112xf32, #tpu.memory_space<vmem>>, vector<16xf32>,
      tpu.vector_store %arg9[%swap3A], %add3A_51 {strides = array<i32>} : memref<10112xf32, #tpu.memory_space<vmem>>, vector<16xf32>,
    }
    %scan3A_7 = arith.constant 632 : i32
    "tpu.region"() ({
      %run_scoped3A = tpu.sem_alloc : memref<!tpu.dma_semaphore, #tpu.memory_space<semaphore_mem>>
      %dma_start3A = tpu.memref_slice %arg5[%mul3A_2] : memref<323584xf32, #tpu.memory_space<hbm>> -> memref<10112xf32, #tpu.memory_space<hbm>>
      %dma_start3A_8 = tpu.memref_slice %arg5[%mul3A_2] : memref<323584xf32, #tpu.memory_space<hbm>> -> memref<10112xf32, #tpu.memory_space<hbm>>
      tpu.enqueue_dma source(%arg9 : memref<10112xf32, #tpu.memory_space<vmem>>) target(%dma_start3A_8 : memref<10112xf32, #tpu.memory_space<hbm>>) target_semaphore(%run_scoped3A : memref<!tpu.dma_semaphore, #tpu.memory_space<semaphore_mem>>)
      %dma_wait3A = tpu.memref_slice %arg5[%mul3A_2] : memref<323584xf32, #tpu.memory_space<hbm>> -> memref<10112xf32, #tpu.memory_space<hbm>>
      %dma_wait3A_9 = tpu.memref_slice %arg5[%mul3A_2] : memref<323584xf32, #tpu.memory_space<hbm>> -> memref<10112xf32, #tpu.memory_space<hbm>>
      tpu.wait_dma2 semaphore(%run_scoped3A : memref<!tpu.dma_semaphore, #tpu.memory_space<semaphore_mem>>) src(%arg9 : memref<10112xf32, #tpu.memory_space<vmem>>) dst(%dma_wait3A_9 : memref<10112xf32, #tpu.memory_space<hbm>>)
      tpu.yield
    }) : () -> ()
    return
  }
}

module attributes {stable_mosaic.version = 14 : i64} {
  func.func @_embed_body(%arg0: i32, %arg1: memref<1000x1xi32, #tpu.memory_space<vmem>>, %arg2: memref<16x128xf32, #tpu.memory_space<vmem>>, %arg3: memref<128x128xf32, #tpu.memory_space<vmem>>, %arg4: memref<1000x128xf32, #tpu.memory_space<vmem>>, %arg5: memref<1000x128xf32, #tpu.memory_space<vmem>>) attributes {dimension_semantics = [#tpu.dimension_semantics<arbitrary>], iteration_bounds = array<i64: 10>, scalar_prefetch = 0 : i64, scratch_operands = 0 : i64, tpu.core_type = #tpu.core_type<tc>, window_params = [{transform_indices = @transform_0, window_bounds = array<i64: 1000, 1>}, {pipeline_mode = #tpu.pipeline_mode<synchronous>, transform_indices = @transform_1, window_bounds = array<i64: 16, 128>}, {pipeline_mode = #tpu.pipeline_mode<synchronous>, transform_indices = @transform_2, window_bounds = array<i64: 128, 128>}, {transform_indices = @transform_3, window_bounds = array<i64: 1000, 128>}, {transform_indices = @transform_4, window_bounds = array<i64: 1000, 128>}]} {
    %get3A = arith.constant 0 : index
    %get3A_0 = arith.constant 0 : index
    %get3A_1 = vector.load %arg1[%get3A, %get3A_0] : memref<1000x1xi32, #tpu.memory_space<vmem>>, vector<1000x1xi32>
    %iota3A = tpu.iota {dimensions = array<i32: 1>} : vector<1000x16xi32>
    %eq3A = vector.broadcast %get3A_1 : vector<1000x1xi32> to vector<1000x16xi32>
    %eq3A_2 = arith.cmpi eq, %iota3A, %eq3A : vector<1000x16xi32>
    %jit3A = arith.constant 1.000000e+00 : f32
    %jit3A_3 = arith.constant 0.000000e+00 : f32
    %broadcast_in_dim3A = vector.broadcast %jit3A : f32 to vector<1000x16xf32>
    %broadcast_in_dim3A_4 = vector.broadcast %jit3A_3 : f32 to vector<1000x16xf32>
    %select_n3A = arith.select %eq3A_2, %broadcast_in_dim3A, %broadcast_in_dim3A_4 : vector<1000x16xi1>, vector<1000x16xf32>
    %get3A_5 = arith.constant 0 : index
    %get3A_6 = arith.constant 0 : index
    %get3A_7 = vector.load %arg2[%get3A_5, %get3A_6] : memref<16x128xf32, #tpu.memory_space<vmem>>, vector<16x128xf32>
    %dot_general3A = arith.constant dense<0.000000e+00> : vector<1000x128xf32>
    %dot_general3A_8 = tpu.matmul %select_n3A, %get3A_7, %dot_general3A {dimension_numbers = #tpu.dot_dimension_numbers<[1], [0], [0], [1], [0, 0, 1, 1], [], []>, transpose_lhs_hint = false} : vector<1000x16xf32>, vector<16x128xf32>, vector<1000x128xf32> -> vector<1000x128xf32>
    %swap3A = arith.constant 0 : index
    %swap3A_9 = arith.constant 0 : index
    %swap3A_10 = vector.load %arg4[%swap3A, %swap3A_9] : memref<1000x128xf32, #tpu.memory_space<vmem>>, vector<1000x128xf32>
    tpu.vector_store %arg4[%swap3A, %swap3A_9], %dot_general3A_8 {strides = array<i32>} : memref<1000x128xf32, #tpu.memory_space<vmem>>, vector<1000x128xf32>,
    %get3A_11 = arith.constant 0 : index
    %get3A_12 = arith.constant 0 : index
    %get3A_13 = vector.load %arg3[%get3A_11, %get3A_12] : memref<128x128xf32, #tpu.memory_space<vmem>>, vector<128x128xf32>
    %dot_general3A_14 = arith.constant dense<0.000000e+00> : vector<1000x128xf32>
    %dot_general3A_15 = tpu.matmul %dot_general3A_8, %get3A_13, %dot_general3A_14 {dimension_numbers = #tpu.dot_dimension_numbers<[1], [0], [0], [1], [0, 0, 1, 1], [], []>, transpose_lhs_hint = false} : vector<1000x128xf32>, vector<128x128xf32>, vector<1000x128xf32> -> vector<1000x128xf32>
    %swap3A_16 = arith.constant 0 : index
    %swap3A_17 = arith.constant 0 : index
    %swap3A_18 = vector.load %arg5[%swap3A_16, %swap3A_17] : memref<1000x128xf32, #tpu.memory_space<vmem>>, vector<1000x128xf32>
    tpu.vector_store %arg5[%swap3A_16, %swap3A_17], %dot_general3A_15 {strides = array<i32>} : memref<1000x128xf32, #tpu.memory_space<vmem>>, vector<1000x128xf32>,
    return
  }
  func.func @transform_0(%arg0: i32) -> (i32, i32) {
    %c0_i32 = arith.constant 0 : i32
    %c0_i32_0 = arith.constant 0 : i32
    return %arg0, %c0_i32 : i32, i32
  }
  func.func @transform_1(%arg0: i32) -> (i32, i32) {
    %c0_i32 = arith.constant 0 : i32
    %c0_i32_0 = arith.constant 0 : i32
    %c0_i32_1 = arith.constant 0 : i32
    return %c0_i32, %c0_i32_0 : i32, i32
  }
  func.func @transform_2(%arg0: i32) -> (i32, i32) {
    %c0_i32 = arith.constant 0 : i32
    %c0_i32_0 = arith.constant 0 : i32
    %c0_i32_1 = arith.constant 0 : i32
    return %c0_i32, %c0_i32_0 : i32, i32
  }
  func.func @transform_3(%arg0: i32) -> (i32, i32) {
    %c0_i32 = arith.constant 0 : i32
    %c0_i32_0 = arith.constant 0 : i32
    return %arg0, %c0_i32 : i32, i32
  }
  func.func @transform_4(%arg0: i32) -> (i32, i32) {
    %c0_i32 = arith.constant 0 : i32
    %c0_i32_0 = arith.constant 0 : i32
    return %arg0, %c0_i32 : i32, i32
  }
}

module attributes {stable_mosaic.version = 14 : i64} {
  func.func @_radial_body(%arg0: i32, %arg1: memref<1x1x4096xf32, #tpu.memory_space<vmem>>, %arg2: memref<64x8xf32, #tpu.memory_space<vmem>>, %arg3: memref<64x1xf32, #tpu.memory_space<vmem>>, %arg4: memref<128x64xf32, #tpu.memory_space<vmem>>, %arg5: memref<128x1xf32, #tpu.memory_space<vmem>>, %arg6: memref<4096x128xf32, #tpu.memory_space<vmem>>) attributes {dimension_semantics = [#tpu.dimension_semantics<arbitrary>], iteration_bounds = array<i64: 79>, scalar_prefetch = 0 : i64, scratch_operands = 0 : i64, tpu.core_type = #tpu.core_type<tc>, window_params = [{transform_indices = @transform_0, window_bounds = array<i64: 1, 1, 4096>}, {pipeline_mode = #tpu.pipeline_mode<synchronous>, transform_indices = @transform_1, window_bounds = array<i64: 64, 8>}, {pipeline_mode = #tpu.pipeline_mode<synchronous>, transform_indices = @transform_2, window_bounds = array<i64: 64, 1>}, {pipeline_mode = #tpu.pipeline_mode<synchronous>, transform_indices = @transform_3, window_bounds = array<i64: 128, 64>}, {pipeline_mode = #tpu.pipeline_mode<synchronous>, transform_indices = @transform_4, window_bounds = array<i64: 128, 1>}, {transform_indices = @transform_5, window_bounds = array<i64: 4096, 128>}]} {
    %get3A = arith.constant 0 : index
    %get3A_0 = arith.constant 0 : index
    %get3A_1 = arith.constant 0 : index
    %get3A_2 = vector.load %arg1[%get3A, %get3A_0, %get3A_1] : memref<1x1x4096xf32, #tpu.memory_space<vmem>>, vector<1x1x4096xf32>
    %get3A_3 = vector.shape_cast %get3A_2 : vector<1x1x4096xf32> to vector<4096xf32>
    %reshape3A = vector.shape_cast %get3A_3 : vector<4096xf32> to vector<1x4096xf32>
    %add3A = arith.constant 9.99999996E-13 : f32
    %add3A_4 = vector.broadcast %add3A : f32 to vector<1x4096xf32>
    %add3A_5 = arith.addf %reshape3A, %add3A_4 : vector<1x4096xf32>
    %sqrt3A = math.sqrt %add3A_5 : vector<1x4096xf32>
    %mul3A = arith.constant 0.628318548 : f32
    %mul3A_6 = vector.broadcast %mul3A : f32 to vector<1x4096xf32>
    %mul3A_7 = arith.mulf %mul3A_6, %sqrt3A : vector<1x4096xf32>
    %iota3A = tpu.iota {dimensions = array<i32: 0>} : vector<8x1xi32>
    %convert_element_type3A = arith.sitofp %iota3A : vector<8x1xi32> to vector<8x1xf32>
    %add3A_8 = arith.constant 1.000000e+00 : f32
    %add3A_9 = vector.broadcast %add3A_8 : f32 to vector<8x1xf32>
    %add3A_10 = arith.addf %convert_element_type3A, %add3A_9 : vector<8x1xf32>
    %div3A = arith.constant 5.000000e+00 : f32
    %div3A_11 = vector.broadcast %div3A : f32 to vector<1x4096xf32>
    %div3A_12 = arith.divf %sqrt3A, %div3A_11 : vector<1x4096xf32>
    %mul3A_13 = arith.mulf %div3A_12, %div3A_12 : vector<1x4096xf32>
    %mul3A_14 = arith.mulf %mul3A_13, %div3A_12 : vector<1x4096xf32>
    %mul3A_15 = arith.mulf %mul3A_14, %mul3A_14 : vector<1x4096xf32>
    %mul3A_16 = arith.mulf %mul3A_15, %div3A_12 : vector<1x4096xf32>
    %mul3A_17 = arith.mulf %mul3A_16, %div3A_12 : vector<1x4096xf32>
    %mul3A_18 = arith.constant 2.800000e+01 : f32
    %mul3A_19 = vector.broadcast %mul3A_18 : f32 to vector<1x4096xf32>
    %mul3A_20 = arith.mulf %mul3A_19, %mul3A_15 : vector<1x4096xf32>
    %sub3A = arith.constant 1.000000e+00 : f32
    %sub3A_21 = vector.broadcast %sub3A : f32 to vector<1x4096xf32>
    %sub3A_22 = arith.subf %sub3A_21, %mul3A_20 : vector<1x4096xf32>
    %mul3A_23 = arith.constant 4.800000e+01 : f32
    %mul3A_24 = vector.broadcast %mul3A_23 : f32 to vector<1x4096xf32>
    %mul3A_25 = arith.mulf %mul3A_24, %mul3A_16 : vector<1x4096xf32>
    %add3A_26 = arith.addf %sub3A_22, %mul3A_25 : vector<1x4096xf32>
    %mul3A_27 = arith.constant 2.100000e+01 : f32
    %mul3A_28 = vector.broadcast %mul3A_27 : f32 to vector<1x4096xf32>
    %mul3A_29 = arith.mulf %mul3A_28, %mul3A_17 : vector<1x4096xf32>
    %sub3A_30 = arith.subf %add3A_26, %mul3A_29 : vector<1x4096xf32>
    %lt3A = arith.constant 1.000000e+00 : f32
    %lt3A_31 = vector.broadcast %lt3A : f32 to vector<1x4096xf32>
    %lt3A_32 = arith.cmpf olt, %div3A_12, %lt3A_31 : vector<1x4096xf32>
    %jit3A = arith.constant 0.000000e+00 : f32
    %broadcast_in_dim3A = vector.broadcast %jit3A : f32 to vector<1x4096xf32>
    %select_n3A = arith.select %lt3A_32, %sub3A_30, %broadcast_in_dim3A : vector<1x4096xi1>, vector<1x4096xf32>
    %sqrt3A_33 = arith.constant 4.000000e-01 : f32
    %sqrt3A_34 = math.sqrt %sqrt3A_33 : f32
    %mul3A_35 = vector.broadcast %sqrt3A_34 : f32 to vector<1x4096xf32>
    %mul3A_36 = arith.mulf %mul3A_35, %select_n3A : vector<1x4096xf32>
    %div3A_37 = arith.divf %mul3A_36, %sqrt3A : vector<1x4096xf32>
    %mul3A_38 = vector.broadcast %add3A_10 : vector<8x1xf32> to vector<8x4096xf32>
    %mul3A_39 = vector.broadcast %mul3A_7 : vector<1x4096xf32> to vector<8x4096xf32>
    %mul3A_40 = arith.mulf %mul3A_38, %mul3A_39 : vector<8x4096xf32>
    %sin3A = math.sin %mul3A_40 : vector<8x4096xf32>
    %mul3A_41 = vector.broadcast %div3A_37 : vector<1x4096xf32> to vector<8x4096xf32>
    %mul3A_42 = arith.mulf %sin3A, %mul3A_41 : vector<8x4096xf32>
    %get3A_43 = arith.constant 0 : index
    %get3A_44 = arith.constant 0 : index
    %get3A_45 = vector.load %arg2[%get3A_43, %get3A_44] : memref<64x8xf32, #tpu.memory_space<vmem>>, vector<64x8xf32>
    %dot_general3A = arith.constant dense<0.000000e+00> : vector<64x4096xf32>
    %dot_general3A_46 = tpu.matmul %get3A_45, %mul3A_42, %dot_general3A {dimension_numbers = #tpu.dot_dimension_numbers<[1], [0], [0], [1], [0, 0, 1, 1], [], []>, transpose_lhs_hint = false} : vector<64x8xf32>, vector<8x4096xf32>, vector<64x4096xf32> -> vector<64x4096xf32>
    %get3A_47 = arith.constant 0 : index
    %get3A_48 = arith.constant 0 : index
    %get3A_49 = vector.load %arg3[%get3A_47, %get3A_48] : memref<64x1xf32, #tpu.memory_space<vmem>>, vector<64x1xf32>
    %add3A_50 = vector.broadcast %get3A_49 : vector<64x1xf32> to vector<64x4096xf32>
    %add3A_51 = arith.addf %dot_general3A_46, %add3A_50 : vector<64x4096xf32>
    %neg3A = arith.constant 0.000000e+00 : f32
    %neg3A_52 = vector.broadcast %neg3A : f32 to vector<64x4096xf32>
    %neg3A_53 = arith.subf %neg3A_52, %add3A_51 : vector<64x4096xf32>
    %exp3A = math.exp %neg3A_53 : vector<64x4096xf32>
    %add3A_54 = arith.constant 1.000000e+00 : f32
    %add3A_55 = vector.broadcast %add3A_54 : f32 to vector<64x4096xf32>
    %add3A_56 = arith.addf %add3A_55, %exp3A : vector<64x4096xf32>
    %div3A_57 = arith.constant 1.000000e+00 : f32
    %div3A_58 = vector.broadcast %div3A_57 : f32 to vector<64x4096xf32>
    %div3A_59 = arith.divf %div3A_58, %add3A_56 : vector<64x4096xf32>
    %mul3A_60 = arith.mulf %add3A_51, %div3A_59 : vector<64x4096xf32>
    %get3A_61 = arith.constant 0 : index
    %get3A_62 = arith.constant 0 : index
    %get3A_63 = vector.load %arg4[%get3A_61, %get3A_62] : memref<128x64xf32, #tpu.memory_space<vmem>>, vector<128x64xf32>
    %dot_general3A_64 = arith.constant dense<0.000000e+00> : vector<128x4096xf32>
    %dot_general3A_65 = tpu.matmul %get3A_63, %mul3A_60, %dot_general3A_64 {dimension_numbers = #tpu.dot_dimension_numbers<[1], [0], [0], [1], [0, 0, 1, 1], [], []>, transpose_lhs_hint = false} : vector<128x64xf32>, vector<64x4096xf32>, vector<128x4096xf32> -> vector<128x4096xf32>
    %get3A_66 = arith.constant 0 : index
    %get3A_67 = arith.constant 0 : index
    %get3A_68 = vector.load %arg5[%get3A_66, %get3A_67] : memref<128x1xf32, #tpu.memory_space<vmem>>, vector<128x1xf32>
    %add3A_69 = vector.broadcast %get3A_68 : vector<128x1xf32> to vector<128x4096xf32>
    %add3A_70 = arith.addf %dot_general3A_65, %add3A_69 : vector<128x4096xf32>
    %transpose3A = tpu.transpose %add3A_70, [1, 0] : vector<128x4096xf32> -> vector<4096x128xf32>
    %swap3A = arith.constant 0 : index
    %swap3A_71 = arith.constant 0 : index
    %swap3A_72 = vector.load %arg6[%swap3A, %swap3A_71] : memref<4096x128xf32, #tpu.memory_space<vmem>>, vector<4096x128xf32>
    tpu.vector_store %arg6[%swap3A, %swap3A_71], %transpose3A {strides = array<i32>} : memref<4096x128xf32, #tpu.memory_space<vmem>>, vector<4096x128xf32>,
    return
  }
  func.func @transform_0(%arg0: i32) -> (i32, i32, i32) {
    %c0_i32 = arith.constant 0 : i32
    %c0_i32_0 = arith.constant 0 : i32
    %c0_i32_1 = arith.constant 0 : i32
    return %arg0, %c0_i32, %c0_i32_0 : i32, i32, i32
  }
  func.func @transform_1(%arg0: i32) -> (i32, i32) {
    %c0_i32 = arith.constant 0 : i32
    %c0_i32_0 = arith.constant 0 : i32
    %c0_i32_1 = arith.constant 0 : i32
    return %c0_i32, %c0_i32_0 : i32, i32
  }
  func.func @transform_2(%arg0: i32) -> (i32, i32) {
    %c0_i32 = arith.constant 0 : i32
    %c0_i32_0 = arith.constant 0 : i32
    %c0_i32_1 = arith.constant 0 : i32
    return %c0_i32, %c0_i32_0 : i32, i32
  }
  func.func @transform_3(%arg0: i32) -> (i32, i32) {
    %c0_i32 = arith.constant 0 : i32
    %c0_i32_0 = arith.constant 0 : i32
    %c0_i32_1 = arith.constant 0 : i32
    return %c0_i32, %c0_i32_0 : i32, i32
  }
  func.func @transform_4(%arg0: i32) -> (i32, i32) {
    %c0_i32 = arith.constant 0 : i32
    %c0_i32_0 = arith.constant 0 : i32
    %c0_i32_1 = arith.constant 0 : i32
    return %c0_i32, %c0_i32_0 : i32, i32
  }
  func.func @transform_5(%arg0: i32) -> (i32, i32) {
    %c0_i32 = arith.constant 0 : i32
    %c0_i32_0 = arith.constant 0 : i32
    return %arg0, %c0_i32 : i32, i32
  }
}

module attributes {stable_mosaic.version = 14 : i64} {
  func.func @_update_body(%arg0: i32, %arg1: memref<1000x128xf32, #tpu.memory_space<vmem>>, %arg2: memref<1000x128xf32, #tpu.memory_space<vmem>>, %arg3: memref<1000x128xf32, #tpu.memory_space<vmem>>, %arg4: memref<128x128xf32, #tpu.memory_space<vmem>>, %arg5: memref<128x128xf32, #tpu.memory_space<vmem>>, %arg6: memref<1000x128xf32, #tpu.memory_space<vmem>>, %arg7: memref<1000x128xf32, #tpu.memory_space<vmem>>) attributes {dimension_semantics = [#tpu.dimension_semantics<arbitrary>], iteration_bounds = array<i64: 10>, scalar_prefetch = 0 : i64, scratch_operands = 0 : i64, tpu.core_type = #tpu.core_type<tc>, window_params = [{transform_indices = @transform_0, window_bounds = array<i64: 1000, 128>}, {transform_indices = @transform_1, window_bounds = array<i64: 1000, 128>}, {transform_indices = @transform_2, window_bounds = array<i64: 1000, 128>}, {pipeline_mode = #tpu.pipeline_mode<synchronous>, transform_indices = @transform_3, window_bounds = array<i64: 128, 128>}, {pipeline_mode = #tpu.pipeline_mode<synchronous>, transform_indices = @transform_4, window_bounds = array<i64: 128, 128>}, {transform_indices = @transform_5, window_bounds = array<i64: 1000, 128>}, {transform_indices = @transform_6, window_bounds = array<i64: 1000, 128>}]} {
    %get3A = arith.constant 0 : index
    %get3A_0 = arith.constant 0 : index
    %get3A_1 = vector.load %arg1[%get3A, %get3A_0] : memref<1000x128xf32, #tpu.memory_space<vmem>>, vector<1000x128xf32>
    %get3A_2 = arith.constant 0 : index
    %get3A_3 = arith.constant 0 : index
    %get3A_4 = vector.load %arg4[%get3A_2, %get3A_3] : memref<128x128xf32, #tpu.memory_space<vmem>>, vector<128x128xf32>
    %dot_general3A = arith.constant dense<0.000000e+00> : vector<1000x128xf32>
    %dot_general3A_5 = tpu.matmul %get3A_1, %get3A_4, %dot_general3A {dimension_numbers = #tpu.dot_dimension_numbers<[1], [0], [0], [1], [0, 0, 1, 1], [], []>, transpose_lhs_hint = false} : vector<1000x128xf32>, vector<128x128xf32>, vector<1000x128xf32> -> vector<1000x128xf32>
    %get3A_6 = arith.constant 0 : index
    %get3A_7 = arith.constant 0 : index
    %get3A_8 = vector.load %arg2[%get3A_6, %get3A_7] : memref<1000x128xf32, #tpu.memory_space<vmem>>, vector<1000x128xf32>
    %add3A = arith.addf %dot_general3A_5, %get3A_8 : vector<1000x128xf32>
    %get3A_9 = arith.constant 0 : index
    %get3A_10 = arith.constant 0 : index
    %get3A_11 = vector.load %arg3[%get3A_9, %get3A_10] : memref<1000x128xf32, #tpu.memory_space<vmem>>, vector<1000x128xf32>
    %add3A_12 = arith.addf %add3A, %get3A_11 : vector<1000x128xf32>
    %neg3A = arith.constant 0.000000e+00 : f32
    %neg3A_13 = vector.broadcast %neg3A : f32 to vector<1000x128xf32>
    %neg3A_14 = arith.subf %neg3A_13, %add3A_12 : vector<1000x128xf32>
    %exp3A = math.exp %neg3A_14 : vector<1000x128xf32>
    %add3A_15 = arith.constant 1.000000e+00 : f32
    %add3A_16 = vector.broadcast %add3A_15 : f32 to vector<1000x128xf32>
    %add3A_17 = arith.addf %add3A_16, %exp3A : vector<1000x128xf32>
    %div3A = arith.constant 1.000000e+00 : f32
    %div3A_18 = vector.broadcast %div3A : f32 to vector<1000x128xf32>
    %div3A_19 = arith.divf %div3A_18, %add3A_17 : vector<1000x128xf32>
    %mul3A = arith.mulf %add3A_12, %div3A_19 : vector<1000x128xf32>
    %swap3A = arith.constant 0 : index
    %swap3A_20 = arith.constant 0 : index
    %swap3A_21 = vector.load %arg6[%swap3A, %swap3A_20] : memref<1000x128xf32, #tpu.memory_space<vmem>>, vector<1000x128xf32>
    tpu.vector_store %arg6[%swap3A, %swap3A_20], %mul3A {strides = array<i32>} : memref<1000x128xf32, #tpu.memory_space<vmem>>, vector<1000x128xf32>,
    %get3A_22 = arith.constant 0 : index
    %get3A_23 = arith.constant 0 : index
    %get3A_24 = vector.load %arg5[%get3A_22, %get3A_23] : memref<128x128xf32, #tpu.memory_space<vmem>>, vector<128x128xf32>
    %dot_general3A_25 = arith.constant dense<0.000000e+00> : vector<1000x128xf32>
    %dot_general3A_26 = tpu.matmul %mul3A, %get3A_24, %dot_general3A_25 {dimension_numbers = #tpu.dot_dimension_numbers<[1], [0], [0], [1], [0, 0, 1, 1], [], []>, transpose_lhs_hint = false} : vector<1000x128xf32>, vector<128x128xf32>, vector<1000x128xf32> -> vector<1000x128xf32>
    %swap3A_27 = arith.constant 0 : index
    %swap3A_28 = arith.constant 0 : index
    %swap3A_29 = vector.load %arg7[%swap3A_27, %swap3A_28] : memref<1000x128xf32, #tpu.memory_space<vmem>>, vector<1000x128xf32>
    tpu.vector_store %arg7[%swap3A_27, %swap3A_28], %dot_general3A_26 {strides = array<i32>} : memref<1000x128xf32, #tpu.memory_space<vmem>>, vector<1000x128xf32>,
    return
  }
  func.func @transform_0(%arg0: i32) -> (i32, i32) {
    %c0_i32 = arith.constant 0 : i32
    %c0_i32_0 = arith.constant 0 : i32
    return %arg0, %c0_i32 : i32, i32
  }
  func.func @transform_1(%arg0: i32) -> (i32, i32) {
    %c0_i32 = arith.constant 0 : i32
    %c0_i32_0 = arith.constant 0 : i32
    return %arg0, %c0_i32 : i32, i32
  }
  func.func @transform_2(%arg0: i32) -> (i32, i32) {
    %c0_i32 = arith.constant 0 : i32
    %c0_i32_0 = arith.constant 0 : i32
    return %arg0, %c0_i32 : i32, i32
  }
  func.func @transform_3(%arg0: i32) -> (i32, i32) {
    %c0_i32 = arith.constant 0 : i32
    %c0_i32_0 = arith.constant 0 : i32
    %c0_i32_1 = arith.constant 0 : i32
    return %c0_i32, %c0_i32_0 : i32, i32
  }
  func.func @transform_4(%arg0: i32) -> (i32, i32) {
    %c0_i32 = arith.constant 0 : i32
    %c0_i32_0 = arith.constant 0 : i32
    %c0_i32_1 = arith.constant 0 : i32
    return %c0_i32, %c0_i32_0 : i32, i32
  }
  func.func @transform_5(%arg0: i32) -> (i32, i32) {
    %c0_i32 = arith.constant 0 : i32
    %c0_i32_0 = arith.constant 0 : i32
    return %arg0, %c0_i32 : i32, i32
  }
  func.func @transform_6(%arg0: i32) -> (i32, i32) {
    %c0_i32 = arith.constant 0 : i32
    %c0_i32_0 = arith.constant 0 : i32
    return %arg0, %c0_i32 : i32, i32
  }
}

module attributes {stable_mosaic.version = 14 : i64} {
  func.func @_final_body(%arg0: i32, %arg1: memref<1000x128xf32, #tpu.memory_space<vmem>>, %arg2: memref<1000x128xf32, #tpu.memory_space<vmem>>, %arg3: memref<1000x128xf32, #tpu.memory_space<vmem>>, %arg4: memref<1000x1xi32, #tpu.memory_space<vmem>>, %arg5: memref<128x128xf32, #tpu.memory_space<vmem>>, %arg6: memref<128x64xf32, #tpu.memory_space<vmem>>, %arg7: memref<64x1xf32, #tpu.memory_space<vmem>>, %arg8: memref<16x1xf32, #tpu.memory_space<vmem>>, %arg9: memref<16x1xf32, #tpu.memory_space<vmem>>, %arg10: memref<1x1xf32, #tpu.memory_space<vmem>>) attributes {dimension_semantics = [#tpu.dimension_semantics<arbitrary>], iteration_bounds = array<i64: 10>, scalar_prefetch = 0 : i64, scratch_operands = 0 : i64, tpu.core_type = #tpu.core_type<tc>, window_params = [{transform_indices = @transform_0, window_bounds = array<i64: 1000, 128>}, {transform_indices = @transform_1, window_bounds = array<i64: 1000, 128>}, {transform_indices = @transform_2, window_bounds = array<i64: 1000, 128>}, {transform_indices = @transform_3, window_bounds = array<i64: 1000, 1>}, {pipeline_mode = #tpu.pipeline_mode<synchronous>, transform_indices = @transform_4, window_bounds = array<i64: 128, 128>}, {pipeline_mode = #tpu.pipeline_mode<synchronous>, transform_indices = @transform_5, window_bounds = array<i64: 128, 64>}, {pipeline_mode = #tpu.pipeline_mode<synchronous>, transform_indices = @transform_6, window_bounds = array<i64: 64, 1>}, {pipeline_mode = #tpu.pipeline_mode<synchronous>, transform_indices = @transform_7, window_bounds = array<i64: 16, 1>}, {pipeline_mode = #tpu.pipeline_mode<synchronous>, transform_indices = @transform_8, window_bounds = array<i64: 16, 1>}, {pipeline_mode = #tpu.pipeline_mode<synchronous>, transform_indices = @transform_9, window_bounds = array<i64: 1, 1>}]} {
    %get3A = arith.constant 0 : index
    %get3A_0 = arith.constant 0 : index
    %get3A_1 = vector.load %arg1[%get3A, %get3A_0] : memref<1000x128xf32, #tpu.memory_space<vmem>>, vector<1000x128xf32>
    %get3A_2 = arith.constant 0 : index
    %get3A_3 = arith.constant 0 : index
    %get3A_4 = vector.load %arg5[%get3A_2, %get3A_3] : memref<128x128xf32, #tpu.memory_space<vmem>>, vector<128x128xf32>
    %dot_general3A = arith.constant dense<0.000000e+00> : vector<1000x128xf32>
    %dot_general3A_5 = tpu.matmul %get3A_1, %get3A_4, %dot_general3A {dimension_numbers = #tpu.dot_dimension_numbers<[1], [0], [0], [1], [0, 0, 1, 1], [], []>, transpose_lhs_hint = false} : vector<1000x128xf32>, vector<128x128xf32>, vector<1000x128xf32> -> vector<1000x128xf32>
    %get3A_6 = arith.constant 0 : index
    %get3A_7 = arith.constant 0 : index
    %get3A_8 = vector.load %arg2[%get3A_6, %get3A_7] : memref<1000x128xf32, #tpu.memory_space<vmem>>, vector<1000x128xf32>
    %add3A = arith.addf %dot_general3A_5, %get3A_8 : vector<1000x128xf32>
    %get3A_9 = arith.constant 0 : index
    %get3A_10 = arith.constant 0 : index
    %get3A_11 = vector.load %arg3[%get3A_9, %get3A_10] : memref<1000x128xf32, #tpu.memory_space<vmem>>, vector<1000x128xf32>
    %add3A_12 = arith.addf %add3A, %get3A_11 : vector<1000x128xf32>
    %neg3A = arith.constant 0.000000e+00 : f32
    %neg3A_13 = vector.broadcast %neg3A : f32 to vector<1000x128xf32>
    %neg3A_14 = arith.subf %neg3A_13, %add3A_12 : vector<1000x128xf32>
    %exp3A = math.exp %neg3A_14 : vector<1000x128xf32>
    %add3A_15 = arith.constant 1.000000e+00 : f32
    %add3A_16 = vector.broadcast %add3A_15 : f32 to vector<1000x128xf32>
    %add3A_17 = arith.addf %add3A_16, %exp3A : vector<1000x128xf32>
    %div3A = arith.constant 1.000000e+00 : f32
    %div3A_18 = vector.broadcast %div3A : f32 to vector<1000x128xf32>
    %div3A_19 = arith.divf %div3A_18, %add3A_17 : vector<1000x128xf32>
    %mul3A = arith.mulf %add3A_12, %div3A_19 : vector<1000x128xf32>
    %get3A_20 = arith.constant 0 : index
    %get3A_21 = arith.constant 0 : index
    %get3A_22 = vector.load %arg6[%get3A_20, %get3A_21] : memref<128x64xf32, #tpu.memory_space<vmem>>, vector<128x64xf32>
    %dot_general3A_23 = arith.constant dense<0.000000e+00> : vector<1000x64xf32>
    %dot_general3A_24 = tpu.matmul %mul3A, %get3A_22, %dot_general3A_23 {dimension_numbers = #tpu.dot_dimension_numbers<[1], [0], [0], [1], [0, 0, 1, 1], [], []>, transpose_lhs_hint = false} : vector<1000x128xf32>, vector<128x64xf32>, vector<1000x64xf32> -> vector<1000x64xf32>
    %neg3A_25 = arith.constant 0.000000e+00 : f32
    %neg3A_26 = vector.broadcast %neg3A_25 : f32 to vector<1000x64xf32>
    %neg3A_27 = arith.subf %neg3A_26, %dot_general3A_24 : vector<1000x64xf32>
    %exp3A_28 = math.exp %neg3A_27 : vector<1000x64xf32>
    %add3A_29 = arith.constant 1.000000e+00 : f32
    %add3A_30 = vector.broadcast %add3A_29 : f32 to vector<1000x64xf32>
    %add3A_31 = arith.addf %add3A_30, %exp3A_28 : vector<1000x64xf32>
    %div3A_32 = arith.constant 1.000000e+00 : f32
    %div3A_33 = vector.broadcast %div3A_32 : f32 to vector<1000x64xf32>
    %div3A_34 = arith.divf %div3A_33, %add3A_31 : vector<1000x64xf32>
    %mul3A_35 = arith.mulf %dot_general3A_24, %div3A_34 : vector<1000x64xf32>
    %get3A_36 = arith.constant 0 : index
    %get3A_37 = arith.constant 0 : index
    %get3A_38 = vector.load %arg7[%get3A_36, %get3A_37] : memref<64x1xf32, #tpu.memory_space<vmem>>, vector<64x1xf32>
    %dot_general3A_39 = arith.constant dense<0.000000e+00> : vector<1000x1xf32>
    %dot_general3A_40 = tpu.matmul %mul3A_35, %get3A_38, %dot_general3A_39 {dimension_numbers = #tpu.dot_dimension_numbers<[1], [0], [0], [1], [0, 0, 1, 1], [], []>, transpose_lhs_hint = false} : vector<1000x64xf32>, vector<64x1xf32>, vector<1000x1xf32> -> vector<1000x1xf32>
    %get3A_41 = arith.constant 0 : index
    %get3A_42 = arith.constant 0 : index
    %get3A_43 = vector.load %arg4[%get3A_41, %get3A_42] : memref<1000x1xi32, #tpu.memory_space<vmem>>, vector<1000x1xi32>
    %iota3A = tpu.iota {dimensions = array<i32: 1>} : vector<1000x16xi32>
    %eq3A = vector.broadcast %get3A_43 : vector<1000x1xi32> to vector<1000x16xi32>
    %eq3A_44 = arith.cmpi eq, %iota3A, %eq3A : vector<1000x16xi32>
    %jit3A = arith.constant 1.000000e+00 : f32
    %jit3A_45 = arith.constant 0.000000e+00 : f32
    %broadcast_in_dim3A = vector.broadcast %jit3A : f32 to vector<1000x16xf32>
    %broadcast_in_dim3A_46 = vector.broadcast %jit3A_45 : f32 to vector<1000x16xf32>
    %select_n3A = arith.select %eq3A_44, %broadcast_in_dim3A, %broadcast_in_dim3A_46 : vector<1000x16xi1>, vector<1000x16xf32>
    %get3A_47 = arith.constant 0 : index
    %get3A_48 = arith.constant 0 : index
    %get3A_49 = vector.load %arg8[%get3A_47, %get3A_48] : memref<16x1xf32, #tpu.memory_space<vmem>>, vector<16x1xf32>
    %dot_general3A_50 = arith.constant dense<0.000000e+00> : vector<1000x1xf32>
    %dot_general3A_51 = tpu.matmul %select_n3A, %get3A_49, %dot_general3A_50 {dimension_numbers = #tpu.dot_dimension_numbers<[1], [0], [0], [1], [0, 0, 1, 1], [], []>, transpose_lhs_hint = false} : vector<1000x16xf32>, vector<16x1xf32>, vector<1000x1xf32> -> vector<1000x1xf32>
    %get3A_52 = arith.constant 0 : index
    %get3A_53 = arith.constant 0 : index
    %get3A_54 = vector.load %arg9[%get3A_52, %get3A_53] : memref<16x1xf32, #tpu.memory_space<vmem>>, vector<16x1xf32>
    %dot_general3A_55 = arith.constant dense<0.000000e+00> : vector<1000x1xf32>
    %dot_general3A_56 = tpu.matmul %select_n3A, %get3A_54, %dot_general3A_55 {dimension_numbers = #tpu.dot_dimension_numbers<[1], [0], [0], [1], [0, 0, 1, 1], [], []>, transpose_lhs_hint = false} : vector<1000x16xf32>, vector<16x1xf32>, vector<1000x1xf32> -> vector<1000x1xf32>
    %mul3A_57 = arith.mulf %dot_general3A_40, %dot_general3A_51 : vector<1000x1xf32>
    %add3A_58 = arith.addf %mul3A_57, %dot_general3A_56 : vector<1000x1xf32>
    %reduce_sum3A = arith.constant dense<0.000000e+00> : vector<1xf32>
    %reduce_sum3A_59 = vector.multi_reduction <add>, %add3A_58, %reduce_sum3A [0] : vector<1000x1xf32> to vector<1xf32>
    %broadcast_in_dim3A_60 = vector.shape_cast %reduce_sum3A_59 : vector<1xf32> to vector<1x1xf32>
    %eq3A_61 = arith.constant 0 : i32
    %eq3A_62 = arith.cmpi eq, %arg0, %eq3A_61 : i32
    %convert_element_type3A = arith.extui %eq3A_62 : i1 to i32
    %cond3A = arith.constant 0 : i32
    %cond3A_63 = arith.cmpi ne, %convert_element_type3A, %cond3A : i32
    scf.if %cond3A_63 {
      %broadcast_in_dim3A_70 = arith.constant 0.000000e+00 : f32
      %broadcast_in_dim3A_71 = vector.broadcast %broadcast_in_dim3A_70 : f32 to vector<1x1xf32>
      %swap3A_72 = arith.constant 0 : index
      %swap3A_73 = arith.constant 0 : index
      %swap3A_74 = vector.load %arg10[%swap3A_72, %swap3A_73] : memref<1x1xf32, #tpu.memory_space<vmem>>, vector<1x1xf32>
      tpu.vector_store %arg10[%swap3A_72, %swap3A_73], %broadcast_in_dim3A_71 {strides = array<i32>} : memref<1x1xf32, #tpu.memory_space<vmem>>, vector<1x1xf32>,
    } else {
    }
    %get3A_64 = arith.constant 0 : index
    %get3A_65 = arith.constant 0 : index
    %get3A_66 = vector.load %arg10[%get3A_64, %get3A_65] : memref<1x1xf32, #tpu.memory_space<vmem>>, vector<1x1xf32>
    %add3A_67 = arith.addf %get3A_66, %broadcast_in_dim3A_60 : vector<1x1xf32>
    %swap3A = arith.constant 0 : index
    %swap3A_68 = arith.constant 0 : index
    %swap3A_69 = vector.load %arg10[%swap3A, %swap3A_68] : memref<1x1xf32, #tpu.memory_space<vmem>>, vector<1x1xf32>
    tpu.vector_store %arg10[%swap3A, %swap3A_68], %add3A_67 {strides = array<i32>} : memref<1x1xf32, #tpu.memory_space<vmem>>, vector<1x1xf32>,
    return
  }
  func.func @transform_0(%arg0: i32) -> (i32, i32) {
    %c0_i32 = arith.constant 0 : i32
    %c0_i32_0 = arith.constant 0 : i32
    return %arg0, %c0_i32 : i32, i32
  }
  func.func @transform_1(%arg0: i32) -> (i32, i32) {
    %c0_i32 = arith.constant 0 : i32
    %c0_i32_0 = arith.constant 0 : i32
    return %arg0, %c0_i32 : i32, i32
  }
  func.func @transform_2(%arg0: i32) -> (i32, i32) {
    %c0_i32 = arith.constant 0 : i32
    %c0_i32_0 = arith.constant 0 : i32
    return %arg0, %c0_i32 : i32, i32
  }
  func.func @transform_3(%arg0: i32) -> (i32, i32) {
    %c0_i32 = arith.constant 0 : i32
    %c0_i32_0 = arith.constant 0 : i32
    return %arg0, %c0_i32 : i32, i32
  }
  func.func @transform_4(%arg0: i32) -> (i32, i32) {
    %c0_i32 = arith.constant 0 : i32
    %c0_i32_0 = arith.constant 0 : i32
    %c0_i32_1 = arith.constant 0 : i32
    return %c0_i32, %c0_i32_0 : i32, i32
  }
  func.func @transform_5(%arg0: i32) -> (i32, i32) {
    %c0_i32 = arith.constant 0 : i32
    %c0_i32_0 = arith.constant 0 : i32
    %c0_i32_1 = arith.constant 0 : i32
    return %c0_i32, %c0_i32_0 : i32, i32
  }
  func.func @transform_6(%arg0: i32) -> (i32, i32) {
    %c0_i32 = arith.constant 0 : i32
    %c0_i32_0 = arith.constant 0 : i32
    %c0_i32_1 = arith.constant 0 : i32
    return %c0_i32, %c0_i32_0 : i32, i32
  }
  func.func @transform_7(%arg0: i32) -> (i32, i32) {
    %c0_i32 = arith.constant 0 : i32
    %c0_i32_0 = arith.constant 0 : i32
    %c0_i32_1 = arith.constant 0 : i32
    return %c0_i32, %c0_i32_0 : i32, i32
  }
  func.func @transform_8(%arg0: i32) -> (i32, i32) {
    %c0_i32 = arith.constant 0 : i32
    %c0_i32_0 = arith.constant 0 : i32
    %c0_i32_1 = arith.constant 0 : i32
    return %c0_i32, %c0_i32_0 : i32, i32
  }
  func.func @transform_9(%arg0: i32) -> (i32, i32) {
    %c0_i32 = arith.constant 0 : i32
    %c0_i32_0 = arith.constant 0 : i32
    %c0_i32_1 = arith.constant 0 : i32
    return %c0_i32, %c0_i32_0 : i32, i32
  }
}

</mosaic_0001>

<sc_bundles>
// kernel: kernel.12.cloned.1.call-start
scs
__scs_entry_jumppad:
0x0: {  	(pc) =	sbr.rel $0x88, $3  }
0x1: {  	(tag) =	ssettag $0x0;
	lr =	simm.s32 $0x1  }
0x2: {  	[smem:$0x3F91] =	sst lr;
	_ =	strace $0xD0000000  }
0x3: {  	_ = 	snop  }
0x4: {  	_ = 	snop  }
0x5: {  	_ = 	snop  }
0x6: {  	_ = 	snop  }
0x7: {  	_ = 	snop  }
__scs_overlays_trampoline_lowered:
0x8: {  	[smem:$0x3FA0] =	sst s0  }
0x9: {  	[smem:$0x3FA1] =	sst s1  }
0xa: {  	[smem:$0x3FA2] =	sst s2  }
0xb: {  	[smem:$0x3FA3] =	sst s3  }
0xc: {  	[smem:$0x3FA4] =	sst s4  }
0xd: {  	[smem:$0x3FA5] =	sst s5  }
0xe: {  	[smem:$0x3FA6] =	sst s6  }
0xf: {  	[smem:$0x3FA7] =	sst s7  }
0x10: {  	[smem:$0x3FA8] =	sst s8  }
0x11: {  	[smem:$0x3FA9] =	sst s9;
	s0 =	simm.s32 @!p0 $0x0  }
0x12: {  	s1 =	sld [smem:$0x3F8F];
	s0 =	simm.s32 @p0 $0x1  }
0x13: {  	[smem:$0x3FAA] =	sst s0;
	s0 =	simm.s32 @!p1 $0x0  }
0x14: {  	s2 =	sld [smem:$0x3F8E];
	s0 =	simm.s32 @p1 $0x1  }
0x15: {  	[smem:$0x3FAB] =	sst s0;
	s0 =	simm.s32 @!p2 $0x0  }
0x16: {  	s3 =	sld [smem:$0x3FDB];
	s0 =	simm.s32 @p2 $0x1  }
0x17: {  	s4 =	simm.s32 $0x1BF5;
	[smem:$0x3FAD] =	sst s0  }
0x18: {  	s0 =	sld [smem:$0x3F90];
	_ =	swait.ge [sflag:s4], $0x0  }
0x19: {  	s7 =	sld [smem:$0x3F91]  }
0x1a: {  	s8 =	sadd.s32 $0xFFFFE003, lr  }
0x1b: {  	s9 =	sadd.s32 $0xFFFFFEF7, lr;
	s5 =	simm.s32 $0xFFFFFFFF;
	p2 =	slt.u32 s8, $0xFFFFF086  }
0x1c: {  	p1 =	slt.u32 s9, $0xF7A;
	s5 =	simm.s32 @!p2 $0x0  }
0x1d: {  	s5 =	simm.s32 @p1 $0x1;
	p0 =	seq.s32 s7, s2  }
0x1e: {  	s7 =	smul.u32 @!p0 $0xF7A, s2;
	p2 =	seq.s32 @!p0 s5, $0x0  }
0x1f: {  	s9 =	smul.u32 $0xF7A, s1;
	s8 =	simm.s32 @!p0 $0x1BF5;
	p2 =	por !p2, p0  }
0x20: {  	[sflag:s8] =	ssyncset.s32 @!p0 $0xFFFFF086;
	s6 =	sadd.s32 @!p0 s3, s7;
	s7 =	simm.s32 @!p0 $0x108  }
0x21: {  	s3 =	sadd.s32 s3, s9;
	s6 =	sadd.s32 @!p0 $0x88, s6;
	s7 =	simm.s32 @p2 $0x1082  }
0x22: {  	[simem:s7], [sflag:s8] =	dma.local @!p0 [hbm:s6], $0xF7A  }
0x23: {  	s9 =	sor.u32 $0xD0000000, s2;
	s6 =	simm.s32 $0x108;
	_ =	swait.ge @!p0 [sflag:s8], $0x0  }
0x24: {  	s3 =	sadd.s32 $0x88, s3;
	s6 =	simm.s32 @!p1 $0x1082;
	[sflag:s4] =	ssyncset.s32 $0xFFFFF086  }
0x25: {  	[simem:s6], [sflag:s4] =	dma.local [hbm:s3], $0xF7A  }
0x26: {  	[smem:$0x3F91] =	sst s1;
	(tag) =	ssettag s2;
	_ =	strace s9  }
0x27: {  	s1 =	sld [smem:$0x3FA1]  }
0x28: {  	s2 =	sld [smem:$0x3FA2]  }
0x29: {  	s4 =	sld [smem:$0x3FA4]  }
0x2a: {  	p0 =	seq.s32 s5, $0x0;
	s5 =	sld [smem:$0x3FA5]  }
0x2b: {  	s6 =	sld [smem:$0x3FA6]  }
0x2c: {  	s7 =	sld [smem:$0x3FA7]  }
0x2d: {  	s3 =	simm.s32 $0x108;
	s8 =	sld [smem:$0x3FA8]  }
0x2e: {  	s3 =	simm.s32 @!p0 $0x1082;
	s9 =	sld [smem:$0x3FA9]  }
0x2f: {  	lr =	sadd.s32 s0, s3;
	s0 =	sld [smem:$0x3FA0]  }
0x30: {  	s3 =	sld [smem:$0x3FA3]  }
0x31: {  	[smem:$0x3FAC] =	sst s10  }
0x32: {  	s10 =	sld [smem:$0x3FAA];
	_ =	sdelay $0x3  }
0x33: {  	p0 =	seq.s32 s10, $0x1;
	s10 =	sld [smem:$0x3FAC];
	_ =	sdelay $0x3  }
0x34: {  	[smem:$0x3FAC] =	sst s10  }
0x35: {  	s10 =	sld [smem:$0x3FAB];
	_ =	sdelay $0x3  }
0x36: {  	p1 =	seq.s32 s10, $0x1;
	s10 =	sld [smem:$0x3FAC];
	_ =	sdelay $0x3  }
0x37: {  	[smem:$0x3FAC] =	sst s10  }
0x38: {  	s10 =	sld [smem:$0x3FAD]  }
0x39: {  	_ = 	snop;
	(pc) =	sbr.ind lr, $3  }
0x3a: {  	_ = 	snop  }
0x3b: {  	_ = 	snop  }
0x3c: {  	p2 =	seq.s32 s10, $0x1;
	s10 =	sld [smem:$0x3FAC]  }
0x3d: {  	_ =	shalt  }
0x3e: {  	_ =	shalt  }
0x3f: {  	_ =	shalt  }
0x40: {  	_ =	shalt  }
0x41: {  	_ =	shalt  }
0x42: {  	_ =	shalt  }
0x43: {  	_ =	shalt  }
0x44: {  	_ =	shalt  }
0x45: {  	_ =	shalt  }
0x46: {  	_ =	shalt  }
0x47: {  	_ =	shalt  }
0x48: {  	_ =	shalt  }
0x49: {  	_ =	shalt  }
0x4a: {  	_ =	shalt  }
0x4b: {  	_ =	shalt  }
0x4c: {  	_ =	shalt  }
0x4d: {  	_ =	shalt  }
0x4e: {  	_ =	shalt  }
0x4f: {  	_ =	shalt  }
0x50: {  	_ =	shalt  }
0x51: {  	_ =	shalt  }
0x52: {  	_ =	shalt  }
0x53: {  	_ =	shalt  }
0x54: {  	_ =	shalt  }
0x55: {  	_ =	shalt  }
0x56: {  	_ =	shalt  }
0x57: {  	_ =	shalt  }
0x58: {  	_ =	shalt  }
0x59: {  	_ =	shalt  }
0x5a: {  	_ =	shalt  }
0x5b: {  	_ =	shalt  }
0x5c: {  	_ =	shalt  }
0x5d: {  	_ =	shalt  }
0x5e: {  	_ =	shalt  }
0x5f: {  	_ =	shalt  }
0x60: {  	_ =	shalt  }
0x61: {  	_ =	shalt  }
0x62: {  	_ =	shalt  }
0x63: {  	_ =	shalt  }
0x64: {  	_ =	shalt  }
0x65: {  	_ =	shalt  }
0x66: {  	_ =	shalt  }
0x67: {  	_ =	shalt  }
0x68: {  	_ =	shalt  }
0x69: {  	_ =	shalt  }
0x6a: {  	_ =	shalt  }
0x6b: {  	_ =	shalt  }
0x6c: {  	_ =	shalt  }
0x6d: {  	_ =	shalt  }
0x6e: {  	_ =	shalt  }
0x6f: {  	_ =	shalt  }
0x70: {  	_ =	shalt  }
0x71: {  	_ =	shalt  }
0x72: {  	_ =	shalt  }
0x73: {  	_ =	shalt  }
0x74: {  	_ =	shalt  }
0x75: {  	_ =	shalt  }
0x76: {  	_ =	shalt  }
0x77: {  	_ =	shalt  }
0x78: {  	_ =	shalt  }
0x79: {  	_ =	shalt  }
0x7a: {  	_ =	shalt  }
0x7b: {  	_ =	shalt  }
0x7c: {  	_ =	shalt  }
0x7d: {  	_ =	shalt  }
0x7e: {  	_ =	shalt  }
0x7f: {  	_ =	shalt  }
0x80: {  	_ =	shalt  }
0x81: {  	_ =	shalt  }
0x82: {  	_ =	shalt  }
0x83: {  	_ =	shalt  }
0x84: {  	_ =	shalt  }
0x85: {  	_ =	shalt  }
0x86: {  	_ =	shalt  }
0x87: {  	_ =	shalt  }
.Lfunc_end0:
.L_simem_size_0:
called_computation.1_lowered:
.L_overlay_start_0:
0x88: {  	s2 =	sld [smem:$0x3FD9]  }
0x89: {  	s3 =	sld [smem:$0x3FFE];
	_ =	sdelay $0x1  }
0x8a: {  	s1 =	srdreg.scid  }
0x8b: {  	s0 =	sand.u32 $0x1, s1  }
0x8c: {  	s16 =	sshll.u32 s0, $0xA;
	s2 =	sadd.s32 s3, s2  }
0x8d: {  	s2 =	sadd.s32 s2, s16  }
0x8e: {  	[smem:$0x3FB8] =	sst s2  }
0x8f: {  	_ = 	snop  }
0x90: {  	(tm) =	ssettm $0x1  }
0x91: {  	s17 =	sld [smem:$0x3FFB];
	_ =	sdelay $0x3  }
0x92: {  	_ =	strace s17  }
0x93: {  	s2 =	sld [smem:$0x3FFC];
	_ =	sdelay $0x3  }
0x94: {  	_ =	strace s2  }
0x95: {  	s2 =	sld [smem:$0x3FFD];
	_ =	sdelay $0x3  }
0x96: {  	_ =	strace s2  }
0x97: {  	_ =	strace $0x8FFFFFFF  }
0x98: {  	s18 =	sld [smem:$0x3FDB];
	_ =	sdelay $0x1  }
0x99: {  	s19 =	simm.s32 $_scs_section_size  }
0x9a: {  	s4 =	simm.s32 $_size__tile_overlayer_lowered;
	s5 =	simm.s32 $_tile_overlayer_lowered  }
0x9b: {  	s22 =	simm.s32 $0x1BFF;
	s21 =	sshll.u32 s5, $0x1;
	s2 =	sadd.s32 s19, s18  }
0x9c: {  	s6 =	simm.s32 $0x0;
	s20 =	sshll.u32 s4, $0x1;
	s4 =	sadd.s32 s21, s2  }
0x9d: {  	[timem:s6], [sflag:s22] =	dma.local [hbm:s4], s20  }
0x9e: {  	_ =	swait.ge [sflag:s22], s20  }
0x9f: {  	s3 =	ssub.s32 $0x0, s20;
	[sflag:s22] =	ssyncset.done $0x0  }
0xa0: {  	[sflag:s22] =	ssyncadd.s32 s3;
	_ =	sdelay $0x1  }
0xa1: {  	s23 =	simm.s32 $0x1B8B  }
0xa2: {  	_ =	swait.ge [sflag:s23], $0x1  }
0xa3: {  	[sflag:s23] =	ssyncset.done $0x0  }
0xa4: {  	s25 =	simm.s32 $0x1B8E;
	s24 =	sld [smem:$0x3FFE];
	[sflag:s23] =	ssyncadd.s32 $0xFFFFFFFF  }
0xa5: {  	s26 =	simm.s32 $execute0_lowered;
	[smem:$0x3FD2] =	sst s25  }
0xa6: {  	s4 =	sshll.u32 s26, $0x1;
	_ =	strace $0x80000049;
	[dreg:$0x1] =	wrdreg $0xFFFFFFFF  }
0xa7: {  	s28 =	simm.s32 $_size_execute0_lowered;
	s2 =	sadd.s32 s2, s4;
	[dreg:$0x0] =	wrdreg $0x0  }
0xa8: {  	s4 =	sshll.u32 s28, $0x1;
	[dreg:$0x2] =	wrdreg s2  }
0xa9: {  	[dreg:$0x3] =	wrdreg s4  }
0xaa: {  	[dreg:$0x4] =	wrdreg $0xC0  }
0xab: {  	_ =	task [dreg:s6], $0x5FFFF  }
0xac: {  	[dreg:$0x1] =	wrdreg $0xFFFFFFFF  }
0xad: {  	[dreg:$0x0] =	wrdreg $0x60  }
0xae: {  	[dreg:$0x2] =	wrdreg s24  }
0xaf: {  	[dreg:$0x3] =	wrdreg $0x0  }
0xb0: {  	[dreg:$0x4] =	wrdreg $0x9  }
0xb1: {  	_ =	task.clear_ibuf [dreg:s6], $0x5FFFF;
	_ =	strace $0x90000049  }
0xb2: {  	s29 =	simm.s32 $0x9;
	_ =	strace $0x8000004B  }
0xb3: {  	_ =	swait.ge [sflag:s29], $0x1  }
0xb4: {  	[sflag:s29] =	ssyncadd.s32 $0xFFFFFFFF  }
0xb5: {  	_ =	strace $0x9000004B  }
0xb6: {  	_ =	sfence  }
0xb7: {  	s30 =	sld [smem:$0x0];
	_ =	sdelay $0x2  }
0xb8: {  	s31 =	sshll.u32 s1, $0xD;
	s1 =	sshrl.u32 s1, $0x2  }
0xb9: {  	s3 =	sand.u32 $0x4000, s31;
	s1 =	sadd.s32 s1, s30  }
0xba: {  	s0 =	sor.u32 s3, s0;
	s1 =	sshll.u32 s1, $0x11  }
0xbb: {  	s0 =	sor.u32 s1, s0  }
0xbc: {  	s0 =	sadd.s32 $0x8F2B, s0  }
0xbd: {  	[sflag:s0] =	ssyncadd.remote.s32 $0x1  }
0xbe: {  	_ =	sfence.sel $0xFFFF  }
0xbf: {  	[dreg:$0x0] =	wrdreg $0xFFFFFFFF;
	(pc) =	sbr.abs _section_cstart, $3  }
0xc0: {  	[dreg:$0x1] =	wrdreg $0xFFFFFFFF  }
0xc1: {  	_ =	task.clear_ibuf [dreg:s6], $0x2FFFF;
	_ =	strace $0x9FFFFFFF  }
0xc2: {  	(tm) =	ssettm $0x7FFFFFFF  }
0xc3: {  	_ =	shalt  }
tec
execute0_lowered:
.L_overlay_start_1:
0x0: {  	(tag) =	ssettag $0x1  }
0x1: {  	s0 =	srdreg.scid;
	s1 =	rddreg [dreg:$0x0]  }
0x2: {  	s2 =	rddreg [dreg:$0x1];
	s12 =	stileid.u32;
	s3 =	simm.s32 $0x0  }
0x3: {  	s28 =	simm.s32 $0x40;
	s31 =	simm.s32 $0x1E800;
	s0 =	sand.u32 $0x1, s0  }
0x4: {  	s29 =	simm.s32 $0x1E880;
	s30 =	simm.s32 $0x2;
	s4 =	sshll.u32 s0, $0x4  }
0x5: {  	[smem:$0x7FF] =	sst s3;
	s9 =	smul.u32 $0x50000, s12;
	s8 =	sor.u32 s12, s4  }
0x6: {  	s5 =	sshll.u32 s12, $0x7;
	s26 =	smul.u32 $0x2800, s12;
	s4 =	sshrl.u32 s8, $0x3  }
0x7: {  	_ =	strace $0x8000004A;
	s7 =	sand.u32 $0x380, s5;
	s6 =	smul.u32 $0x13C00, s4  }
0x8: {  	s5 =	sadd.s32 $0xA2E00, s1;
	s17 =	ssub.s32 $0x2, s0;
	p0 =	seq.s32 s0, $0x1  }
0x9: {  	s0 =	simm.s32 $0x5BAE00;
	s10 =	sshrl.u32 s17, $0x1;
	s6 =	sor.u32 s7, s6  }
0xa: {  	s9 =	sshrl.u32 s9, $0x2;
	s0 =	simm.s32 @!p0 $0x592E00;
	s6 =	sshrl.u32 s6, $0x3  }
0xb: {  	s10 =	ssub.s32 s17, s10;
	s0 =	sadd.s32 s0, s1;
	s11 =	sadd.s32 s6, s1  }
0xc: {  	s4 =	sadd.s32 $0x54A00, s1;
	s6 =	sadd.s32 s9, s2;
	s18 =	sadd.s32 $0x5000, s11  }
0xd: {  	s7 =	smul.u32 $0x2780, s8;
	s19 =	sadd.s32 $0x2000, s6;
	[dreg:$0x3] =	wrdreg s18  }
0xe: {  	s8 =	smul.u32 $0x27800, s8;
	s20 =	sadd.s32 $0x4000, s6;
	[dreg:$0x4] =	wrdreg s19  }
0xf: {  	s1 =	simm.s32 $0x4;
	s21 =	sadd.s32 $0x6000, s6;
	[dreg:$0x5] =	wrdreg s20  }
0x10: {  	s9 =	simm.s32 $0x0;
	s22 =	sadd.s32 $0x8000, s6;
	[dreg:$0x6] =	wrdreg s21  }
0x11: {  	s23 =	sadd.s32 $0xA000, s6;
	s24 =	sadd.s32 $0xC000, s6;
	[dreg:$0x7] =	wrdreg s22  }
0x12: {  	s25 =	sadd.s32 $0xE000, s6;
	s16 =	sadd.s32 $0x10000, s6;
	[dreg:$0x8] =	wrdreg s23  }
.Ltmp0:
0x13: {  	s17 =	sadd.s32 $0x12000, s6;
	[dreg:$0x9] =	wrdreg s24;
	(pc) =	sbr.rel .LBB2_1-.Ltmp0, $4  }
0x14: {  	[dreg:$0xa] =	wrdreg s25;
	s18 =	sadd.s32 s5, s8;
	s20 =	smax.u32 s10, $0x1  }
0x15: {  	s21 =	sadd.s32 s0, s26;
	s25 =	simm.s32 $0x5;
	s26 =	simm.s32 $0x14000  }
0x16: {  	s0 =	simm.s32 $0x16000;
	s22 =	simm.s32 $0x1A000;
	s23 =	simm.s32 $0x1  }
0x17: {  	v0 =	vimm.f32 $0.0e+00;
	s24 =	simm.s32 $0x3;
	s8 =	simm.s32 $0x1E900;
	s19 =	sadd.s32 $0x400, s18  }
.LBB2_10:
0x18: {  	s10 =	stileid.u32;
	s9 =	sadd.s32 $0x1, s9  }
0x19: {  	[bflag:$0x0] =	sbarrier.arrive $0xFFFF;
	s10 =	sshll.u32 s10, $0x6;
	p0 =	sne.s32 s9, s20  }
.Ltmp1:
0x1a: {  	s11 =	sshrl.u32 s6, $0x3;
	s10 =	sor.u32 $0x1C05, s10;
	(pc) =	sbr.rel @!p0 .LBB2_11-.Ltmp1, $4  }
0x1b: {  	[hbm:s21], [sflag:s10] =	dma.local [spmem:s11], $0x2800  }
0x1c: {  	_ =	swait.ge [sflag:s25], $0x2800  }
0x1d: {  	[sflag:s25] =	ssyncset.done $0x0  }
0x1e: {  	[sflag:s25] =	ssyncadd.s32 $0xFFFFD800  }
.LBB2_1:
0x1f: {  	s10 =	rddreg [dreg:$0x3]  }
0x20: {  	s11 =	simm.s32 $0x80;
	s12 =	simm.s32 $0x400;
	s13 =	simm.s32 $0x1C000  }
0x21: {  	[tilespmem:s13], [sflag:$0x5] =	stream.strided.gather [hbm4b:s10+s11], $0x2780, s12, s11, $0x38;
	[tilespmem:$0x1E980] =	vst v63  }
0x22: {  	_ =	swait.ge [sflag:s25], $0x2780  }
0x23: {  	[sflag:s25] =	ssyncset.done $0x0  }
0x24: {  	s10 =	simm.s32 $0x0;
	s11 =	simm.s32 $0x200;
	[sflag:s25] =	ssyncadd.s32 $0xFFFFD880  }
.LBB2_2:
0x25: {  	p0 =	sne.s32 s11, $0x7E00;
	[tilespmem:s10+$0x14070] =	vst v0  }
0x26: {  	[tilespmem:s10+$0x14000] =	vst v0  }
0x27: {  	[tilespmem:s10+$0x14010] =	vst v0  }
.Ltmp2:
0x28: {  	[tilespmem:s10+$0x14020] =	vst v0;
	(pc) =	sbr.rel @p0 .LBB2_2-.Ltmp2, $4  }
0x29: {  	[tilespmem:s10+$0x14030] =	vst v0  }
0x2a: {  	[tilespmem:s10+$0x14040] =	vst v0  }
0x2b: {  	[tilespmem:s10+$0x14050] =	vst v0  }
0x2c: {  	[tilespmem:s10+$0x14060] =	vst v0;
	s10 =	sshra.s32 s11, $0x2;
	s11 =	sadd.s32 $0x200, s11  }
0x2d: {  	[tilespmem:s10+$0x14070] =	vst v0  }
0x2e: {  	[tilespmem:s10+$0x14000] =	vst v0  }
0x2f: {  	[tilespmem:s10+$0x14010] =	vst v0  }
0x30: {  	[tilespmem:s10+$0x14020] =	vst v0  }
0x31: {  	[tilespmem:s10+$0x14030] =	vst v0  }
0x32: {  	[tilespmem:s10+$0x14040] =	vst v0  }
0x33: {  	[tilespmem:s10+$0x14050] =	vst v0  }
0x34: {  	[tilespmem:s10+$0x14060] =	vst v0  }
0x35: {  	[spmem:s6] =	stream.linear.scatter [tilespmem:s26], [sflag:$0x5], $0x2000, $0x38;
	[tilespmem:$0x1E980] =	vst v63  }
0x36: {  	_ =	swait.ge [sflag:s25], $0x2000  }
0x37: {  	[sflag:s25] =	ssyncset.done $0x0  }
0x38: {  	s13 =	rddreg [dreg:$0x4];
	[sflag:s25] =	ssyncadd.s32 $0xFFFFE000  }
0x39: {  	[spmem:s13] =	stream.linear.scatter [tilespmem:s26], [sflag:$0x5], $0x2000, $0x38;
	[tilespmem:$0x1E980] =	vst v63  }
0x3a: {  	_ =	swait.ge [sflag:s25], $0x2000  }
0x3b: {  	[sflag:s25] =	ssyncset.done $0x0  }
0x3c: {  	s14 =	rddreg [dreg:$0x5];
	[sflag:s25] =	ssyncadd.s32 $0xFFFFE000  }
0x3d: {  	[spmem:s14] =	stream.linear.scatter [tilespmem:s26], [sflag:$0x5], $0x2000, $0x38;
	[tilespmem:$0x1E980] =	vst v63  }
0x3e: {  	_ =	swait.ge [sflag:s25], $0x2000  }
0x3f: {  	[sflag:s25] =	ssyncset.done $0x0  }
0x40: {  	s15 =	rddreg [dreg:$0x6];
	[sflag:s25] =	ssyncadd.s32 $0xFFFFE000  }
0x41: {  	[spmem:s15] =	stream.linear.scatter [tilespmem:s26], [sflag:$0x5], $0x2000, $0x38;
	[tilespmem:$0x1E980] =	vst v63  }
0x42: {  	_ =	swait.ge [sflag:s25], $0x2000  }
0x43: {  	[sflag:s25] =	ssyncset.done $0x0  }
0x44: {  	s11 =	rddreg [dreg:$0x7];
	[sflag:s25] =	ssyncadd.s32 $0xFFFFE000  }
0x45: {  	[spmem:s11] =	stream.linear.scatter [tilespmem:s26], [sflag:$0x5], $0x2000, $0x38;
	[tilespmem:$0x1E980] =	vst v63  }
0x46: {  	_ =	swait.ge [sflag:s25], $0x2000  }
0x47: {  	[sflag:s25] =	ssyncset.done $0x0  }
0x48: {  	s12 =	rddreg [dreg:$0x8];
	[sflag:s25] =	ssyncadd.s32 $0xFFFFE000  }
0x49: {  	[spmem:s12] =	stream.linear.scatter [tilespmem:s26], [sflag:$0x5], $0x2000, $0x38;
	[tilespmem:$0x1E980] =	vst v63  }
0x4a: {  	_ =	swait.ge [sflag:s25], $0x2000  }
0x4b: {  	[sflag:s25] =	ssyncset.done $0x0  }
0x4c: {  	s13 =	rddreg [dreg:$0x9];
	[sflag:s25] =	ssyncadd.s32 $0xFFFFE000  }
0x4d: {  	[spmem:s13] =	stream.linear.scatter [tilespmem:s26], [sflag:$0x5], $0x2000, $0x38;
	[tilespmem:$0x1E980] =	vst v63  }
0x4e: {  	_ =	swait.ge [sflag:s25], $0x2000  }
0x4f: {  	[sflag:s25] =	ssyncset.done $0x0  }
0x50: {  	s14 =	rddreg [dreg:$0xa];
	[sflag:s25] =	ssyncadd.s32 $0xFFFFE000  }
0x51: {  	[spmem:s14] =	stream.linear.scatter [tilespmem:s26], [sflag:$0x5], $0x2000, $0x38;
	[tilespmem:$0x1E980] =	vst v63  }
0x52: {  	_ =	swait.ge [sflag:s25], $0x2000  }
0x53: {  	[sflag:s25] =	ssyncset.done $0x0  }
0x54: {  	[sflag:s25] =	ssyncadd.s32 $0xFFFFE000  }
0x55: {  	[spmem:s16] =	stream.linear.scatter [tilespmem:s26], [sflag:$0x5], $0x2000, $0x38;
	[tilespmem:$0x1E980] =	vst v63  }
0x56: {  	_ =	swait.ge [sflag:s25], $0x2000  }
0x57: {  	[sflag:s25] =	ssyncset.done $0x0  }
0x58: {  	[sflag:s25] =	ssyncadd.s32 $0xFFFFE000  }
0x59: {  	[spmem:s17] =	stream.linear.scatter [tilespmem:s26], [sflag:$0x5], $0x2000, $0x38;
	[tilespmem:$0x1E980] =	vst v63  }
0x5a: {  	_ =	swait.ge [sflag:s25], $0x2000  }
0x5b: {  	[sflag:s25] =	ssyncset.done $0x0  }
0x5c: {  	[sflag:s25] =	ssyncadd.s32 $0xFFFFE000  }
0x5d: {  	[bflag:$0x0] =	sbarrier.arrive $0xFFFF  }
0x5e: {  	v1 =	vld [tilespmem:$0x1C000];
	_ =	sdelay $0x1  }
0x5f: {  	v2 =	vld [tilespmem:$0x1C010];
	_ =	sdelay $0x1  }
0x60: {  	v3 =	vld [tilespmem:$0x1C020]  }
0x61: {  	v4 =	vand.u32 $0x7FFF, v1  }
0x62: {  	v61 =	vld [tilespmem:$0x1C030];
	v1 =	vshrl.u32 v1, $0xF;
	[tilespmem:$0x1E780] =	vst v4  }
0x63: {  	[tilespmem:$0x1E880] =	vst v1;
	v1 =	vand.u32 $0x7FFF, v2  }
0x64: {  	[tilespmem:$0x1E790] =	vst v1;
	v1 =	vshrl.u32 v2, $0xF  }
0x65: {  	[tilespmem:$0x1E890] =	vst v1;
	v1 =	vand.u32 $0x7FFF, v3  }
0x66: {  	[tilespmem:$0x1E7A0] =	vst v1;
	v1 =	vshrl.u32 v3, $0xF  }
0x67: {  	[tilespmem:$0x1E8A0] =	vst v1;
	v1 =	vand.u32 $0x7FFF, v61  }
0x68: {  	[tilespmem:$0x1E7B0] =	vst v1;
	v1 =	vshrl.u32 v61, $0xF  }
0x69: {  	s15 =	simm.s32 $0x1E780;
	[tilespmem:$0x1E8B0] =	vst v1  }
0x6a: {  	[tilespmem:s26], [sflag:$0x1] =	stream.indirect.gather [hbm4b:s4+s28], $0x80, s15, s28, $0xb8;
	[tilespmem:$0x1E980] =	vst v63  }
0x6b: {  	s10 =	simm.s32 $0x0;
	s11 =	simm.s32 $0x18000  }
0x6c: {  	[tilespmem:s11], [sflag:$0x3] =	stream.linear.gather [hbm4b:s18+s10], $0x2000, $0x38;
	[tilespmem:$0x1E980] =	vst v63  }
0x6d: {  	v1 =	vld [tilespmem:$0x1C040];
	_ =	sdelay $0x1  }
0x6e: {  	v2 =	vld [tilespmem:$0x1C050];
	_ =	sdelay $0x1  }
0x6f: {  	v3 =	vld [tilespmem:$0x1C060]  }
0x70: {  	v62 =	vand.u32 $0x7FFF, v1  }
0x71: {  	v63 =	vld [tilespmem:$0x1C070];
	v1 =	vshrl.u32 v1, $0xF;
	[tilespmem:$0x1E800] =	vst v62  }
0x72: {  	[tilespmem:$0x1E900] =	vst v1;
	v1 =	vand.u32 $0x7FFF, v2  }
0x73: {  	[tilespmem:$0x1E810] =	vst v1;
	v1 =	vshrl.u32 v2, $0xF  }
0x74: {  	[tilespmem:$0x1E910] =	vst v1;
	v1 =	vand.u32 $0x7FFF, v3  }
0x75: {  	[tilespmem:$0x1E820] =	vst v1;
	v1 =	vshrl.u32 v3, $0xF  }
0x76: {  	[tilespmem:$0x1E920] =	vst v1;
	v1 =	vand.u32 $0x7FFF, v63  }
0x77: {  	[tilespmem:$0x1E830] =	vst v1;
	v1 =	vshrl.u32 v63, $0xF  }
0x78: {  	[tilespmem:$0x1E930] =	vst v1  }
0x79: {  	[tilespmem:s0], [sflag:$0x2] =	stream.indirect.gather [hbm4b:s4+s28], $0x80, s31, s28, $0xb8;
	[tilespmem:$0x1E980] =	vst v63  }
0x7a: {  	_ = 	snop  }
0x7b: {  	[tilespmem:s22], [sflag:$0x4] =	stream.linear.gather [hbm4b:s19+s10], $0x2000, $0x38;
	[tilespmem:$0x1E980] =	vst v63  }
.LBB2_4:
0x7c: {  	_ =	swait.ge [sflag:s23], $0x2000  }
0x7d: {  	[sflag:s23] =	ssyncset.done $0x0  }
0x7e: {  	[sflag:s23] =	ssyncadd.s32 $0xFFFFE000  }
0x7f: {  	_ =	swait.ge [sflag:s24], $0x2000  }
0x80: {  	[sflag:s24] =	ssyncset.done $0x0  }
0x81: {  	s11 =	simm.s32 $0x0;
	[sflag:s24] =	ssyncadd.s32 $0xFFFFE000  }
0x82: {  	v8 =	vld [tilespmem:s11+$0x18000]  }
0x83: {  	v12 =	vld [tilespmem:s11+$0x18010]  }
0x84: {  	v6 =	vld [tilespmem:s11+$0x18020]  }
0x85: {  	v5 =	vld [tilespmem:s11+$0x18030]  }
0x86: {  	v4 =	vld [tilespmem:s11+$0x18040]  }
0x87: {  	v3 =	vld [tilespmem:s11+$0x18050]  }
0x88: {  	v2 =	vld [tilespmem:s11+$0x18060]  }
0x89: {  	v1 =	vld [tilespmem:s11+$0x18070]  }
0x8a: {  	v13 =	vld [tilespmem:s11+$0x14000]  }
0x8b: {  	v14 =	vld [tilespmem:s11+$0x14010]  }
0x8c: {  	v11 =	vld [tilespmem:s11+$0x14020]  }
0x8d: {  	v10 =	vld [tilespmem:s11+$0x14030]  }
0x8e: {  	v9 =	vld [tilespmem:s11+$0x14040]  }
0x8f: {  	v7 =	vld [tilespmem:s11+$0x14050];
	v13 =	vmul.f32 v8, v13  }
0x90: {  	s12 =	simm.s32 $0x200;
	v12 =	vmul.f32 v12, v14;
	v8 =	vld [tilespmem:s11+$0x14060]  }
.LBB2_5:
0x91: {  	s13 =	sshra.s32 s12, $0x2;
	p0 =	sne.s32 s12, $0x7E00;
	[tilespmem:s11+$0x14000] =	vst v13;
	v6 =	vmul.f32 v6, v11;
	v11 =	vld [tilespmem:s11+$0x14070]  }
0x92: {  	v13 =	vld [tilespmem:s13+$0x18000];
	[tilespmem:s11+$0x14010] =	vst v12;
	v5 =	vmul.f32 v5, v10  }
0x93: {  	v12 =	vld [tilespmem:s13+$0x18010];
	[tilespmem:s11+$0x14020] =	vst v6;
	v4 =	vmul.f32 v4, v9  }
0x94: {  	v6 =	vld [tilespmem:s13+$0x18020];
	[tilespmem:s11+$0x14030] =	vst v5;
	v3 =	vmul.f32 v3, v7  }
0x95: {  	v5 =	vld [tilespmem:s13+$0x18030];
	[tilespmem:s11+$0x14040] =	vst v4;
	v2 =	vmul.f32 v2, v8  }
0x96: {  	v4 =	vld [tilespmem:s13+$0x18040];
	[tilespmem:s11+$0x14050] =	vst v3;
	v1 =	vmul.f32 v1, v11  }
0x97: {  	v3 =	vld [tilespmem:s13+$0x18050];
	[tilespmem:s11+$0x14060] =	vst v2  }
0x98: {  	v2 =	vld [tilespmem:s13+$0x18060];
	[tilespmem:s11+$0x14070] =	vst v1;
	s11 =	smov.u32 s13  }
0x99: {  	v1 =	vld [tilespmem:s11+$0x18070]  }
0x9a: {  	v7 =	vld [tilespmem:s11+$0x14000]  }
0x9b: {  	v8 =	vld [tilespmem:s11+$0x14010]  }
.Ltmp3:
0x9c: {  	v11 =	vld [tilespmem:s11+$0x14020];
	(pc) =	sbr.rel @p0 .LBB2_5-.Ltmp3, $4  }
0x9d: {  	v10 =	vld [tilespmem:s11+$0x14030]  }
0x9e: {  	v9 =	vld [tilespmem:s11+$0x14040]  }
0x9f: {  	v13 =	vmul.f32 v13, v7;
	v7 =	vld [tilespmem:s11+$0x14050]  }
0xa0: {  	s12 =	sadd.s32 $0x200, s12;
	v12 =	vmul.f32 v12, v8;
	v8 =	vld [tilespmem:s11+$0x14060]  }
0xa1: {  	[tilespmem:s11+$0x14000] =	vst v13;
	v6 =	vmul.f32 v6, v11;
	v11 =	vld [tilespmem:s11+$0x14070]  }
0xa2: {  	[tilespmem:s11+$0x14010] =	vst v12;
	v5 =	vmul.f32 v5, v10  }
0xa3: {  	[tilespmem:s11+$0x14020] =	vst v6;
	v4 =	vmul.f32 v4, v9  }
0xa4: {  	[tilespmem:s11+$0x14030] =	vst v5;
	v3 =	vmul.f32 v3, v7  }
0xa5: {  	[tilespmem:s11+$0x14040] =	vst v4;
	v2 =	vmul.f32 v2, v8  }
0xa6: {  	[tilespmem:s11+$0x14050] =	vst v3;
	v1 =	vmul.f32 v1, v11  }
0xa7: {  	[tilespmem:s11+$0x14060] =	vst v2  }
0xa8: {  	[tilespmem:s11+$0x14070] =	vst v1  }
0xa9: {  	[spmem:s2] =	stream.indirect.scatter.add.f32 [tilespmem:s26], [sflag:$0x5], $0x80, s29, s28, $0xb8;
	[tilespmem:$0x1E980] =	vst v63  }
0xaa: {  	_ =	swait.ge [sflag:s25], $0x2000  }
0xab: {  	[sflag:s25] =	ssyncset.done $0x0  }
0xac: {  	p0 =	seq.s32 s10, $0x4E;
	s11 =	sshll.u32 s10, $0x7;
	[sflag:s25] =	ssyncadd.s32 $0xFFFFE000  }
0xad: {  	v1 =	vld @!p0 [tilespmem:s11+$0x1C080];
	_ =	sdelay $0x4  }
0xae: {  	v2 =	vand.u32 @!p0 $0x7FFF, v1  }
0xaf: {  	v1 =	vshrl.u32 @!p0 v1, $0xF;
	[tilespmem:$0x1E780] =	vst @!p0 v2  }
0xb0: {  	[tilespmem:$0x1E880] =	vst @!p0 v1  }
0xb1: {  	v1 =	vld @!p0 [tilespmem:s11+$0x1C090];
	_ =	sdelay $0x4  }
0xb2: {  	v2 =	vand.u32 @!p0 $0x7FFF, v1  }
0xb3: {  	v1 =	vshrl.u32 @!p0 v1, $0xF;
	[tilespmem:$0x1E790] =	vst @!p0 v2  }
0xb4: {  	[tilespmem:$0x1E890] =	vst @!p0 v1  }
0xb5: {  	v1 =	vld @!p0 [tilespmem:s11+$0x1C0A0];
	_ =	sdelay $0x4  }
0xb6: {  	v2 =	vand.u32 @!p0 $0x7FFF, v1  }
0xb7: {  	v1 =	vshrl.u32 @!p0 v1, $0xF;
	[tilespmem:$0x1E7A0] =	vst @!p0 v2  }
0xb8: {  	[tilespmem:$0x1E8A0] =	vst @!p0 v1  }
0xb9: {  	v1 =	vld @!p0 [tilespmem:s11+$0x1C0B0];
	_ =	sdelay $0x4  }
0xba: {  	s12 =	sadd.s32 @!p0 s7, s11;
	v2 =	vand.u32 @!p0 $0x7FFF, v1  }
0xbb: {  	s13 =	simm.s32 @!p0 $0x40;
	s12 =	sshll.u32 @!p0 s12, $0x4;
	v1 =	vshrl.u32 @!p0 v1, $0xF;
	[tilespmem:$0x1E7B0] =	vst @!p0 v2  }
0xbc: {  	s14 =	simm.s32 @!p0 $0x1E780;
	s15 =	simm.s32 @!p0 $0x14000;
	s12 =	sadd.s32 @!p0 s5, s12;
	[tilespmem:$0x1E8B0] =	vst @!p0 v1  }
0xbd: {  	[tilespmem:s15], [sflag:$0x1] =	stream.indirect.gather @!p0 [hbm4b:s4+s13], $0x80, s14, s13, $0xb8;
	[tilespmem:$0x1E980] =	vst v63  }
0xbe: {  	s12 =	sadd.s32 @!p0 $0x800, s12;
	s13 =	simm.s32 @!p0 $0x0;
	s14 =	simm.s32 @!p0 $0x18000  }
0xbf: {  	[tilespmem:s14], [sflag:$0x3] =	stream.linear.gather @!p0 [hbm4b:s12+s13], $0x2000, $0x38;
	[tilespmem:$0x1E980] =	vst v63  }
0xc0: {  	_ =	swait.ge [sflag:s30], $0x2000  }
0xc1: {  	[sflag:s30] =	ssyncset.done $0x0  }
0xc2: {  	[sflag:s30] =	ssyncadd.s32 $0xFFFFE000  }
0xc3: {  	_ =	swait.ge [sflag:s1], $0x2000  }
0xc4: {  	[sflag:s1] =	ssyncset.done $0x0  }
0xc5: {  	s12 =	simm.s32 $0x0;
	[sflag:s1] =	ssyncadd.s32 $0xFFFFE000  }
0xc6: {  	v8 =	vld [tilespmem:s12+$0x1A000]  }
0xc7: {  	v12 =	vld [tilespmem:s12+$0x1A010]  }
0xc8: {  	v6 =	vld [tilespmem:s12+$0x1A020]  }
0xc9: {  	v5 =	vld [tilespmem:s12+$0x1A030]  }
0xca: {  	v4 =	vld [tilespmem:s12+$0x1A040]  }
0xcb: {  	v3 =	vld [tilespmem:s12+$0x1A050]  }
0xcc: {  	v2 =	vld [tilespmem:s12+$0x1A060]  }
0xcd: {  	v1 =	vld [tilespmem:s12+$0x1A070]  }
0xce: {  	v13 =	vld [tilespmem:s12+$0x16000]  }
0xcf: {  	v14 =	vld [tilespmem:s12+$0x16010]  }
0xd0: {  	v11 =	vld [tilespmem:s12+$0x16020]  }
0xd1: {  	v10 =	vld [tilespmem:s12+$0x16030]  }
0xd2: {  	v9 =	vld [tilespmem:s12+$0x16040]  }
0xd3: {  	v7 =	vld [tilespmem:s12+$0x16050];
	v13 =	vmul.f32 v8, v13  }
0xd4: {  	s13 =	simm.s32 $0x200;
	v12 =	vmul.f32 v12, v14;
	v8 =	vld [tilespmem:s12+$0x16060]  }
.LBB2_7:
0xd5: {  	s14 =	sshra.s32 s13, $0x2;
	p1 =	sne.s32 s13, $0x7E00;
	[tilespmem:s12+$0x16000] =	vst v13;
	v6 =	vmul.f32 v6, v11;
	v11 =	vld [tilespmem:s12+$0x16070]  }
0xd6: {  	v13 =	vld [tilespmem:s14+$0x1A000];
	[tilespmem:s12+$0x16010] =	vst v12;
	v5 =	vmul.f32 v5, v10  }
0xd7: {  	v12 =	vld [tilespmem:s14+$0x1A010];
	[tilespmem:s12+$0x16020] =	vst v6;
	v4 =	vmul.f32 v4, v9  }
0xd8: {  	v6 =	vld [tilespmem:s14+$0x1A020];
	[tilespmem:s12+$0x16030] =	vst v5;
	v3 =	vmul.f32 v3, v7  }
0xd9: {  	v5 =	vld [tilespmem:s14+$0x1A030];
	[tilespmem:s12+$0x16040] =	vst v4;
	v2 =	vmul.f32 v2, v8  }
0xda: {  	v4 =	vld [tilespmem:s14+$0x1A040];
	[tilespmem:s12+$0x16050] =	vst v3;
	v1 =	vmul.f32 v1, v11  }
0xdb: {  	v3 =	vld [tilespmem:s14+$0x1A050];
	[tilespmem:s12+$0x16060] =	vst v2  }
0xdc: {  	v2 =	vld [tilespmem:s14+$0x1A060];
	[tilespmem:s12+$0x16070] =	vst v1;
	s12 =	smov.u32 s14  }
0xdd: {  	v1 =	vld [tilespmem:s12+$0x1A070]  }
0xde: {  	v7 =	vld [tilespmem:s12+$0x16000]  }
0xdf: {  	v8 =	vld [tilespmem:s12+$0x16010]  }
.Ltmp4:
0xe0: {  	v11 =	vld [tilespmem:s12+$0x16020];
	(pc) =	sbr.rel @p1 .LBB2_7-.Ltmp4, $4  }
0xe1: {  	v10 =	vld [tilespmem:s12+$0x16030]  }
0xe2: {  	v9 =	vld [tilespmem:s12+$0x16040]  }
0xe3: {  	v13 =	vmul.f32 v13, v7;
	v7 =	vld [tilespmem:s12+$0x16050]  }
0xe4: {  	s13 =	sadd.s32 $0x200, s13;
	v12 =	vmul.f32 v12, v8;
	v8 =	vld [tilespmem:s12+$0x16060]  }
0xe5: {  	[tilespmem:s12+$0x16000] =	vst v13;
	v6 =	vmul.f32 v6, v11;
	v63 =	vld [tilespmem:s12+$0x16070]  }
0xe6: {  	[tilespmem:s12+$0x16010] =	vst v12;
	v5 =	vmul.f32 v5, v10  }
0xe7: {  	[tilespmem:s12+$0x16020] =	vst v6;
	v4 =	vmul.f32 v4, v9  }
0xe8: {  	[tilespmem:s12+$0x16030] =	vst v5;
	v3 =	vmul.f32 v3, v7  }
0xe9: {  	[tilespmem:s12+$0x16040] =	vst v4;
	v2 =	vmul.f32 v2, v8  }
0xea: {  	[tilespmem:s12+$0x16050] =	vst v3;
	v1 =	vmul.f32 v1, v63  }
0xeb: {  	[tilespmem:s12+$0x16060] =	vst v2  }
.Ltmp5:
0xec: {  	[tilespmem:s12+$0x16070] =	vst v1;
	(pc) =	sbr.rel @p0 .LBB2_10-.Ltmp5, $4  }
0xed: {  	[spmem:s2] =	stream.indirect.scatter.add.f32 [tilespmem:s0], [sflag:$0x5], $0x80, s8, s28, $0xb8;
	[tilespmem:$0x1E980] =	vst v63  }
0xee: {  	_ =	swait.ge [sflag:s25], $0x2000  }
0xef: {  	[sflag:s25] =	ssyncset.done $0x0  }
0xf0: {  	[sflag:s25] =	ssyncadd.s32 $0xFFFFE000  }
0xf1: {  	v1 =	vld [tilespmem:s11+$0x1C0C0];
	_ =	sdelay $0x4  }
0xf2: {  	v2 =	vand.u32 $0x7FFF, v1  }
0xf3: {  	s13 =	sadd.s32 $0xC0, s11;
	v1 =	vshrl.u32 v1, $0xF;
	[tilespmem:$0x1E800] =	vst v2  }
0xf4: {  	s12 =	sor.u32 $0x50, s13;
	[tilespmem:$0x1E900] =	vst v1  }
0xf5: {  	v1 =	vld [tilespmem:s12+$0x1C000];
	_ =	sdelay $0x4  }
0xf6: {  	v2 =	vand.u32 $0x7FFF, v1  }
0xf7: {  	v1 =	vshrl.u32 v1, $0xF;
	[tilespmem:$0x1E810] =	vst v2  }
0xf8: {  	s14 =	sor.u32 $0x60, s13;
	[tilespmem:$0x1E910] =	vst v1  }
0xf9: {  	v1 =	vld [tilespmem:s14+$0x1C000];
	_ =	sdelay $0x4  }
0xfa: {  	v2 =	vand.u32 $0x7FFF, v1  }
0xfb: {  	v1 =	vshrl.u32 v1, $0xF;
	[tilespmem:$0x1E820] =	vst v2  }
0xfc: {  	s15 =	sor.u32 $0x70, s13;
	[tilespmem:$0x1E920] =	vst v1  }
0xfd: {  	v1 =	vld [tilespmem:s15+$0x1C000];
	_ =	sdelay $0x4  }
0xfe: {  	v2 =	vand.u32 $0x7FFF, v1  }
.Ltmp6:
0xff: {  	s11 =	sadd.s32 s7, s13;
	v1 =	vshrl.u32 v1, $0xF;
	[tilespmem:$0x1E830] =	vst v2;
	(pc) =	sbr.rel .LBB2_4-.Ltmp6, $4  }
0x100: {  	s11 =	sshll.u32 s11, $0x4;
	[tilespmem:$0x1E930] =	vst v1  }
0x101: {  	[tilespmem:s0], [sflag:$0x2] =	stream.indirect.gather [hbm4b:s4+s28], $0x80, s31, s28, $0xb8;
	[tilespmem:$0x1E980] =	vst v63  }
0x102: {  	s10 =	sadd.s32 $0x1, s10;
	s11 =	sadd.s32 s5, s11  }
0x103: {  	[tilespmem:s22], [sflag:$0x4] =	stream.linear.gather [hbm4b:s11+s3], $0x2000, $0x38;
	[tilespmem:$0x1E980] =	vst v63  }
.LBB2_11:
0x104: {  	_ =	sfence.sel $0x180000  }
0x105: {  	[bflag:$0x0] =	sbarrier.arrive $0xFFFF  }
0x106: {  	_ =	strace $0x9000004A  }
0x107: {  	s0 =	stileid.u32;
	[bflag:$0x2] =	sbarrier.arrive $0xFFFF  }
0x108: {  	p0 =	sne.s32 s0, $0x0;
	s0 =	rddreg [dreg:$0x2]  }
0x109: {  	s0 =	sadd.s32 @!p0 $0x100000, s0  }
0x10a: {  	[sflag:s0] =	ssyncadd.tile.s32 @!p0 $0x1;
	_ =	shalt  }
.Lfunc_end2:
_tile_overlayer_lowered:
.L_overlay_start_2:
0x10b: {  	(tag) =	ssettag $0x2  }
0x10c: {  	s0 =	rddreg [dreg:$0x0];
	s2 =	stileid.u32  }
0x10d: {  	s1 =	rddreg [dreg:$0x1];
	p0 =	sne.s32 s2, $0x0  }
0x10e: {  	s3 =	rddreg [dreg:$0x2];
	[bflag:$0x3] =	sbarrier.arrive $0xFFFF;
	s2 =	simm.s32 @!p0 $0x1C05  }
0x10f: {  	[timem:s3], [sflag:s2] =	dma.local @!p0 [hbm:s0], s1  }
0x110: {  	s0 =	simm.s32 @!p0 $0x5  }
0x111: {  	_ =	swait.ge @!p0 [sflag:s0], s1  }
0x112: {  	s1 =	ssub.s32 @!p0 $0x0, s1;
	[sflag:s0] =	ssyncset.done @!p0 $0x0  }
0x113: {  	[sflag:s0] =	ssyncadd.s32 @!p0 s1  }
0x114: {  	[bflag:$0x3] =	sbarrier.arrive $0xFFFF  }
0x115: {  	_ =	shalt  }

// kernel: kernel.15.cloned.1.call-start
scs
__scs_entry_jumppad:
0x0: {  	(pc) =	sbr.rel $0x88, $3  }
0x1: {  	(tag) =	ssettag $0x0;
	lr =	simm.s32 $0x1  }
0x2: {  	[smem:$0x3F91] =	sst lr;
	_ =	strace $0xD0000000  }
0x3: {  	_ = 	snop  }
0x4: {  	_ = 	snop  }
0x5: {  	_ = 	snop  }
0x6: {  	_ = 	snop  }
0x7: {  	_ = 	snop  }
__scs_overlays_trampoline_lowered:
0x8: {  	[smem:$0x3FA0] =	sst s0  }
0x9: {  	[smem:$0x3FA1] =	sst s1  }
0xa: {  	[smem:$0x3FA2] =	sst s2  }
0xb: {  	[smem:$0x3FA3] =	sst s3  }
0xc: {  	[smem:$0x3FA4] =	sst s4  }
0xd: {  	[smem:$0x3FA5] =	sst s5  }
0xe: {  	[smem:$0x3FA6] =	sst s6  }
0xf: {  	[smem:$0x3FA7] =	sst s7  }
0x10: {  	[smem:$0x3FA8] =	sst s8  }
0x11: {  	[smem:$0x3FA9] =	sst s9;
	s0 =	simm.s32 @!p0 $0x0  }
0x12: {  	s1 =	sld [smem:$0x3F8F];
	s0 =	simm.s32 @p0 $0x1  }
0x13: {  	[smem:$0x3FAA] =	sst s0;
	s0 =	simm.s32 @!p1 $0x0  }
0x14: {  	s2 =	sld [smem:$0x3F8E];
	s0 =	simm.s32 @p1 $0x1  }
0x15: {  	[smem:$0x3FAB] =	sst s0;
	s0 =	simm.s32 @!p2 $0x0  }
0x16: {  	s3 =	sld [smem:$0x3FDB];
	s0 =	simm.s32 @p2 $0x1  }
0x17: {  	s4 =	simm.s32 $0x1BF5;
	[smem:$0x3FAD] =	sst s0  }
0x18: {  	s0 =	sld [smem:$0x3F90];
	_ =	swait.ge [sflag:s4], $0x0  }
0x19: {  	s7 =	sld [smem:$0x3F91]  }
0x1a: {  	s8 =	sadd.s32 $0xFFFFE003, lr  }
0x1b: {  	s9 =	sadd.s32 $0xFFFFFEF7, lr;
	s5 =	simm.s32 $0xFFFFFFFF;
	p2 =	slt.u32 s8, $0xFFFFF086  }
0x1c: {  	p1 =	slt.u32 s9, $0xF7A;
	s5 =	simm.s32 @!p2 $0x0  }
0x1d: {  	s5 =	simm.s32 @p1 $0x1;
	p0 =	seq.s32 s7, s2  }
0x1e: {  	s7 =	smul.u32 @!p0 $0xF7A, s2;
	p2 =	seq.s32 @!p0 s5, $0x0  }
0x1f: {  	s9 =	smul.u32 $0xF7A, s1;
	s8 =	simm.s32 @!p0 $0x1BF5;
	p2 =	por !p2, p0  }
0x20: {  	[sflag:s8] =	ssyncset.s32 @!p0 $0xFFFFF086;
	s6 =	sadd.s32 @!p0 s3, s7;
	s7 =	simm.s32 @!p0 $0x108  }
0x21: {  	s3 =	sadd.s32 s3, s9;
	s6 =	sadd.s32 @!p0 $0x88, s6;
	s7 =	simm.s32 @p2 $0x1082  }
0x22: {  	[simem:s7], [sflag:s8] =	dma.local @!p0 [hbm:s6], $0xF7A  }
0x23: {  	s9 =	sor.u32 $0xD0000000, s2;
	s6 =	simm.s32 $0x108;
	_ =	swait.ge @!p0 [sflag:s8], $0x0  }
0x24: {  	s3 =	sadd.s32 $0x88, s3;
	s6 =	simm.s32 @!p1 $0x1082;
	[sflag:s4] =	ssyncset.s32 $0xFFFFF086  }
0x25: {  	[simem:s6], [sflag:s4] =	dma.local [hbm:s3], $0xF7A  }
0x26: {  	[smem:$0x3F91] =	sst s1;
	(tag) =	ssettag s2;
	_ =	strace s9  }
0x27: {  	s1 =	sld [smem:$0x3FA1]  }
0x28: {  	s2 =	sld [smem:$0x3FA2]  }
0x29: {  	s4 =	sld [smem:$0x3FA4]  }
0x2a: {  	p0 =	seq.s32 s5, $0x0;
	s5 =	sld [smem:$0x3FA5]  }
0x2b: {  	s6 =	sld [smem:$0x3FA6]  }
0x2c: {  	s7 =	sld [smem:$0x3FA7]  }
0x2d: {  	s3 =	simm.s32 $0x108;
	s8 =	sld [smem:$0x3FA8]  }
0x2e: {  	s3 =	simm.s32 @!p0 $0x1082;
	s9 =	sld [smem:$0x3FA9]  }
0x2f: {  	lr =	sadd.s32 s0, s3;
	s0 =	sld [smem:$0x3FA0]  }
0x30: {  	s3 =	sld [smem:$0x3FA3]  }
0x31: {  	[smem:$0x3FAC] =	sst s10  }
0x32: {  	s10 =	sld [smem:$0x3FAA];
	_ =	sdelay $0x3  }
0x33: {  	p0 =	seq.s32 s10, $0x1;
	s10 =	sld [smem:$0x3FAC];
	_ =	sdelay $0x3  }
0x34: {  	[smem:$0x3FAC] =	sst s10  }
0x35: {  	s10 =	sld [smem:$0x3FAB];
	_ =	sdelay $0x3  }
0x36: {  	p1 =	seq.s32 s10, $0x1;
	s10 =	sld [smem:$0x3FAC];
	_ =	sdelay $0x3  }
0x37: {  	[smem:$0x3FAC] =	sst s10  }
0x38: {  	s10 =	sld [smem:$0x3FAD]  }
0x39: {  	_ = 	snop;
	(pc) =	sbr.ind lr, $3  }
0x3a: {  	_ = 	snop  }
0x3b: {  	_ = 	snop  }
0x3c: {  	p2 =	seq.s32 s10, $0x1;
	s10 =	sld [smem:$0x3FAC]  }
0x3d: {  	_ =	shalt  }
0x3e: {  	_ =	shalt  }
0x3f: {  	_ =	shalt  }
0x40: {  	_ =	shalt  }
0x41: {  	_ =	shalt  }
0x42: {  	_ =	shalt  }
0x43: {  	_ =	shalt  }
0x44: {  	_ =	shalt  }
0x45: {  	_ =	shalt  }
0x46: {  	_ =	shalt  }
0x47: {  	_ =	shalt  }
0x48: {  	_ =	shalt  }
0x49: {  	_ =	shalt  }
0x4a: {  	_ =	shalt  }
0x4b: {  	_ =	shalt  }
0x4c: {  	_ =	shalt  }
0x4d: {  	_ =	shalt  }
0x4e: {  	_ =	shalt  }
0x4f: {  	_ =	shalt  }
0x50: {  	_ =	shalt  }
0x51: {  	_ =	shalt  }
0x52: {  	_ =	shalt  }
0x53: {  	_ =	shalt  }
0x54: {  	_ =	shalt  }
0x55: {  	_ =	shalt  }
0x56: {  	_ =	shalt  }
0x57: {  	_ =	shalt  }
0x58: {  	_ =	shalt  }
0x59: {  	_ =	shalt  }
0x5a: {  	_ =	shalt  }
0x5b: {  	_ =	shalt  }
0x5c: {  	_ =	shalt  }
0x5d: {  	_ =	shalt  }
0x5e: {  	_ =	shalt  }
0x5f: {  	_ =	shalt  }
0x60: {  	_ =	shalt  }
0x61: {  	_ =	shalt  }
0x62: {  	_ =	shalt  }
0x63: {  	_ =	shalt  }
0x64: {  	_ =	shalt  }
0x65: {  	_ =	shalt  }
0x66: {  	_ =	shalt  }
0x67: {  	_ =	shalt  }
0x68: {  	_ =	shalt  }
0x69: {  	_ =	shalt  }
0x6a: {  	_ =	shalt  }
0x6b: {  	_ =	shalt  }
0x6c: {  	_ =	shalt  }
0x6d: {  	_ =	shalt  }
0x6e: {  	_ =	shalt  }
0x6f: {  	_ =	shalt  }
0x70: {  	_ =	shalt  }
0x71: {  	_ =	shalt  }
0x72: {  	_ =	shalt  }
0x73: {  	_ =	shalt  }
0x74: {  	_ =	shalt  }
0x75: {  	_ =	shalt  }
0x76: {  	_ =	shalt  }
0x77: {  	_ =	shalt  }
0x78: {  	_ =	shalt  }
0x79: {  	_ =	shalt  }
0x7a: {  	_ =	shalt  }
0x7b: {  	_ =	shalt  }
0x7c: {  	_ =	shalt  }
0x7d: {  	_ =	shalt  }
0x7e: {  	_ =	shalt  }
0x7f: {  	_ =	shalt  }
0x80: {  	_ =	shalt  }
0x81: {  	_ =	shalt  }
0x82: {  	_ =	shalt  }
0x83: {  	_ =	shalt  }
0x84: {  	_ =	shalt  }
0x85: {  	_ =	shalt  }
0x86: {  	_ =	shalt  }
0x87: {  	_ =	shalt  }
.Lfunc_end0:
.L_simem_size_0:
called_computation.2_lowered:
.L_overlay_start_0:
0x88: {  	s2 =	sld [smem:$0x3FD9]  }
0x89: {  	s3 =	sld [smem:$0x3FFE];
	_ =	sdelay $0x1  }
0x8a: {  	s1 =	srdreg.scid  }
0x8b: {  	s0 =	sand.u32 $0x1, s1  }
0x8c: {  	s16 =	sshll.u32 s0, $0xA;
	s2 =	sadd.s32 s3, s2  }
0x8d: {  	s2 =	sadd.s32 s2, s16  }
0x8e: {  	[smem:$0x3FB8] =	sst s2  }
0x8f: {  	_ = 	snop  }
0x90: {  	(tm) =	ssettm $0x1  }
0x91: {  	s17 =	sld [smem:$0x3FFB];
	_ =	sdelay $0x3  }
0x92: {  	_ =	strace s17  }
0x93: {  	s2 =	sld [smem:$0x3FFC];
	_ =	sdelay $0x3  }
0x94: {  	_ =	strace s2  }
0x95: {  	s2 =	sld [smem:$0x3FFD];
	_ =	sdelay $0x3  }
0x96: {  	_ =	strace s2  }
0x97: {  	_ =	strace $0x8FFFFFFF  }
0x98: {  	s18 =	sld [smem:$0x3FDB];
	_ =	sdelay $0x1  }
0x99: {  	s19 =	simm.s32 $_scs_section_size  }
0x9a: {  	s4 =	simm.s32 $_size__tile_overlayer_lowered;
	s5 =	simm.s32 $_tile_overlayer_lowered  }
0x9b: {  	s22 =	simm.s32 $0x1BFF;
	s21 =	sshll.u32 s5, $0x1;
	s2 =	sadd.s32 s19, s18  }
0x9c: {  	s6 =	simm.s32 $0x0;
	s20 =	sshll.u32 s4, $0x1;
	s4 =	sadd.s32 s21, s2  }
0x9d: {  	[timem:s6], [sflag:s22] =	dma.local [hbm:s4], s20  }
0x9e: {  	_ =	swait.ge [sflag:s22], s20  }
0x9f: {  	s3 =	ssub.s32 $0x0, s20;
	[sflag:s22] =	ssyncset.done $0x0  }
0xa0: {  	[sflag:s22] =	ssyncadd.s32 s3;
	_ =	sdelay $0x1  }
0xa1: {  	s23 =	simm.s32 $0x1B8B  }
0xa2: {  	_ =	swait.ge [sflag:s23], $0x1  }
0xa3: {  	[sflag:s23] =	ssyncset.done $0x0  }
0xa4: {  	s25 =	simm.s32 $0x1B8E;
	s24 =	sld [smem:$0x3FFE];
	[sflag:s23] =	ssyncadd.s32 $0xFFFFFFFF  }
0xa5: {  	s26 =	simm.s32 $execute0_lowered;
	[smem:$0x3FD2] =	sst s25  }
0xa6: {  	s4 =	sshll.u32 s26, $0x1;
	_ =	strace $0x8000004C;
	[dreg:$0x1] =	wrdreg $0xFFFFFFFF  }
0xa7: {  	s28 =	simm.s32 $_size_execute0_lowered;
	s2 =	sadd.s32 s2, s4;
	[dreg:$0x0] =	wrdreg $0x0  }
0xa8: {  	s4 =	sshll.u32 s28, $0x1;
	[dreg:$0x2] =	wrdreg s2  }
0xa9: {  	[dreg:$0x3] =	wrdreg s4  }
0xaa: {  	[dreg:$0x4] =	wrdreg $0xC0  }
0xab: {  	_ =	task [dreg:s6], $0x5FFFF  }
0xac: {  	[dreg:$0x1] =	wrdreg $0xFFFFFFFF  }
0xad: {  	[dreg:$0x0] =	wrdreg $0x60  }
0xae: {  	[dreg:$0x2] =	wrdreg s24  }
0xaf: {  	[dreg:$0x3] =	wrdreg $0x0  }
0xb0: {  	[dreg:$0x4] =	wrdreg $0x9  }
0xb1: {  	_ =	task.clear_ibuf [dreg:s6], $0x5FFFF;
	_ =	strace $0x9000004C  }
0xb2: {  	s29 =	simm.s32 $0x9;
	_ =	strace $0x8000004E  }
0xb3: {  	_ =	swait.ge [sflag:s29], $0x1  }
0xb4: {  	[sflag:s29] =	ssyncadd.s32 $0xFFFFFFFF  }
0xb5: {  	_ =	strace $0x9000004E  }
0xb6: {  	_ =	sfence  }
0xb7: {  	s30 =	sld [smem:$0x0];
	_ =	sdelay $0x2  }
0xb8: {  	s31 =	sshll.u32 s1, $0xD;
	s1 =	sshrl.u32 s1, $0x2  }
0xb9: {  	s3 =	sand.u32 $0x4000, s31;
	s1 =	sadd.s32 s1, s30  }
0xba: {  	s0 =	sor.u32 s3, s0;
	s1 =	sshll.u32 s1, $0x11  }
0xbb: {  	s0 =	sor.u32 s1, s0  }
0xbc: {  	s0 =	sadd.s32 $0x8F2B, s0  }
0xbd: {  	[sflag:s0] =	ssyncadd.remote.s32 $0x1  }
0xbe: {  	_ =	sfence.sel $0xFFFF  }
0xbf: {  	[dreg:$0x0] =	wrdreg $0xFFFFFFFF;
	(pc) =	sbr.abs _section_cstart, $3  }
0xc0: {  	[dreg:$0x1] =	wrdreg $0xFFFFFFFF  }
0xc1: {  	_ =	task.clear_ibuf [dreg:s6], $0x2FFFF;
	_ =	strace $0x9FFFFFFF  }
0xc2: {  	(tm) =	ssettm $0x7FFFFFFF  }
0xc3: {  	_ =	shalt  }
tec
execute0_lowered:
.L_overlay_start_1:
0x0: {  	(tag) =	ssettag $0x1  }
0x1: {  	s0 =	srdreg.scid;
	s1 =	rddreg [dreg:$0x0]  }
0x2: {  	s2 =	rddreg [dreg:$0x1];
	s12 =	stileid.u32;
	s3 =	simm.s32 $0x0  }
0x3: {  	s28 =	simm.s32 $0x40;
	s31 =	simm.s32 $0x1E800;
	s0 =	sand.u32 $0x1, s0  }
0x4: {  	s29 =	simm.s32 $0x1E880;
	s30 =	simm.s32 $0x2;
	s4 =	sshll.u32 s0, $0x4  }
0x5: {  	[smem:$0x7FF] =	sst s3;
	s9 =	smul.u32 $0x50000, s12;
	s8 =	sor.u32 s12, s4  }
0x6: {  	s5 =	sshll.u32 s12, $0x7;
	s26 =	smul.u32 $0x2800, s12;
	s4 =	sshrl.u32 s8, $0x3  }
0x7: {  	_ =	strace $0x8000004D;
	s7 =	sand.u32 $0x380, s5;
	s6 =	smul.u32 $0x13C00, s4  }
0x8: {  	s5 =	sadd.s32 $0xA2E00, s1;
	s17 =	ssub.s32 $0x2, s0;
	p0 =	seq.s32 s0, $0x1  }
0x9: {  	s0 =	simm.s32 $0x5BAE00;
	s10 =	sshrl.u32 s17, $0x1;
	s6 =	sor.u32 s7, s6  }
0xa: {  	s9 =	sshrl.u32 s9, $0x2;
	s0 =	simm.s32 @!p0 $0x592E00;
	s6 =	sshrl.u32 s6, $0x3  }
0xb: {  	s10 =	ssub.s32 s17, s10;
	s0 =	sadd.s32 s0, s1;
	s11 =	sadd.s32 s6, s1  }
0xc: {  	s4 =	sadd.s32 $0x54A00, s1;
	s6 =	sadd.s32 s9, s2;
	s18 =	sadd.s32 $0x5000, s11  }
0xd: {  	s7 =	smul.u32 $0x2780, s8;
	s19 =	sadd.s32 $0x2000, s6;
	[dreg:$0x3] =	wrdreg s18  }
0xe: {  	s8 =	smul.u32 $0x27800, s8;
	s20 =	sadd.s32 $0x4000, s6;
	[dreg:$0x4] =	wrdreg s19  }
0xf: {  	s1 =	simm.s32 $0x4;
	s21 =	sadd.s32 $0x6000, s6;
	[dreg:$0x5] =	wrdreg s20  }
0x10: {  	s9 =	simm.s32 $0x0;
	s22 =	sadd.s32 $0x8000, s6;
	[dreg:$0x6] =	wrdreg s21  }
0x11: {  	s23 =	sadd.s32 $0xA000, s6;
	s24 =	sadd.s32 $0xC000, s6;
	[dreg:$0x7] =	wrdreg s22  }
0x12: {  	s25 =	sadd.s32 $0xE000, s6;
	s16 =	sadd.s32 $0x10000, s6;
	[dreg:$0x8] =	wrdreg s23  }
.Ltmp0:
0x13: {  	s17 =	sadd.s32 $0x12000, s6;
	[dreg:$0x9] =	wrdreg s24;
	(pc) =	sbr.rel .LBB2_1-.Ltmp0, $4  }
0x14: {  	[dreg:$0xa] =	wrdreg s25;
	s18 =	sadd.s32 s5, s8;
	s20 =	smax.u32 s10, $0x1  }
0x15: {  	s21 =	sadd.s32 s0, s26;
	s25 =	simm.s32 $0x5;
	s26 =	simm.s32 $0x14000  }
0x16: {  	s0 =	simm.s32 $0x16000;
	s22 =	simm.s32 $0x1A000;
	s23 =	simm.s32 $0x1  }
0x17: {  	v0 =	vimm.f32 $0.0e+00;
	s24 =	simm.s32 $0x3;
	s8 =	simm.s32 $0x1E900;
	s19 =	sadd.s32 $0x400, s18  }
.LBB2_10:
0x18: {  	s10 =	stileid.u32;
	s9 =	sadd.s32 $0x1, s9  }
0x19: {  	[bflag:$0x0] =	sbarrier.arrive $0xFFFF;
	s10 =	sshll.u32 s10, $0x6;
	p0 =	sne.s32 s9, s20  }
.Ltmp1:
0x1a: {  	s11 =	sshrl.u32 s6, $0x3;
	s10 =	sor.u32 $0x1C05, s10;
	(pc) =	sbr.rel @!p0 .LBB2_11-.Ltmp1, $4  }
0x1b: {  	[hbm:s21], [sflag:s10] =	dma.local [spmem:s11], $0x2800  }
0x1c: {  	_ =	swait.ge [sflag:s25], $0x2800  }
0x1d: {  	[sflag:s25] =	ssyncset.done $0x0  }
0x1e: {  	[sflag:s25] =	ssyncadd.s32 $0xFFFFD800  }
.LBB2_1:
0x1f: {  	s10 =	rddreg [dreg:$0x3]  }
0x20: {  	s11 =	simm.s32 $0x80;
	s12 =	simm.s32 $0x400;
	s13 =	simm.s32 $0x1C000  }
0x21: {  	[tilespmem:s13], [sflag:$0x5] =	stream.strided.gather [hbm4b:s10+s11], $0x2780, s12, s11, $0x38;
	[tilespmem:$0x1E980] =	vst v63  }
0x22: {  	_ =	swait.ge [sflag:s25], $0x2780  }
0x23: {  	[sflag:s25] =	ssyncset.done $0x0  }
0x24: {  	s10 =	simm.s32 $0x0;
	s11 =	simm.s32 $0x200;
	[sflag:s25] =	ssyncadd.s32 $0xFFFFD880  }
.LBB2_2:
0x25: {  	p0 =	sne.s32 s11, $0x7E00;
	[tilespmem:s10+$0x14070] =	vst v0  }
0x26: {  	[tilespmem:s10+$0x14000] =	vst v0  }
0x27: {  	[tilespmem:s10+$0x14010] =	vst v0  }
.Ltmp2:
0x28: {  	[tilespmem:s10+$0x14020] =	vst v0;
	(pc) =	sbr.rel @p0 .LBB2_2-.Ltmp2, $4  }
0x29: {  	[tilespmem:s10+$0x14030] =	vst v0  }
0x2a: {  	[tilespmem:s10+$0x14040] =	vst v0  }
0x2b: {  	[tilespmem:s10+$0x14050] =	vst v0  }
0x2c: {  	[tilespmem:s10+$0x14060] =	vst v0;
	s10 =	sshra.s32 s11, $0x2;
	s11 =	sadd.s32 $0x200, s11  }
0x2d: {  	[tilespmem:s10+$0x14070] =	vst v0  }
0x2e: {  	[tilespmem:s10+$0x14000] =	vst v0  }
0x2f: {  	[tilespmem:s10+$0x14010] =	vst v0  }
0x30: {  	[tilespmem:s10+$0x14020] =	vst v0  }
0x31: {  	[tilespmem:s10+$0x14030] =	vst v0  }
0x32: {  	[tilespmem:s10+$0x14040] =	vst v0  }
0x33: {  	[tilespmem:s10+$0x14050] =	vst v0  }
0x34: {  	[tilespmem:s10+$0x14060] =	vst v0  }
0x35: {  	[spmem:s6] =	stream.linear.scatter [tilespmem:s26], [sflag:$0x5], $0x2000, $0x38;
	[tilespmem:$0x1E980] =	vst v63  }
0x36: {  	_ =	swait.ge [sflag:s25], $0x2000  }
0x37: {  	[sflag:s25] =	ssyncset.done $0x0  }
0x38: {  	s13 =	rddreg [dreg:$0x4];
	[sflag:s25] =	ssyncadd.s32 $0xFFFFE000  }
0x39: {  	[spmem:s13] =	stream.linear.scatter [tilespmem:s26], [sflag:$0x5], $0x2000, $0x38;
	[tilespmem:$0x1E980] =	vst v63  }
0x3a: {  	_ =	swait.ge [sflag:s25], $0x2000  }
0x3b: {  	[sflag:s25] =	ssyncset.done $0x0  }
0x3c: {  	s14 =	rddreg [dreg:$0x5];
	[sflag:s25] =	ssyncadd.s32 $0xFFFFE000  }
0x3d: {  	[spmem:s14] =	stream.linear.scatter [tilespmem:s26], [sflag:$0x5], $0x2000, $0x38;
	[tilespmem:$0x1E980] =	vst v63  }
0x3e: {  	_ =	swait.ge [sflag:s25], $0x2000  }
0x3f: {  	[sflag:s25] =	ssyncset.done $0x0  }
0x40: {  	s15 =	rddreg [dreg:$0x6];
	[sflag:s25] =	ssyncadd.s32 $0xFFFFE000  }
0x41: {  	[spmem:s15] =	stream.linear.scatter [tilespmem:s26], [sflag:$0x5], $0x2000, $0x38;
	[tilespmem:$0x1E980] =	vst v63  }
0x42: {  	_ =	swait.ge [sflag:s25], $0x2000  }
0x43: {  	[sflag:s25] =	ssyncset.done $0x0  }
0x44: {  	s11 =	rddreg [dreg:$0x7];
	[sflag:s25] =	ssyncadd.s32 $0xFFFFE000  }
0x45: {  	[spmem:s11] =	stream.linear.scatter [tilespmem:s26], [sflag:$0x5], $0x2000, $0x38;
	[tilespmem:$0x1E980] =	vst v63  }
0x46: {  	_ =	swait.ge [sflag:s25], $0x2000  }
0x47: {  	[sflag:s25] =	ssyncset.done $0x0  }
0x48: {  	s12 =	rddreg [dreg:$0x8];
	[sflag:s25] =	ssyncadd.s32 $0xFFFFE000  }
0x49: {  	[spmem:s12] =	stream.linear.scatter [tilespmem:s26], [sflag:$0x5], $0x2000, $0x38;
	[tilespmem:$0x1E980] =	vst v63  }
0x4a: {  	_ =	swait.ge [sflag:s25], $0x2000  }
0x4b: {  	[sflag:s25] =	ssyncset.done $0x0  }
0x4c: {  	s13 =	rddreg [dreg:$0x9];
	[sflag:s25] =	ssyncadd.s32 $0xFFFFE000  }
0x4d: {  	[spmem:s13] =	stream.linear.scatter [tilespmem:s26], [sflag:$0x5], $0x2000, $0x38;
	[tilespmem:$0x1E980] =	vst v63  }
0x4e: {  	_ =	swait.ge [sflag:s25], $0x2000  }
0x4f: {  	[sflag:s25] =	ssyncset.done $0x0  }
0x50: {  	s14 =	rddreg [dreg:$0xa];
	[sflag:s25] =	ssyncadd.s32 $0xFFFFE000  }
0x51: {  	[spmem:s14] =	stream.linear.scatter [tilespmem:s26], [sflag:$0x5], $0x2000, $0x38;
	[tilespmem:$0x1E980] =	vst v63  }
0x52: {  	_ =	swait.ge [sflag:s25], $0x2000  }
0x53: {  	[sflag:s25] =	ssyncset.done $0x0  }
0x54: {  	[sflag:s25] =	ssyncadd.s32 $0xFFFFE000  }
0x55: {  	[spmem:s16] =	stream.linear.scatter [tilespmem:s26], [sflag:$0x5], $0x2000, $0x38;
	[tilespmem:$0x1E980] =	vst v63  }
0x56: {  	_ =	swait.ge [sflag:s25], $0x2000  }
0x57: {  	[sflag:s25] =	ssyncset.done $0x0  }
0x58: {  	[sflag:s25] =	ssyncadd.s32 $0xFFFFE000  }
0x59: {  	[spmem:s17] =	stream.linear.scatter [tilespmem:s26], [sflag:$0x5], $0x2000, $0x38;
	[tilespmem:$0x1E980] =	vst v63  }
0x5a: {  	_ =	swait.ge [sflag:s25], $0x2000  }
0x5b: {  	[sflag:s25] =	ssyncset.done $0x0  }
0x5c: {  	[sflag:s25] =	ssyncadd.s32 $0xFFFFE000  }
0x5d: {  	[bflag:$0x0] =	sbarrier.arrive $0xFFFF  }
0x5e: {  	v1 =	vld [tilespmem:$0x1C000];
	_ =	sdelay $0x1  }
0x5f: {  	v2 =	vld [tilespmem:$0x1C010];
	_ =	sdelay $0x1  }
0x60: {  	v3 =	vld [tilespmem:$0x1C020]  }
0x61: {  	v4 =	vand.u32 $0x7FFF, v1  }
0x62: {  	v61 =	vld [tilespmem:$0x1C030];
	v1 =	vshrl.u32 v1, $0xF;
	[tilespmem:$0x1E780] =	vst v4  }
0x63: {  	[tilespmem:$0x1E880] =	vst v1;
	v1 =	vand.u32 $0x7FFF, v2  }
0x64: {  	[tilespmem:$0x1E790] =	vst v1;
	v1 =	vshrl.u32 v2, $0xF  }
0x65: {  	[tilespmem:$0x1E890] =	vst v1;
	v1 =	vand.u32 $0x7FFF, v3  }
0x66: {  	[tilespmem:$0x1E7A0] =	vst v1;
	v1 =	vshrl.u32 v3, $0xF  }
0x67: {  	[tilespmem:$0x1E8A0] =	vst v1;
	v1 =	vand.u32 $0x7FFF, v61  }
0x68: {  	[tilespmem:$0x1E7B0] =	vst v1;
	v1 =	vshrl.u32 v61, $0xF  }
0x69: {  	s15 =	simm.s32 $0x1E780;
	[tilespmem:$0x1E8B0] =	vst v1  }
0x6a: {  	[tilespmem:s26], [sflag:$0x1] =	stream.indirect.gather [hbm4b:s4+s28], $0x80, s15, s28, $0xb8;
	[tilespmem:$0x1E980] =	vst v63  }
0x6b: {  	s10 =	simm.s32 $0x0;
	s11 =	simm.s32 $0x18000  }
0x6c: {  	[tilespmem:s11], [sflag:$0x3] =	stream.linear.gather [hbm4b:s18+s10], $0x2000, $0x38;
	[tilespmem:$0x1E980] =	vst v63  }
0x6d: {  	v1 =	vld [tilespmem:$0x1C040];
	_ =	sdelay $0x1  }
0x6e: {  	v2 =	vld [tilespmem:$0x1C050];
	_ =	sdelay $0x1  }
0x6f: {  	v3 =	vld [tilespmem:$0x1C060]  }
0x70: {  	v62 =	vand.u32 $0x7FFF, v1  }
0x71: {  	v63 =	vld [tilespmem:$0x1C070];
	v1 =	vshrl.u32 v1, $0xF;
	[tilespmem:$0x1E800] =	vst v62  }
0x72: {  	[tilespmem:$0x1E900] =	vst v1;
	v1 =	vand.u32 $0x7FFF, v2  }
0x73: {  	[tilespmem:$0x1E810] =	vst v1;
	v1 =	vshrl.u32 v2, $0xF  }
0x74: {  	[tilespmem:$0x1E910] =	vst v1;
	v1 =	vand.u32 $0x7FFF, v3  }
0x75: {  	[tilespmem:$0x1E820] =	vst v1;
	v1 =	vshrl.u32 v3, $0xF  }
0x76: {  	[tilespmem:$0x1E920] =	vst v1;
	v1 =	vand.u32 $0x7FFF, v63  }
0x77: {  	[tilespmem:$0x1E830] =	vst v1;
	v1 =	vshrl.u32 v63, $0xF  }
0x78: {  	[tilespmem:$0x1E930] =	vst v1  }
0x79: {  	[tilespmem:s0], [sflag:$0x2] =	stream.indirect.gather [hbm4b:s4+s28], $0x80, s31, s28, $0xb8;
	[tilespmem:$0x1E980] =	vst v63  }
0x7a: {  	_ = 	snop  }
0x7b: {  	[tilespmem:s22], [sflag:$0x4] =	stream.linear.gather [hbm4b:s19+s10], $0x2000, $0x38;
	[tilespmem:$0x1E980] =	vst v63  }
.LBB2_4:
0x7c: {  	_ =	swait.ge [sflag:s23], $0x2000  }
0x7d: {  	[sflag:s23] =	ssyncset.done $0x0  }
0x7e: {  	[sflag:s23] =	ssyncadd.s32 $0xFFFFE000  }
0x7f: {  	_ =	swait.ge [sflag:s24], $0x2000  }
0x80: {  	[sflag:s24] =	ssyncset.done $0x0  }
0x81: {  	s11 =	simm.s32 $0x0;
	[sflag:s24] =	ssyncadd.s32 $0xFFFFE000  }
0x82: {  	v8 =	vld [tilespmem:s11+$0x18000]  }
0x83: {  	v12 =	vld [tilespmem:s11+$0x18010]  }
0x84: {  	v6 =	vld [tilespmem:s11+$0x18020]  }
0x85: {  	v5 =	vld [tilespmem:s11+$0x18030]  }
0x86: {  	v4 =	vld [tilespmem:s11+$0x18040]  }
0x87: {  	v3 =	vld [tilespmem:s11+$0x18050]  }
0x88: {  	v2 =	vld [tilespmem:s11+$0x18060]  }
0x89: {  	v1 =	vld [tilespmem:s11+$0x18070]  }
0x8a: {  	v13 =	vld [tilespmem:s11+$0x14000]  }
0x8b: {  	v14 =	vld [tilespmem:s11+$0x14010]  }
0x8c: {  	v11 =	vld [tilespmem:s11+$0x14020]  }
0x8d: {  	v10 =	vld [tilespmem:s11+$0x14030]  }
0x8e: {  	v9 =	vld [tilespmem:s11+$0x14040]  }
0x8f: {  	v7 =	vld [tilespmem:s11+$0x14050];
	v13 =	vmul.f32 v8, v13  }
0x90: {  	s12 =	simm.s32 $0x200;
	v12 =	vmul.f32 v12, v14;
	v8 =	vld [tilespmem:s11+$0x14060]  }
.LBB2_5:
0x91: {  	s13 =	sshra.s32 s12, $0x2;
	p0 =	sne.s32 s12, $0x7E00;
	[tilespmem:s11+$0x14000] =	vst v13;
	v6 =	vmul.f32 v6, v11;
	v11 =	vld [tilespmem:s11+$0x14070]  }
0x92: {  	v13 =	vld [tilespmem:s13+$0x18000];
	[tilespmem:s11+$0x14010] =	vst v12;
	v5 =	vmul.f32 v5, v10  }
0x93: {  	v12 =	vld [tilespmem:s13+$0x18010];
	[tilespmem:s11+$0x14020] =	vst v6;
	v4 =	vmul.f32 v4, v9  }
0x94: {  	v6 =	vld [tilespmem:s13+$0x18020];
	[tilespmem:s11+$0x14030] =	vst v5;
	v3 =	vmul.f32 v3, v7  }
0x95: {  	v5 =	vld [tilespmem:s13+$0x18030];
	[tilespmem:s11+$0x14040] =	vst v4;
	v2 =	vmul.f32 v2, v8  }
0x96: {  	v4 =	vld [tilespmem:s13+$0x18040];
	[tilespmem:s11+$0x14050] =	vst v3;
	v1 =	vmul.f32 v1, v11  }
0x97: {  	v3 =	vld [tilespmem:s13+$0x18050];
	[tilespmem:s11+$0x14060] =	vst v2  }
0x98: {  	v2 =	vld [tilespmem:s13+$0x18060];
	[tilespmem:s11+$0x14070] =	vst v1;
	s11 =	smov.u32 s13  }
0x99: {  	v1 =	vld [tilespmem:s11+$0x18070]  }
0x9a: {  	v7 =	vld [tilespmem:s11+$0x14000]  }
0x9b: {  	v8 =	vld [tilespmem:s11+$0x14010]  }
.Ltmp3:
0x9c: {  	v11 =	vld [tilespmem:s11+$0x14020];
	(pc) =	sbr.rel @p0 .LBB2_5-.Ltmp3, $4  }
0x9d: {  	v10 =	vld [tilespmem:s11+$0x14030]  }
0x9e: {  	v9 =	vld [tilespmem:s11+$0x14040]  }
0x9f: {  	v13 =	vmul.f32 v13, v7;
	v7 =	vld [tilespmem:s11+$0x14050]  }
0xa0: {  	s12 =	sadd.s32 $0x200, s12;
	v12 =	vmul.f32 v12, v8;
	v8 =	vld [tilespmem:s11+$0x14060]  }
0xa1: {  	[tilespmem:s11+$0x14000] =	vst v13;
	v6 =	vmul.f32 v6, v11;
	v11 =	vld [tilespmem:s11+$0x14070]  }
0xa2: {  	[tilespmem:s11+$0x14010] =	vst v12;
	v5 =	vmul.f32 v5, v10  }
0xa3: {  	[tilespmem:s11+$0x14020] =	vst v6;
	v4 =	vmul.f32 v4, v9  }
0xa4: {  	[tilespmem:s11+$0x14030] =	vst v5;
	v3 =	vmul.f32 v3, v7  }
0xa5: {  	[tilespmem:s11+$0x14040] =	vst v4;
	v2 =	vmul.f32 v2, v8  }
0xa6: {  	[tilespmem:s11+$0x14050] =	vst v3;
	v1 =	vmul.f32 v1, v11  }
0xa7: {  	[tilespmem:s11+$0x14060] =	vst v2  }
0xa8: {  	[tilespmem:s11+$0x14070] =	vst v1  }
0xa9: {  	[spmem:s2] =	stream.indirect.scatter.add.f32 [tilespmem:s26], [sflag:$0x5], $0x80, s29, s28, $0xb8;
	[tilespmem:$0x1E980] =	vst v63  }
0xaa: {  	_ =	swait.ge [sflag:s25], $0x2000  }
0xab: {  	[sflag:s25] =	ssyncset.done $0x0  }
0xac: {  	p0 =	seq.s32 s10, $0x4E;
	s11 =	sshll.u32 s10, $0x7;
	[sflag:s25] =	ssyncadd.s32 $0xFFFFE000  }
0xad: {  	v1 =	vld @!p0 [tilespmem:s11+$0x1C080];
	_ =	sdelay $0x4  }
0xae: {  	v2 =	vand.u32 @!p0 $0x7FFF, v1  }
0xaf: {  	v1 =	vshrl.u32 @!p0 v1, $0xF;
	[tilespmem:$0x1E780] =	vst @!p0 v2  }
0xb0: {  	[tilespmem:$0x1E880] =	vst @!p0 v1  }
0xb1: {  	v1 =	vld @!p0 [tilespmem:s11+$0x1C090];
	_ =	sdelay $0x4  }
0xb2: {  	v2 =	vand.u32 @!p0 $0x7FFF, v1  }
0xb3: {  	v1 =	vshrl.u32 @!p0 v1, $0xF;
	[tilespmem:$0x1E790] =	vst @!p0 v2  }
0xb4: {  	[tilespmem:$0x1E890] =	vst @!p0 v1  }
0xb5: {  	v1 =	vld @!p0 [tilespmem:s11+$0x1C0A0];
	_ =	sdelay $0x4  }
0xb6: {  	v2 =	vand.u32 @!p0 $0x7FFF, v1  }
0xb7: {  	v1 =	vshrl.u32 @!p0 v1, $0xF;
	[tilespmem:$0x1E7A0] =	vst @!p0 v2  }
0xb8: {  	[tilespmem:$0x1E8A0] =	vst @!p0 v1  }
0xb9: {  	v1 =	vld @!p0 [tilespmem:s11+$0x1C0B0];
	_ =	sdelay $0x4  }
0xba: {  	s12 =	sadd.s32 @!p0 s7, s11;
	v2 =	vand.u32 @!p0 $0x7FFF, v1  }
0xbb: {  	s13 =	simm.s32 @!p0 $0x40;
	s12 =	sshll.u32 @!p0 s12, $0x4;
	v1 =	vshrl.u32 @!p0 v1, $0xF;
	[tilespmem:$0x1E7B0] =	vst @!p0 v2  }
0xbc: {  	s14 =	simm.s32 @!p0 $0x1E780;
	s15 =	simm.s32 @!p0 $0x14000;
	s12 =	sadd.s32 @!p0 s5, s12;
	[tilespmem:$0x1E8B0] =	vst @!p0 v1  }
0xbd: {  	[tilespmem:s15], [sflag:$0x1] =	stream.indirect.gather @!p0 [hbm4b:s4+s13], $0x80, s14, s13, $0xb8;
	[tilespmem:$0x1E980] =	vst v63  }
0xbe: {  	s12 =	sadd.s32 @!p0 $0x800, s12;
	s13 =	simm.s32 @!p0 $0x0;
	s14 =	simm.s32 @!p0 $0x18000  }
0xbf: {  	[tilespmem:s14], [sflag:$0x3] =	stream.linear.gather @!p0 [hbm4b:s12+s13], $0x2000, $0x38;
	[tilespmem:$0x1E980] =	vst v63  }
0xc0: {  	_ =	swait.ge [sflag:s30], $0x2000  }
0xc1: {  	[sflag:s30] =	ssyncset.done $0x0  }
0xc2: {  	[sflag:s30] =	ssyncadd.s32 $0xFFFFE000  }
0xc3: {  	_ =	swait.ge [sflag:s1], $0x2000  }
0xc4: {  	[sflag:s1] =	ssyncset.done $0x0  }
0xc5: {  	s12 =	simm.s32 $0x0;
	[sflag:s1] =	ssyncadd.s32 $0xFFFFE000  }
0xc6: {  	v8 =	vld [tilespmem:s12+$0x1A000]  }
0xc7: {  	v12 =	vld [tilespmem:s12+$0x1A010]  }
0xc8: {  	v6 =	vld [tilespmem:s12+$0x1A020]  }
0xc9: {  	v5 =	vld [tilespmem:s12+$0x1A030]  }
0xca: {  	v4 =	vld [tilespmem:s12+$0x1A040]  }
0xcb: {  	v3 =	vld [tilespmem:s12+$0x1A050]  }
0xcc: {  	v2 =	vld [tilespmem:s12+$0x1A060]  }
0xcd: {  	v1 =	vld [tilespmem:s12+$0x1A070]  }
0xce: {  	v13 =	vld [tilespmem:s12+$0x16000]  }
0xcf: {  	v14 =	vld [tilespmem:s12+$0x16010]  }
0xd0: {  	v11 =	vld [tilespmem:s12+$0x16020]  }
0xd1: {  	v10 =	vld [tilespmem:s12+$0x16030]  }
0xd2: {  	v9 =	vld [tilespmem:s12+$0x16040]  }
0xd3: {  	v7 =	vld [tilespmem:s12+$0x16050];
	v13 =	vmul.f32 v8, v13  }
0xd4: {  	s13 =	simm.s32 $0x200;
	v12 =	vmul.f32 v12, v14;
	v8 =	vld [tilespmem:s12+$0x16060]  }
.LBB2_7:
0xd5: {  	s14 =	sshra.s32 s13, $0x2;
	p1 =	sne.s32 s13, $0x7E00;
	[tilespmem:s12+$0x16000] =	vst v13;
	v6 =	vmul.f32 v6, v11;
	v11 =	vld [tilespmem:s12+$0x16070]  }
0xd6: {  	v13 =	vld [tilespmem:s14+$0x1A000];
	[tilespmem:s12+$0x16010] =	vst v12;
	v5 =	vmul.f32 v5, v10  }
0xd7: {  	v12 =	vld [tilespmem:s14+$0x1A010];
	[tilespmem:s12+$0x16020] =	vst v6;
	v4 =	vmul.f32 v4, v9  }
0xd8: {  	v6 =	vld [tilespmem:s14+$0x1A020];
	[tilespmem:s12+$0x16030] =	vst v5;
	v3 =	vmul.f32 v3, v7  }
0xd9: {  	v5 =	vld [tilespmem:s14+$0x1A030];
	[tilespmem:s12+$0x16040] =	vst v4;
	v2 =	vmul.f32 v2, v8  }
0xda: {  	v4 =	vld [tilespmem:s14+$0x1A040];
	[tilespmem:s12+$0x16050] =	vst v3;
	v1 =	vmul.f32 v1, v11  }
0xdb: {  	v3 =	vld [tilespmem:s14+$0x1A050];
	[tilespmem:s12+$0x16060] =	vst v2  }
0xdc: {  	v2 =	vld [tilespmem:s14+$0x1A060];
	[tilespmem:s12+$0x16070] =	vst v1;
	s12 =	smov.u32 s14  }
0xdd: {  	v1 =	vld [tilespmem:s12+$0x1A070]  }
0xde: {  	v7 =	vld [tilespmem:s12+$0x16000]  }
0xdf: {  	v8 =	vld [tilespmem:s12+$0x16010]  }
.Ltmp4:
0xe0: {  	v11 =	vld [tilespmem:s12+$0x16020];
	(pc) =	sbr.rel @p1 .LBB2_7-.Ltmp4, $4  }
0xe1: {  	v10 =	vld [tilespmem:s12+$0x16030]  }
0xe2: {  	v9 =	vld [tilespmem:s12+$0x16040]  }
0xe3: {  	v13 =	vmul.f32 v13, v7;
	v7 =	vld [tilespmem:s12+$0x16050]  }
0xe4: {  	s13 =	sadd.s32 $0x200, s13;
	v12 =	vmul.f32 v12, v8;
	v8 =	vld [tilespmem:s12+$0x16060]  }
0xe5: {  	[tilespmem:s12+$0x16000] =	vst v13;
	v6 =	vmul.f32 v6, v11;
	v63 =	vld [tilespmem:s12+$0x16070]  }
0xe6: {  	[tilespmem:s12+$0x16010] =	vst v12;
	v5 =	vmul.f32 v5, v10  }
0xe7: {  	[tilespmem:s12+$0x16020] =	vst v6;
	v4 =	vmul.f32 v4, v9  }
0xe8: {  	[tilespmem:s12+$0x16030] =	vst v5;
	v3 =	vmul.f32 v3, v7  }
0xe9: {  	[tilespmem:s12+$0x16040] =	vst v4;
	v2 =	vmul.f32 v2, v8  }
0xea: {  	[tilespmem:s12+$0x16050] =	vst v3;
	v1 =	vmul.f32 v1, v63  }
0xeb: {  	[tilespmem:s12+$0x16060] =	vst v2  }
.Ltmp5:
0xec: {  	[tilespmem:s12+$0x16070] =	vst v1;
	(pc) =	sbr.rel @p0 .LBB2_10-.Ltmp5, $4  }
0xed: {  	[spmem:s2] =	stream.indirect.scatter.add.f32 [tilespmem:s0], [sflag:$0x5], $0x80, s8, s28, $0xb8;
	[tilespmem:$0x1E980] =	vst v63  }
0xee: {  	_ =	swait.ge [sflag:s25], $0x2000  }
0xef: {  	[sflag:s25] =	ssyncset.done $0x0  }
0xf0: {  	[sflag:s25] =	ssyncadd.s32 $0xFFFFE000  }
0xf1: {  	v1 =	vld [tilespmem:s11+$0x1C0C0];
	_ =	sdelay $0x4  }
0xf2: {  	v2 =	vand.u32 $0x7FFF, v1  }
0xf3: {  	s13 =	sadd.s32 $0xC0, s11;
	v1 =	vshrl.u32 v1, $0xF;
	[tilespmem:$0x1E800] =	vst v2  }
0xf4: {  	s12 =	sor.u32 $0x50, s13;
	[tilespmem:$0x1E900] =	vst v1  }
0xf5: {  	v1 =	vld [tilespmem:s12+$0x1C000];
	_ =	sdelay $0x4  }
0xf6: {  	v2 =	vand.u32 $0x7FFF, v1  }
0xf7: {  	v1 =	vshrl.u32 v1, $0xF;
	[tilespmem:$0x1E810] =	vst v2  }
0xf8: {  	s14 =	sor.u32 $0x60, s13;
	[tilespmem:$0x1E910] =	vst v1  }
0xf9: {  	v1 =	vld [tilespmem:s14+$0x1C000];
	_ =	sdelay $0x4  }
0xfa: {  	v2 =	vand.u32 $0x7FFF, v1  }
0xfb: {  	v1 =	vshrl.u32 v1, $0xF;
	[tilespmem:$0x1E820] =	vst v2  }
0xfc: {  	s15 =	sor.u32 $0x70, s13;
	[tilespmem:$0x1E920] =	vst v1  }
0xfd: {  	v1 =	vld [tilespmem:s15+$0x1C000];
	_ =	sdelay $0x4  }
0xfe: {  	v2 =	vand.u32 $0x7FFF, v1  }
.Ltmp6:
0xff: {  	s11 =	sadd.s32 s7, s13;
	v1 =	vshrl.u32 v1, $0xF;
	[tilespmem:$0x1E830] =	vst v2;
	(pc) =	sbr.rel .LBB2_4-.Ltmp6, $4  }
0x100: {  	s11 =	sshll.u32 s11, $0x4;
	[tilespmem:$0x1E930] =	vst v1  }
0x101: {  	[tilespmem:s0], [sflag:$0x2] =	stream.indirect.gather [hbm4b:s4+s28], $0x80, s31, s28, $0xb8;
	[tilespmem:$0x1E980] =	vst v63  }
0x102: {  	s10 =	sadd.s32 $0x1, s10;
	s11 =	sadd.s32 s5, s11  }
0x103: {  	[tilespmem:s22], [sflag:$0x4] =	stream.linear.gather [hbm4b:s11+s3], $0x2000, $0x38;
	[tilespmem:$0x1E980] =	vst v63  }
.LBB2_11:
0x104: {  	_ =	sfence.sel $0x180000  }
0x105: {  	[bflag:$0x0] =	sbarrier.arrive $0xFFFF  }
0x106: {  	_ =	strace $0x9000004D  }
0x107: {  	s0 =	stileid.u32;
	[bflag:$0x2] =	sbarrier.arrive $0xFFFF  }
0x108: {  	p0 =	sne.s32 s0, $0x0;
	s0 =	rddreg [dreg:$0x2]  }
0x109: {  	s0 =	sadd.s32 @!p0 $0x100000, s0  }
0x10a: {  	[sflag:s0] =	ssyncadd.tile.s32 @!p0 $0x1;
	_ =	shalt  }
.Lfunc_end2:
_tile_overlayer_lowered:
.L_overlay_start_2:
0x10b: {  	(tag) =	ssettag $0x2  }
0x10c: {  	s0 =	rddreg [dreg:$0x0];
	s2 =	stileid.u32  }
0x10d: {  	s1 =	rddreg [dreg:$0x1];
	p0 =	sne.s32 s2, $0x0  }
0x10e: {  	s3 =	rddreg [dreg:$0x2];
	[bflag:$0x3] =	sbarrier.arrive $0xFFFF;
	s2 =	simm.s32 @!p0 $0x1C05  }
0x10f: {  	[timem:s3], [sflag:s2] =	dma.local @!p0 [hbm:s0], s1  }
0x110: {  	s0 =	simm.s32 @!p0 $0x5  }
0x111: {  	_ =	swait.ge @!p0 [sflag:s0], s1  }
0x112: {  	s1 =	ssub.s32 @!p0 $0x0, s1;
	[sflag:s0] =	ssyncset.done @!p0 $0x0  }
0x113: {  	[sflag:s0] =	ssyncadd.s32 @!p0 s1  }
0x114: {  	[bflag:$0x3] =	sbarrier.arrive $0xFFFF  }
0x115: {  	_ =	shalt  }

// kernel: kernel.9.cloned.1.call-start
scs
__scs_entry_jumppad:
0x0: {  	(pc) =	sbr.rel $0x88, $3  }
0x1: {  	(tag) =	ssettag $0x0;
	lr =	simm.s32 $0x1  }
0x2: {  	[smem:$0x3F91] =	sst lr;
	_ =	strace $0xD0000000  }
0x3: {  	_ = 	snop  }
0x4: {  	_ = 	snop  }
0x5: {  	_ = 	snop  }
0x6: {  	_ = 	snop  }
0x7: {  	_ = 	snop  }
__scs_overlays_trampoline_lowered:
0x8: {  	[smem:$0x3FA0] =	sst s0  }
0x9: {  	[smem:$0x3FA1] =	sst s1  }
0xa: {  	[smem:$0x3FA2] =	sst s2  }
0xb: {  	[smem:$0x3FA3] =	sst s3  }
0xc: {  	[smem:$0x3FA4] =	sst s4  }
0xd: {  	[smem:$0x3FA5] =	sst s5  }
0xe: {  	[smem:$0x3FA6] =	sst s6  }
0xf: {  	[smem:$0x3FA7] =	sst s7  }
0x10: {  	[smem:$0x3FA8] =	sst s8  }
0x11: {  	[smem:$0x3FA9] =	sst s9;
	s0 =	simm.s32 @!p0 $0x0  }
0x12: {  	s1 =	sld [smem:$0x3F8F];
	s0 =	simm.s32 @p0 $0x1  }
0x13: {  	[smem:$0x3FAA] =	sst s0;
	s0 =	simm.s32 @!p1 $0x0  }
0x14: {  	s2 =	sld [smem:$0x3F8E];
	s0 =	simm.s32 @p1 $0x1  }
0x15: {  	[smem:$0x3FAB] =	sst s0;
	s0 =	simm.s32 @!p2 $0x0  }
0x16: {  	s3 =	sld [smem:$0x3FDB];
	s0 =	simm.s32 @p2 $0x1  }
0x17: {  	s4 =	simm.s32 $0x1BF5;
	[smem:$0x3FAD] =	sst s0  }
0x18: {  	s0 =	sld [smem:$0x3F90];
	_ =	swait.ge [sflag:s4], $0x0  }
0x19: {  	s7 =	sld [smem:$0x3F91]  }
0x1a: {  	s8 =	sadd.s32 $0xFFFFE003, lr  }
0x1b: {  	s9 =	sadd.s32 $0xFFFFFEF7, lr;
	s5 =	simm.s32 $0xFFFFFFFF;
	p2 =	slt.u32 s8, $0xFFFFF086  }
0x1c: {  	p1 =	slt.u32 s9, $0xF7A;
	s5 =	simm.s32 @!p2 $0x0  }
0x1d: {  	s5 =	simm.s32 @p1 $0x1;
	p0 =	seq.s32 s7, s2  }
0x1e: {  	s7 =	smul.u32 @!p0 $0xF7A, s2;
	p2 =	seq.s32 @!p0 s5, $0x0  }
0x1f: {  	s9 =	smul.u32 $0xF7A, s1;
	s8 =	simm.s32 @!p0 $0x1BF5;
	p2 =	por !p2, p0  }
0x20: {  	[sflag:s8] =	ssyncset.s32 @!p0 $0xFFFFF086;
	s6 =	sadd.s32 @!p0 s3, s7;
	s7 =	simm.s32 @!p0 $0x108  }
0x21: {  	s3 =	sadd.s32 s3, s9;
	s6 =	sadd.s32 @!p0 $0x88, s6;
	s7 =	simm.s32 @p2 $0x1082  }
0x22: {  	[simem:s7], [sflag:s8] =	dma.local @!p0 [hbm:s6], $0xF7A  }
0x23: {  	s9 =	sor.u32 $0xD0000000, s2;
	s6 =	simm.s32 $0x108;
	_ =	swait.ge @!p0 [sflag:s8], $0x0  }
0x24: {  	s3 =	sadd.s32 $0x88, s3;
	s6 =	simm.s32 @!p1 $0x1082;
	[sflag:s4] =	ssyncset.s32 $0xFFFFF086  }
0x25: {  	[simem:s6], [sflag:s4] =	dma.local [hbm:s3], $0xF7A  }
0x26: {  	[smem:$0x3F91] =	sst s1;
	(tag) =	ssettag s2;
	_ =	strace s9  }
0x27: {  	s1 =	sld [smem:$0x3FA1]  }
0x28: {  	s2 =	sld [smem:$0x3FA2]  }
0x29: {  	s4 =	sld [smem:$0x3FA4]  }
0x2a: {  	p0 =	seq.s32 s5, $0x0;
	s5 =	sld [smem:$0x3FA5]  }
0x2b: {  	s6 =	sld [smem:$0x3FA6]  }
0x2c: {  	s7 =	sld [smem:$0x3FA7]  }
0x2d: {  	s3 =	simm.s32 $0x108;
	s8 =	sld [smem:$0x3FA8]  }
0x2e: {  	s3 =	simm.s32 @!p0 $0x1082;
	s9 =	sld [smem:$0x3FA9]  }
0x2f: {  	lr =	sadd.s32 s0, s3;
	s0 =	sld [smem:$0x3FA0]  }
0x30: {  	s3 =	sld [smem:$0x3FA3]  }
0x31: {  	[smem:$0x3FAC] =	sst s10  }
0x32: {  	s10 =	sld [smem:$0x3FAA];
	_ =	sdelay $0x3  }
0x33: {  	p0 =	seq.s32 s10, $0x1;
	s10 =	sld [smem:$0x3FAC];
	_ =	sdelay $0x3  }
0x34: {  	[smem:$0x3FAC] =	sst s10  }
0x35: {  	s10 =	sld [smem:$0x3FAB];
	_ =	sdelay $0x3  }
0x36: {  	p1 =	seq.s32 s10, $0x1;
	s10 =	sld [smem:$0x3FAC];
	_ =	sdelay $0x3  }
0x37: {  	[smem:$0x3FAC] =	sst s10  }
0x38: {  	s10 =	sld [smem:$0x3FAD]  }
0x39: {  	_ = 	snop;
	(pc) =	sbr.ind lr, $3  }
0x3a: {  	_ = 	snop  }
0x3b: {  	_ = 	snop  }
0x3c: {  	p2 =	seq.s32 s10, $0x1;
	s10 =	sld [smem:$0x3FAC]  }
0x3d: {  	_ =	shalt  }
0x3e: {  	_ =	shalt  }
0x3f: {  	_ =	shalt  }
0x40: {  	_ =	shalt  }
0x41: {  	_ =	shalt  }
0x42: {  	_ =	shalt  }
0x43: {  	_ =	shalt  }
0x44: {  	_ =	shalt  }
0x45: {  	_ =	shalt  }
0x46: {  	_ =	shalt  }
0x47: {  	_ =	shalt  }
0x48: {  	_ =	shalt  }
0x49: {  	_ =	shalt  }
0x4a: {  	_ =	shalt  }
0x4b: {  	_ =	shalt  }
0x4c: {  	_ =	shalt  }
0x4d: {  	_ =	shalt  }
0x4e: {  	_ =	shalt  }
0x4f: {  	_ =	shalt  }
0x50: {  	_ =	shalt  }
0x51: {  	_ =	shalt  }
0x52: {  	_ =	shalt  }
0x53: {  	_ =	shalt  }
0x54: {  	_ =	shalt  }
0x55: {  	_ =	shalt  }
0x56: {  	_ =	shalt  }
0x57: {  	_ =	shalt  }
0x58: {  	_ =	shalt  }
0x59: {  	_ =	shalt  }
0x5a: {  	_ =	shalt  }
0x5b: {  	_ =	shalt  }
0x5c: {  	_ =	shalt  }
0x5d: {  	_ =	shalt  }
0x5e: {  	_ =	shalt  }
0x5f: {  	_ =	shalt  }
0x60: {  	_ =	shalt  }
0x61: {  	_ =	shalt  }
0x62: {  	_ =	shalt  }
0x63: {  	_ =	shalt  }
0x64: {  	_ =	shalt  }
0x65: {  	_ =	shalt  }
0x66: {  	_ =	shalt  }
0x67: {  	_ =	shalt  }
0x68: {  	_ =	shalt  }
0x69: {  	_ =	shalt  }
0x6a: {  	_ =	shalt  }
0x6b: {  	_ =	shalt  }
0x6c: {  	_ =	shalt  }
0x6d: {  	_ =	shalt  }
0x6e: {  	_ =	shalt  }
0x6f: {  	_ =	shalt  }
0x70: {  	_ =	shalt  }
0x71: {  	_ =	shalt  }
0x72: {  	_ =	shalt  }
0x73: {  	_ =	shalt  }
0x74: {  	_ =	shalt  }
0x75: {  	_ =	shalt  }
0x76: {  	_ =	shalt  }
0x77: {  	_ =	shalt  }
0x78: {  	_ =	shalt  }
0x79: {  	_ =	shalt  }
0x7a: {  	_ =	shalt  }
0x7b: {  	_ =	shalt  }
0x7c: {  	_ =	shalt  }
0x7d: {  	_ =	shalt  }
0x7e: {  	_ =	shalt  }
0x7f: {  	_ =	shalt  }
0x80: {  	_ =	shalt  }
0x81: {  	_ =	shalt  }
0x82: {  	_ =	shalt  }
0x83: {  	_ =	shalt  }
0x84: {  	_ =	shalt  }
0x85: {  	_ =	shalt  }
0x86: {  	_ =	shalt  }
0x87: {  	_ =	shalt  }
.Lfunc_end0:
.L_simem_size_0:
called_computation_lowered:
.L_overlay_start_0:
0x88: {  	s2 =	sld [smem:$0x3FD9]  }
0x89: {  	s3 =	sld [smem:$0x3FFE];
	_ =	sdelay $0x1  }
0x8a: {  	s1 =	srdreg.scid  }
0x8b: {  	s0 =	sand.u32 $0x1, s1  }
0x8c: {  	s16 =	sshll.u32 s0, $0xA;
	s2 =	sadd.s32 s3, s2  }
0x8d: {  	s2 =	sadd.s32 s2, s16  }
0x8e: {  	[smem:$0x3FB8] =	sst s2  }
0x8f: {  	_ = 	snop  }
0x90: {  	(tm) =	ssettm $0x1  }
0x91: {  	s17 =	sld [smem:$0x3FFB];
	_ =	sdelay $0x3  }
0x92: {  	_ =	strace s17  }
0x93: {  	s2 =	sld [smem:$0x3FFC];
	_ =	sdelay $0x3  }
0x94: {  	_ =	strace s2  }
0x95: {  	s2 =	sld [smem:$0x3FFD];
	_ =	sdelay $0x3  }
0x96: {  	_ =	strace s2  }
0x97: {  	_ =	strace $0x8FFFFFFF  }
0x98: {  	s18 =	sld [smem:$0x3FDB];
	_ =	sdelay $0x1  }
0x99: {  	s19 =	simm.s32 $_scs_section_size  }
0x9a: {  	s4 =	simm.s32 $_size__tile_overlayer_lowered;
	s5 =	simm.s32 $_tile_overlayer_lowered  }
0x9b: {  	s22 =	simm.s32 $0x1BFF;
	s21 =	sshll.u32 s5, $0x1;
	s2 =	sadd.s32 s19, s18  }
0x9c: {  	s6 =	simm.s32 $0x0;
	s20 =	sshll.u32 s4, $0x1;
	s4 =	sadd.s32 s21, s2  }
0x9d: {  	[timem:s6], [sflag:s22] =	dma.local [hbm:s4], s20  }
0x9e: {  	_ =	swait.ge [sflag:s22], s20  }
0x9f: {  	s3 =	ssub.s32 $0x0, s20;
	[sflag:s22] =	ssyncset.done $0x0  }
0xa0: {  	[sflag:s22] =	ssyncadd.s32 s3;
	_ =	sdelay $0x1  }
0xa1: {  	s23 =	simm.s32 $0x1B8B  }
0xa2: {  	_ =	swait.ge [sflag:s23], $0x1  }
0xa3: {  	[sflag:s23] =	ssyncset.done $0x0  }
0xa4: {  	s25 =	simm.s32 $0x1B8E;
	s24 =	sld [smem:$0x3FFE];
	[sflag:s23] =	ssyncadd.s32 $0xFFFFFFFF  }
0xa5: {  	s26 =	simm.s32 $execute0_lowered;
	[smem:$0x3FD2] =	sst s25  }
0xa6: {  	s4 =	sshll.u32 s26, $0x1;
	_ =	strace $0x80000046;
	[dreg:$0x1] =	wrdreg $0xFFFFFFFF  }
0xa7: {  	s28 =	simm.s32 $_size_execute0_lowered;
	s2 =	sadd.s32 s2, s4;
	[dreg:$0x0] =	wrdreg $0x0  }
0xa8: {  	s4 =	sshll.u32 s28, $0x1;
	[dreg:$0x2] =	wrdreg s2  }
0xa9: {  	[dreg:$0x3] =	wrdreg s4  }
0xaa: {  	[dreg:$0x4] =	wrdreg $0xC0  }
0xab: {  	_ =	task [dreg:s6], $0x5FFFF  }
0xac: {  	[dreg:$0x1] =	wrdreg $0xFFFFFFFF  }
0xad: {  	[dreg:$0x0] =	wrdreg $0x60  }
0xae: {  	[dreg:$0x2] =	wrdreg s24  }
0xaf: {  	[dreg:$0x3] =	wrdreg $0x9  }
0xb0: {  	_ =	task.clear_ibuf [dreg:s6], $0x4FFFF;
	_ =	strace $0x90000046  }
0xb1: {  	s29 =	simm.s32 $0x9;
	_ =	strace $0x80000048  }
0xb2: {  	_ =	swait.ge [sflag:s29], $0x1  }
0xb3: {  	[sflag:s29] =	ssyncadd.s32 $0xFFFFFFFF  }
0xb4: {  	_ =	strace $0x90000048  }
0xb5: {  	_ =	sfence  }
0xb6: {  	s30 =	sld [smem:$0x0];
	_ =	sdelay $0x2  }
0xb7: {  	s31 =	sshll.u32 s1, $0xD;
	s1 =	sshrl.u32 s1, $0x2  }
0xb8: {  	s3 =	sand.u32 $0x4000, s31;
	s1 =	sadd.s32 s1, s30  }
0xb9: {  	s0 =	sor.u32 s3, s0;
	s1 =	sshll.u32 s1, $0x11  }
0xba: {  	s0 =	sor.u32 s1, s0  }
0xbb: {  	s0 =	sadd.s32 $0x8F2B, s0  }
0xbc: {  	[sflag:s0] =	ssyncadd.remote.s32 $0x1  }
0xbd: {  	_ =	sfence.sel $0xFFFF  }
0xbe: {  	[dreg:$0x0] =	wrdreg $0xFFFFFFFF;
	(pc) =	sbr.abs _section_cstart, $3  }
0xbf: {  	[dreg:$0x1] =	wrdreg $0xFFFFFFFF  }
0xc0: {  	_ =	task.clear_ibuf [dreg:s6], $0x2FFFF;
	_ =	strace $0x9FFFFFFF  }
0xc1: {  	(tm) =	ssettm $0x7FFFFFFF  }
tec
execute0_lowered:
.L_overlay_start_1:
0x0: {  	(tag) =	ssettag $0x1  }
0x1: {  	s0 =	srdreg.scid  }
0x2: {  	s4 =	rddreg [dreg:$0x0];
	s1 =	stileid.u32;
	s3 =	sand.u32 $0x1, s0  }
0x3: {  	s2 =	simm.s32 $0x0;
	s9 =	simm.s32 $0x7580;
	s5 =	sshll.u32 s3, $0x4  }
0x4: {  	s10 =	simm.s32 $0x9D00;
	s11 =	simm.s32 $0xC480;
	s5 =	sor.u32 s1, s5  }
0x5: {  	s0 =	rddreg [dreg:$0x1];
	s6 =	ssub.s32 $0x2, s3;
	s5 =	smul.u32 $0x4F0, s5  }
0x6: {  	s12 =	simm.s32 $0x0;
	[smem:$0x7FF] =	sst s2;
	s7 =	sshrl.u32 s6, $0x1  }
0x7: {  	_ =	strace $0x80000047;
	s7 =	ssub.s32 s6, s7;
	s8 =	sadd.s32 s5, s4  }
0x8: {  	s3 =	sadd.s32 $0x22A00, s4;
	s7 =	smax.u32 s7, $0x1;
	s4 =	sadd.s32 $0xEE00, s8  }
0x9: {  	s5 =	sadd.s32 $0x18C00, s8;
	s6 =	sadd.s32 $0x23A00, s8;
	s8 =	simm.s32 $0x1  }
.LBB2_1:
0xa: {  	[tilespmem:s2], [sflag:$0x1] =	stream.linear.gather [hbm4b:s3+s2], $0x7580, $0x38;
	[tilespmem:$0xEC00] =	vst v63  }
0xb: {  	_ =	swait.ge [sflag:s8], $0x7580  }
0xc: {  	[sflag:s8] =	ssyncset.done $0x0  }
0xd: {  	[sflag:s8] =	ssyncadd.s32 $0xFFFF8A80  }
0xe: {  	[tilespmem:s9], [sflag:$0x1] =	stream.linear.gather [hbm4b:s4+s2], $0x2780, $0x38;
	[tilespmem:$0xEC00] =	vst v63  }
0xf: {  	_ =	swait.ge [sflag:s8], $0x2780  }
0x10: {  	[sflag:s8] =	ssyncset.done $0x0  }
0x11: {  	[sflag:s8] =	ssyncadd.s32 $0xFFFFD880  }
0x12: {  	[tilespmem:s10], [sflag:$0x1] =	stream.linear.gather [hbm4b:s5+s2], $0x2780, $0x38;
	[tilespmem:$0xEC00] =	vst v63  }
0x13: {  	_ =	swait.ge [sflag:s8], $0x2780  }
0x14: {  	[sflag:s8] =	ssyncset.done $0x0  }
0x15: {  	s13 =	simm.s32 $0x0;
	[sflag:s8] =	ssyncadd.s32 $0xFFFFD880  }
0x16: {  	v0 =	vld [tilespmem:s13+$0x9D00]  }
0x17: {  	v1 =	vld [tilespmem:s13+$0x7580];
	_ =	sdelay $0x3  }
0x18: {  	v2 =	vmul.u32 $0x3, v0  }
0x19: {  	v1 =	vmul.u32 $0x3, v1;
	_ =	sdelay $0x1  }
0x1a: {  	v3 =	vadd.s32 $0x1, v1  }
0x1b: {  	v4 =	vadd.s32 $0x1, v2  }
0x1c: {  	v6 =	vadd.s32 $0x2, v1  }
0x1d: {  	v7 =	vadd.s32 $0x2, v2;
	v0 =	vld.idx.msk [tilespmem:v2+s2+$0x0], $0xffff  }
0x1e: {  	v2 =	vld.idx.msk [tilespmem:v1+s2+$0x0], $0xffff  }
0x1f: {  	v3 =	vld.idx.msk [tilespmem:v3+s2+$0x0], $0xffff  }
0x20: {  	v5 =	vld.idx.msk [tilespmem:v4+s2+$0x0], $0xffff  }
0x21: {  	v1 =	vld.idx.msk [tilespmem:v6+s2+$0x0], $0xffff  }
0x22: {  	s14 =	simm.s32 $0x10;
	v4 =	vld.idx.msk [tilespmem:v7+s2+$0x0], $0xffff  }
0x23: {  	v6 =	vld [tilespmem:s14+$0x9D00]  }
0x24: {  	s15 =	simm.s32 $0x80;
	v7 =	vld [tilespmem:s14+$0x7580]  }
.LBB2_2:
0x25: {  	p0 =	sne.s32 s15, $0x9DC0;
	v0 =	vsub.f32 v2, v0;
	v2 =	vsub.f32 v3, v5;
	_ =	sdelay $0x1  }
0x26: {  	v1 =	vsub.f32 v1, v4;
	v0 =	vmul.f32 v0, v0;
	v2 =	vmul.f32 v2, v2  }
0x27: {  	v3 =	vmul.u32 $0x3, v6  }
0x28: {  	v1 =	vmul.f32 v1, v1;
	v4 =	vmul.u32 $0x3, v7;
	v0 =	vadd.f32 v2, v0;
	_ =	sdelay $0x1  }
0x29: {  	v5 =	vadd.s32 $0x1, v4;
	v0 =	vadd.f32 v1, v0  }
0x2a: {  	v1 =	vadd.s32 $0x1, v3  }
0x2b: {  	v6 =	vadd.s32 $0x2, v4;
	[tilespmem:s13+$0xC480] =	vst v0;
	s13 =	smov.u32 s14  }
0x2c: {  	v7 =	vadd.s32 $0x2, v3;
	v0 =	vld.idx.msk [tilespmem:v3+s2+$0x0], $0xffff  }
0x2d: {  	v2 =	vld.idx.msk [tilespmem:v4+s2+$0x0], $0xffff  }
0x2e: {  	v3 =	vld.idx.msk [tilespmem:v5+s2+$0x0], $0xffff  }
0x2f: {  	v5 =	vld.idx.msk [tilespmem:v1+s2+$0x0], $0xffff  }
.Ltmp0:
0x30: {  	v1 =	vld.idx.msk [tilespmem:v6+s2+$0x0], $0xffff;
	(pc) =	sbr.rel @p0 .LBB2_2-.Ltmp0, $4  }
0x31: {  	v4 =	vld.idx.msk [tilespmem:v7+s2+$0x0], $0xffff  }
0x32: {  	s14 =	sshra.s32 s15, $0x2  }
0x33: {  	v6 =	vld [tilespmem:s14+$0x9D00]  }
0x34: {  	s15 =	sadd.s32 $0x40, s15;
	v7 =	vld [tilespmem:s14+$0x7580]  }
0x35: {  	v0 =	vsub.f32 v2, v0;
	v56 =	vsub.f32 v3, v5;
	_ =	sdelay $0x1  }
0x36: {  	v1 =	vsub.f32 v1, v4;
	v0 =	vmul.f32 v0, v0;
	v2 =	vmul.f32 v56, v56  }
0x37: {  	v57 =	vmul.u32 $0x3, v6  }
0x38: {  	v1 =	vmul.f32 v1, v1;
	v58 =	vmul.u32 $0x3, v7;
	v0 =	vadd.f32 v2, v0;
	_ =	sdelay $0x1  }
0x39: {  	v60 =	vadd.s32 $0x1, v57;
	v0 =	vadd.f32 v1, v0  }
0x3a: {  	v59 =	vadd.s32 $0x1, v58  }
0x3b: {  	v3 =	vadd.s32 $0x2, v57;
	[tilespmem:s13+$0xC480] =	vst v0  }
0x3c: {  	v61 =	vadd.s32 $0x2, v58;
	v0 =	vld.idx.msk [tilespmem:v57+s2+$0x0], $0xffff  }
0x3d: {  	v4 =	vld.idx.msk [tilespmem:v58+s2+$0x0], $0xffff  }
0x3e: {  	v1 =	vld.idx.msk [tilespmem:v60+s2+$0x0], $0xffff  }
0x3f: {  	v2 =	vld.idx.msk [tilespmem:v59+s2+$0x0], $0xffff  }
0x40: {  	v3 =	vld.idx.msk [tilespmem:v3+s2+$0x0], $0xffff  }
0x41: {  	v5 =	vld.idx.msk [tilespmem:v61+s2+$0x0], $0xffff;
	_ =	sdelay $0x2  }
0x42: {  	v0 =	vsub.f32 v4, v0;
	v1 =	vsub.f32 v2, v1;
	_ =	sdelay $0x1  }
0x43: {  	v62 =	vsub.f32 v5, v3;
	v0 =	vmul.f32 v0, v0;
	v1 =	vmul.f32 v1, v1;
	_ =	sdelay $0x1  }
0x44: {  	v63 =	vmul.f32 v62, v62;
	v0 =	vadd.f32 v1, v0;
	_ =	sdelay $0x1  }
0x45: {  	s12 =	sadd.s32 $0x1, s12;
	v0 =	vadd.f32 v63, v0  }
0x46: {  	p0 =	sne.s32 s12, s7  }
.Ltmp1:
0x47: {  	[tilespmem:s14+$0xC480] =	vst v0;
	(pc) =	sbr.rel @p0 .LBB2_1-.Ltmp1, $4  }
0x48: {  	[hbm4b:s6+s2] =	stream.linear.scatter [tilespmem:s11], [sflag:$0x1], $0x2780, $0x38;
	[tilespmem:$0xEC00] =	vst v63  }
0x49: {  	_ =	swait.ge [sflag:s8], $0x2780  }
0x4a: {  	[sflag:s8] =	ssyncset.done $0x0  }
0x4b: {  	[sflag:s8] =	ssyncadd.s32 $0xFFFFD880  }
0x4c: {  	_ =	sfence.sel $0x180000  }
0x4d: {  	[bflag:$0x0] =	sbarrier.arrive $0xFFFF  }
0x4e: {  	p0 =	sne.s32 s1, $0x0;
	_ =	strace $0x90000047  }
0x4f: {  	s0 =	sadd.s32 @!p0 $0x100000, s0;
	[bflag:$0x2] =	sbarrier.arrive $0xFFFF  }
0x50: {  	[sflag:s0] =	ssyncadd.tile.s32 @!p0 $0x1;
	_ =	shalt  }
.Lfunc_end2:
_tile_overlayer_lowered:
.L_overlay_start_2:
0x51: {  	(tag) =	ssettag $0x2  }
0x52: {  	s0 =	rddreg [dreg:$0x0];
	s2 =	stileid.u32  }
0x53: {  	s1 =	rddreg [dreg:$0x1];
	p0 =	sne.s32 s2, $0x0  }
0x54: {  	s3 =	rddreg [dreg:$0x2];
	[bflag:$0x3] =	sbarrier.arrive $0xFFFF;
	s2 =	simm.s32 @!p0 $0x1C01  }
0x55: {  	[timem:s3], [sflag:s2] =	dma.local @!p0 [hbm:s0], s1  }
0x56: {  	s0 =	simm.s32 @!p0 $0x1  }
0x57: {  	_ =	swait.ge @!p0 [sflag:s0], s1  }
0x58: {  	s1 =	ssub.s32 @!p0 $0x0, s1;
	[sflag:s0] =	ssyncset.done @!p0 $0x0  }
0x59: {  	[sflag:s0] =	ssyncadd.s32 @!p0 s1  }
0x5a: {  	[bflag:$0x3] =	sbarrier.arrive $0xFFFF  }
0x5b: {  	_ =	shalt  }

</sc_bundles>
